<compile_context>
chip_gen: v7x
topology: tpu7x:2x2x1
jax: 0.10.2.dev20260603
libtpu: 0.0.44.dev20260713+nightly
codegen_flags: <defaults>
</compile_context>

<pallas_src>
import jax
import jax.numpy as jnp
from jax import lax
from jax.experimental import pallas as pl
from jax.experimental.pallas import tpu as pltpu
from jax.experimental.pallas import tpu_sc as plsc

N_NODES = 10000
N_PAD = 10240
N_EDGES = 320000
C_IN = 128
CH = C_IN // 2
NC, NS, L = 2, 16, 16
E_TILE = N_EDGES // NS
K = 80
STEPS = E_TILE // K
NBUF = 4
CHUNK = 80
NCHUNK = N_NODES // CHUNK
RBLK = 1000
CBLK = 1024
PSHIFT = 14


def _prep_body(x_ref, w_ref, att_ref, h_ref, s_ref):
    h = lax.dot_general(x_ref[...], w_ref[...], (((1,), (1,)), ((), ())),
                        preferred_element_type=jnp.float32)
    h_ref[0] = h[:, :CH]
    h_ref[1] = h[:, CH:]
    s_ref[...] = lax.dot_general(h, att_ref[...], (((1,), (1,)), ((), ())),
                                 preferred_element_type=jnp.float32)


def _edge_body(hflat, sN, pk3d, acc_out, den_out,
               s_v, pk_v,
               rb0, rb1, rb2, rb3, cb0, cb1, cb2, cb3,
               av0, av1, av2, av3, den_v,
               gb0, gb1, gb2, gb3, accS,
               gs0, gs1, gs2, gs3, ss0, ss1, ss2, ss3):
    rowbufs = [rb0, rb1, rb2, rb3]
    colbufs = [cb0, cb1, cb2, cb3]
    alpha_vs = [av0, av1, av2, av3]
    gbufs = [gb0, gb1, gb2, gb3]
    gsems = [gs0, gs1, gs2, gs3]
    ssems = [ss0, ss1, ss2, ss3]

    c = lax.axis_index("c")
    s = lax.axis_index("s")

    pltpu.sync_copy(pk3d.at[s], pk_v)
    pltpu.sync_copy(sN, s_v)

    def drow(r, _):
        den_v[pl.ds(r * L, L)] = jnp.zeros((L,), jnp.float32)
        return 0
    lax.fori_loop(0, N_NODES // L, drow, 0)

    def zrow(r, _):
        for v in range(CH // L):
            gb0[r, pl.ds(v * L, L)] = jnp.zeros((L,), jnp.float32)
        return 0
    lax.fori_loop(0, CHUNK, zrow, 0)
    for i in range((NCHUNK + NS - 1) // NS):
        cid = i * NS + s

        @pl.when(cid < NCHUNK)
        def _():
            pltpu.sync_copy(gb0, accS.at[pl.ds(cid * CHUNK, CHUNK)])
    plsc.subcore_barrier()

    hoff = c * N_NODES

    def prep(j, b):
        for k in range(K // L):
            pk = pk_v[j, pl.ds(k * L, L)]
            rv = lax.shift_right_logical(pk, PSHIFT)
            cv = lax.bitwise_and(pk, (1 << PSHIFT) - 1)
            rowbufs[b][pl.ds(k * L, L)] = rv + hoff
            colbufs[b][pl.ds(k * L, L)] = cv
            t = (plsc.load_gather(s_v, [rv * 2])
                 + plsc.load_gather(s_v, [cv * 2 + 1]))
            t = jnp.maximum(t, t * 0.2)
            a = jnp.exp(t)
            alpha_vs[b][pl.ds(k * L, L)] = a
            plsc.addupdate_scatter(den_v, [cv], a)
        pltpu.async_copy(hflat.at[rowbufs[b]], gbufs[b], gsems[b])

    def wait_scatter(b):
        pltpu.make_async_copy(gbufs[b], accS.at[colbufs[b]],
                              ssems[b]).wait()

    def consume(j, b):
        pltpu.make_async_copy(hflat.at[rowbufs[b]], gbufs[b],
                              gsems[b]).wait()
        gb = gbufs[b]
        av = alpha_vs[b]

        def srow(r, _):
            a = av[pl.ds(r, L)][0]
            for v in range(CH // L):
                sl = pl.ds(v * L, L)
                gb[r, sl] = gb[r, sl] * a
            return 0
        lax.fori_loop(0, K, srow, 0)
        pltpu.async_copy(gbufs[b], accS.at[colbufs[b]], ssems[b],
                         add=True)

    prep(0, 0)

    def quad(i, _):
        for b in range(NBUF):
            j = NBUF * i + b
            nb = (b + 1) % NBUF

            @pl.when(jnp.logical_and(j + 1 < STEPS, j >= NBUF - 1))
            def _():
                wait_scatter(nb)

            @pl.when(j + 1 < STEPS)
            def _():
                prep(j + 1, nb)

            @pl.when(j < STEPS)
            def _():
                consume(j, b)
        return 0

    lax.fori_loop(0, (STEPS + NBUF - 1) // NBUF, quad, 0)
    for jt in range(STEPS - NBUF, STEPS):
        wait_scatter(jt % NBUF)

    @pl.when(c == 0)
    def _():
        pltpu.sync_copy(den_v, den_out.at[s, pl.ds(0, N_NODES)])
    plsc.subcore_barrier()
    for i in range((NCHUNK + NS - 1) // NS):
        cid = i * NS + s

        @pl.when(cid < NCHUNK)
        def _():
            pltpu.sync_copy(accS.at[pl.ds(cid * CHUNK, CHUNK)],
                            acc_out.at[c, pl.ds(cid * CHUNK, CHUNK)])


def _combine_body(a0_ref, a1_ref, den_ref, o_ref):
    den = jnp.sum(den_ref[...], axis=0) + 1e-16
    o_ref[...] = jnp.concatenate([a0_ref[...], a1_ref[...]],
                                 axis=1) / den[:, None]


def kernel(x, edge_index, W, att):
    x = x.astype(jnp.float32)
    ei = edge_index.astype(jnp.int32)
    packed = (ei[0] * (1 << PSHIFT) + ei[1]).reshape(NS, STEPS, K)
    att_r = att.reshape(2, C_IN)

    hsplit, sN = pl.pallas_call(
        _prep_body,
        grid=(N_NODES // RBLK,),
        in_specs=[
            pl.BlockSpec((RBLK, C_IN), lambda i: (i, 0)),
            pl.BlockSpec((C_IN, C_IN), lambda i: (0, 0)),
            pl.BlockSpec((2, C_IN), lambda i: (0, 0)),
        ],
        out_specs=[
            pl.BlockSpec((2, RBLK, CH), lambda i: (0, i, 0)),
            pl.BlockSpec((RBLK, 2), lambda i: (i, 0)),
        ],
        out_shape=[
            jax.ShapeDtypeStruct((2, N_NODES, CH), jnp.float32),
            jax.ShapeDtypeStruct((N_NODES, 2), jnp.float32),
        ],
    )(x, W, att_r)

    mesh = plsc.VectorSubcoreMesh(core_axis_name="c", subcore_axis_name="s",
                                  num_cores=NC, num_subcores=NS)
    acc, den = pl.kernel(
        _edge_body,
        out_type=[
            jax.ShapeDtypeStruct((NC, N_PAD, CH), jnp.float32),
            jax.ShapeDtypeStruct((NS, N_PAD), jnp.float32),
        ],
        mesh=mesh,
        compiler_params=pltpu.CompilerParams(needs_layout_passes=False,
                                             use_tc_tiling_on_sc=False),
        scratch_types=[
            pltpu.VMEM((2 * N_NODES,), jnp.float32),
            pltpu.VMEM((STEPS, K), jnp.int32),
            *([pltpu.VMEM((K,), jnp.int32)] * (2 * NBUF)),
            *([pltpu.VMEM((K + L,), jnp.float32)] * NBUF),
            pltpu.VMEM((N_NODES,), jnp.float32),
            *([pltpu.VMEM((K, CH), jnp.float32)] * NBUF),
            pltpu.VMEM_SHARED((N_NODES, CH), jnp.float32),
            *([pltpu.SemaphoreType.DMA] * (2 * NBUF)),
        ],
    )(hsplit.reshape(2 * N_NODES, CH), sN.reshape(2 * N_NODES), packed)

    out = pl.pallas_call(
        _combine_body,
        grid=(N_PAD // CBLK,),
        in_specs=[
            pl.BlockSpec((CBLK, CH), lambda i: (i, 0)),
            pl.BlockSpec((CBLK, CH), lambda i: (i, 0)),
            pl.BlockSpec((NS, CBLK), lambda i: (0, i)),
        ],
        out_specs=pl.BlockSpec((CBLK, C_IN), lambda i: (i, 0)),
        out_shape=jax.ShapeDtypeStruct((N_PAD, C_IN), jnp.float32),
    )(acc[0], acc[1], den)
    return out[:N_NODES]

# --- scband reference (transcript-rebuilt; emitter-appended) ---
"""Pipeline reference for scband-hypergraph-attn-conv-11922829213806 (READ-ONLY COPY).

The authoritative reference and input builder live on the scoring server;
editing this copy changes nothing except your own understanding.
"""

import jax, jax.numpy as jnp
import numpy as np

N_NODES = 10000
N_EDGES = 320000
IN_CH = 128
OUT_CH = 128


def setup_inputs(seed: int = 0) -> dict:
    key = jax.random.key(seed)
    k1, k2, k3, k4 = jax.random.split(key, 4)
    x = jax.random.normal(k1, (N_NODES, IN_CH), dtype=jnp.float32)
    edge_index = jax.random.randint(k2, (2, N_EDGES), 0, N_NODES, dtype=jnp.int64)
    # Linear weight (torch nn.Linear: W has shape [out, in]), xavier-uniform-like init
    limit_w = float(np.sqrt(6.0 / (IN_CH + OUT_CH)))
    W = jax.random.uniform(k3, (OUT_CH, IN_CH), minval=-limit_w, maxval=limit_w, dtype=jnp.float32)
    # att parameter shape [1, 2*out]
    limit_a = float(np.sqrt(6.0 / (1 + 2 * OUT_CH)))
    att = jax.random.uniform(k4, (1, 2 * OUT_CH), minval=-limit_a, maxval=limit_a, dtype=jnp.float32)
    return {"x": x, "edge_index": edge_index, "W": W, "att": att}


def reference(x, edge_index, W, att):
    h = x @ W.T
    row = edge_index[0]
    col = edge_index[1]
    a_input = jnp.concatenate([h[row], h[col]], axis=-1)
    alpha = jax.nn.leaky_relu((a_input * att).sum(axis=-1), negative_slope=0.2)
    alpha = jnp.exp(alpha)
    denom = jnp.zeros((h.shape[0],), dtype=h.dtype).at[col].add(alpha)
    alpha = alpha / (denom[col] + 1e-16)
    out = jnp.zeros_like(h).at[col].add(alpha[:, None] * h[row])
    return out

if __name__ == "__main__":
    import jax
    _d = setup_inputs()
    print(jax.jit(kernel)(*tuple(_d.values())))

</pallas_src>

<mosaic_0001>
#map = affine_map<(d0, d1) -> (0, 0)>
#map1 = affine_map<(d0, d1) -> (0)>
#map2 = affine_map<(d0, d1) -> (0, 0, 0)>
module attributes {stable_mosaic.version = 14 : i64} {
  func.func @_edge_body(%arg0: i32, %arg1: i32, %arg2: memref<20000x64xf32, #tpu.memory_space<hbm>>, %arg3: memref<20000xf32, #tpu.memory_space<hbm>>, %arg4: memref<16x250x80xi32, #tpu.memory_space<hbm>>, %arg5: memref<2x10240x64xf32, #tpu.memory_space<hbm>>, %arg6: memref<16x10240xf32, #tpu.memory_space<hbm>>, %arg7: memref<20000xf32, #tpu.memory_space<vmem>>, %arg8: memref<250x80xi32, #tpu.memory_space<vmem>>, %arg9: memref<80xi32, #tpu.memory_space<vmem>>, %arg10: memref<80xi32, #tpu.memory_space<vmem>>, %arg11: memref<80xi32, #tpu.memory_space<vmem>>, %arg12: memref<80xi32, #tpu.memory_space<vmem>>, %arg13: memref<80xi32, #tpu.memory_space<vmem>>, %arg14: memref<80xi32, #tpu.memory_space<vmem>>, %arg15: memref<80xi32, #tpu.memory_space<vmem>>, %arg16: memref<80xi32, #tpu.memory_space<vmem>>, %arg17: memref<96xf32, #tpu.memory_space<vmem>>, %arg18: memref<96xf32, #tpu.memory_space<vmem>>, %arg19: memref<96xf32, #tpu.memory_space<vmem>>, %arg20: memref<96xf32, #tpu.memory_space<vmem>>, %arg21: memref<10000xf32, #tpu.memory_space<vmem>>, %arg22: memref<80x64xf32, #tpu.memory_space<vmem>>, %arg23: memref<80x64xf32, #tpu.memory_space<vmem>>, %arg24: memref<80x64xf32, #tpu.memory_space<vmem>>, %arg25: memref<80x64xf32, #tpu.memory_space<vmem>>, %arg26: memref<10000x64xf32, #tpu.memory_space<vmem_shared>>, %arg27: memref<!tpu.dma_semaphore, #tpu.memory_space<semaphore_mem>>, %arg28: memref<!tpu.dma_semaphore, #tpu.memory_space<semaphore_mem>>, %arg29: memref<!tpu.dma_semaphore, #tpu.memory_space<semaphore_mem>>, %arg30: memref<!tpu.dma_semaphore, #tpu.memory_space<semaphore_mem>>, %arg31: memref<!tpu.dma_semaphore, #tpu.memory_space<semaphore_mem>>, %arg32: memref<!tpu.dma_semaphore, #tpu.memory_space<semaphore_mem>>, %arg33: memref<!tpu.dma_semaphore, #tpu.memory_space<semaphore_mem>>, %arg34: memref<!tpu.dma_semaphore, #tpu.memory_space<semaphore_mem>>) attributes {dimension_semantics = [#tpu.dimension_semantics<core_parallel>, #tpu.dimension_semantics<subcore_parallel>], iteration_bounds = array<i64: 2, 16>, scalar_prefetch = 0 : i64, scratch_operands = 28 : i64, tpu.core_type = #tpu.core_type<sc_vector_subcore>, window_params = [{transform_indices = #map}, {transform_indices = #map1}, {transform_indices = #map2}, {transform_indices = #map2}, {transform_indices = #map}]} {
    "tpu.region"() ({
      %run_scoped3A = tpu.sem_alloc : memref<!tpu.dma_semaphore, #tpu.memory_space<semaphore_mem>>
      %dma_start3A_315 = arith.constant 0 : i32
      %dma_start3A_316 = arith.constant 0 : i32
      %dma_start3A_317 = tpu.memref_slice %arg4[%arg1, %dma_start3A_315, %dma_start3A_316] : memref<16x250x80xi32, #tpu.memory_space<hbm>> -> memref<1x250x80xi32, #tpu.memory_space<hbm>>
      %dma_start3A_318 = tpu.memref_squeeze %dma_start3A_317 : memref<1x250x80xi32, #tpu.memory_space<hbm>> -> memref<250x80xi32, #tpu.memory_space<hbm>>
      %dma_start3A_319 = arith.constant 0 : i32
      %dma_start3A_320 = arith.constant 0 : i32
      %dma_start3A_321 = tpu.memref_slice %arg4[%arg1, %dma_start3A_319, %dma_start3A_320] : memref<16x250x80xi32, #tpu.memory_space<hbm>> -> memref<1x250x80xi32, #tpu.memory_space<hbm>>
      %dma_start3A_322 = tpu.memref_squeeze %dma_start3A_321 : memref<1x250x80xi32, #tpu.memory_space<hbm>> -> memref<250x80xi32, #tpu.memory_space<hbm>>
      tpu.enqueue_dma source(%dma_start3A_322 : memref<250x80xi32, #tpu.memory_space<hbm>>) target(%arg8 : memref<250x80xi32, #tpu.memory_space<vmem>>) target_semaphore(%run_scoped3A : memref<!tpu.dma_semaphore, #tpu.memory_space<semaphore_mem>>)
      %dma_wait3A_323 = arith.constant 0 : i32
      %dma_wait3A_324 = arith.constant 0 : i32
      %dma_wait3A_325 = tpu.memref_slice %arg4[%arg1, %dma_wait3A_323, %dma_wait3A_324] : memref<16x250x80xi32, #tpu.memory_space<hbm>> -> memref<1x250x80xi32, #tpu.memory_space<hbm>>
      %dma_wait3A_326 = tpu.memref_squeeze %dma_wait3A_325 : memref<1x250x80xi32, #tpu.memory_space<hbm>> -> memref<250x80xi32, #tpu.memory_space<hbm>>
      %dma_wait3A_327 = arith.constant 0 : i32
      %dma_wait3A_328 = arith.constant 0 : i32
      %dma_wait3A_329 = tpu.memref_slice %arg4[%arg1, %dma_wait3A_327, %dma_wait3A_328] : memref<16x250x80xi32, #tpu.memory_space<hbm>> -> memref<1x250x80xi32, #tpu.memory_space<hbm>>
      %dma_wait3A_330 = tpu.memref_squeeze %dma_wait3A_329 : memref<1x250x80xi32, #tpu.memory_space<hbm>> -> memref<250x80xi32, #tpu.memory_space<hbm>>
      tpu.wait_dma2 semaphore(%run_scoped3A : memref<!tpu.dma_semaphore, #tpu.memory_space<semaphore_mem>>) src(%dma_wait3A_330 : memref<250x80xi32, #tpu.memory_space<hbm>>) dst(%arg8 : memref<250x80xi32, #tpu.memory_space<vmem>>)
      tpu.yield
    }) : () -> ()
    "tpu.region"() ({
      %run_scoped3A = tpu.sem_alloc : memref<!tpu.dma_semaphore, #tpu.memory_space<semaphore_mem>>
      tpu.enqueue_dma source(%arg3 : memref<20000xf32, #tpu.memory_space<hbm>>) target(%arg7 : memref<20000xf32, #tpu.memory_space<vmem>>) target_semaphore(%run_scoped3A : memref<!tpu.dma_semaphore, #tpu.memory_space<semaphore_mem>>)
      tpu.wait_dma2 semaphore(%run_scoped3A : memref<!tpu.dma_semaphore, #tpu.memory_space<semaphore_mem>>) src(%arg3 : memref<20000xf32, #tpu.memory_space<hbm>>) dst(%arg7 : memref<20000xf32, #tpu.memory_space<vmem>>)
      tpu.yield
    }) : () -> ()
    %scan3A = arith.constant 0 : i32
    %scan3A_0 = arith.constant 0 : i32
    %scan3A_1 = arith.constant 625 : i32
    %scan3A_2 = arith.addi %scan3A_0, %scan3A_1 : i32
    %scan3A_3 = arith.constant 1 : i32
    %scan3A_4 = scf.for %scan3A_315 = %scan3A_0 to %scan3A_2 step %scan3A_3 iter_args(%scan3A_316 = %scan3A) -> (i32)  : i32 {
      %broadcast_in_dim3A = arith.constant 0.000000e+00 : f32
      %broadcast_in_dim3A_317 = vector.broadcast %broadcast_in_dim3A : f32 to vector<16xf32>
      %mul3A_318 = arith.constant 16 : i32
      %mul3A_319 = arith.muli %scan3A_315, %mul3A_318 : i32
      %swap3A_320 = arith.index_cast %mul3A_319 : i32 to index
      %swap3A_321 = tpu.vector_load %arg21[%swap3A_320] {strides = array<i32>} : memref<10000xf32, #tpu.memory_space<vmem>>, vector<16xf32>,
      tpu.vector_store %arg21[%swap3A_320], %broadcast_in_dim3A_317 {strides = array<i32>} : memref<10000xf32, #tpu.memory_space<vmem>>, vector<16xf32>,
      %scan3A_322 = arith.constant 0 : i32
      scf.yield %scan3A_322 : i32
    }
    %scan3A_5 = arith.constant 625 : i32
    %scan3A_6 = arith.constant 0 : i32
    %scan3A_7 = arith.constant 0 : i32
    %scan3A_8 = arith.constant 80 : i32
    %scan3A_9 = arith.addi %scan3A_7, %scan3A_8 : i32
    %scan3A_10 = arith.constant 1 : i32
    %scan3A_11 = scf.for %scan3A_315 = %scan3A_7 to %scan3A_9 step %scan3A_10 iter_args(%scan3A_316 = %scan3A_6) -> (i32)  : i32 {
      %broadcast_in_dim3A = arith.constant 0.000000e+00 : f32
      %broadcast_in_dim3A_317 = vector.broadcast %broadcast_in_dim3A : f32 to vector<16xf32>
      %swap3A_318 = arith.index_cast %scan3A_315 : i32 to index
      %swap3A_319 = arith.constant 0 : index
      %swap3A_320 = tpu.vector_load %arg22[%swap3A_318, %swap3A_319] {strides = array<i32>} : memref<80x64xf32, #tpu.memory_space<vmem>>, vector<16xf32>,
      tpu.vector_store %arg22[%swap3A_318, %swap3A_319], %broadcast_in_dim3A_317 {strides = array<i32>} : memref<80x64xf32, #tpu.memory_space<vmem>>, vector<16xf32>,
      %broadcast_in_dim3A_321 = arith.constant 0.000000e+00 : f32
      %broadcast_in_dim3A_322 = vector.broadcast %broadcast_in_dim3A_321 : f32 to vector<16xf32>
      %swap3A_323 = arith.index_cast %scan3A_315 : i32 to index
      %swap3A_324 = arith.constant 16 : index
      %swap3A_325 = tpu.vector_load %arg22[%swap3A_323, %swap3A_324] {strides = array<i32>} : memref<80x64xf32, #tpu.memory_space<vmem>>, vector<16xf32>,
      tpu.vector_store %arg22[%swap3A_323, %swap3A_324], %broadcast_in_dim3A_322 {strides = array<i32>} : memref<80x64xf32, #tpu.memory_space<vmem>>, vector<16xf32>,
      %broadcast_in_dim3A_326 = arith.constant 0.000000e+00 : f32
      %broadcast_in_dim3A_327 = vector.broadcast %broadcast_in_dim3A_326 : f32 to vector<16xf32>
      %swap3A_328 = arith.index_cast %scan3A_315 : i32 to index
      %swap3A_329 = arith.constant 32 : index
      %swap3A_330 = tpu.vector_load %arg22[%swap3A_328, %swap3A_329] {strides = array<i32>} : memref<80x64xf32, #tpu.memory_space<vmem>>, vector<16xf32>,
      tpu.vector_store %arg22[%swap3A_328, %swap3A_329], %broadcast_in_dim3A_327 {strides = array<i32>} : memref<80x64xf32, #tpu.memory_space<vmem>>, vector<16xf32>,
      %broadcast_in_dim3A_331 = arith.constant 0.000000e+00 : f32
      %broadcast_in_dim3A_332 = vector.broadcast %broadcast_in_dim3A_331 : f32 to vector<16xf32>
      %swap3A_333 = arith.index_cast %scan3A_315 : i32 to index
      %swap3A_334 = arith.constant 48 : index
      %swap3A_335 = tpu.vector_load %arg22[%swap3A_333, %swap3A_334] {strides = array<i32>} : memref<80x64xf32, #tpu.memory_space<vmem>>, vector<16xf32>,
      tpu.vector_store %arg22[%swap3A_333, %swap3A_334], %broadcast_in_dim3A_332 {strides = array<i32>} : memref<80x64xf32, #tpu.memory_space<vmem>>, vector<16xf32>,
      %scan3A_336 = arith.constant 0 : i32
      scf.yield %scan3A_336 : i32
    }
    %scan3A_12 = arith.constant 80 : i32
    %add3A = arith.constant 0 : i32
    %add3A_13 = arith.addi %add3A, %arg1 : i32
    %lt3A = arith.constant 125 : i32
    %lt3A_14 = arith.cmpi slt, %add3A_13, %lt3A : i32
    %convert_element_type3A = arith.extui %lt3A_14 : i1 to i32
    %cond3A = arith.constant 0 : i32
    %cond3A_15 = arith.cmpi ne, %convert_element_type3A, %cond3A : i32
    scf.if %cond3A_15 {
      %mul3A_315 = arith.constant 80 : i32
      %mul3A_316 = arith.muli %add3A_13, %mul3A_315 : i32
      "tpu.region"() ({
        %run_scoped3A = tpu.sem_alloc : memref<!tpu.dma_semaphore, #tpu.memory_space<semaphore_mem>>
        %dma_start3A_317 = arith.constant 0 : i32
        %dma_start3A_318 = tpu.memref_slice %arg26[%mul3A_316, %dma_start3A_317] : memref<10000x64xf32, #tpu.memory_space<vmem_shared>> -> memref<80x64xf32, #tpu.memory_space<vmem_shared>>
        %dma_start3A_319 = arith.constant 0 : i32
        %dma_start3A_320 = tpu.memref_slice %arg26[%mul3A_316, %dma_start3A_319] : memref<10000x64xf32, #tpu.memory_space<vmem_shared>> -> memref<80x64xf32, #tpu.memory_space<vmem_shared>>
        tpu.enqueue_dma source(%arg22 : memref<80x64xf32, #tpu.memory_space<vmem>>) target(%dma_start3A_320 : memref<80x64xf32, #tpu.memory_space<vmem_shared>>) target_semaphore(%run_scoped3A : memref<!tpu.dma_semaphore, #tpu.memory_space<semaphore_mem>>)
        %dma_wait3A_321 = arith.constant 0 : i32
        %dma_wait3A_322 = tpu.memref_slice %arg26[%mul3A_316, %dma_wait3A_321] : memref<10000x64xf32, #tpu.memory_space<vmem_shared>> -> memref<80x64xf32, #tpu.memory_space<vmem_shared>>
        %dma_wait3A_323 = arith.constant 0 : i32
        %dma_wait3A_324 = tpu.memref_slice %arg26[%mul3A_316, %dma_wait3A_323] : memref<10000x64xf32, #tpu.memory_space<vmem_shared>> -> memref<80x64xf32, #tpu.memory_space<vmem_shared>>
        tpu.wait_dma2 semaphore(%run_scoped3A : memref<!tpu.dma_semaphore, #tpu.memory_space<semaphore_mem>>) src(%arg22 : memref<80x64xf32, #tpu.memory_space<vmem>>) dst(%dma_wait3A_324 : memref<80x64xf32, #tpu.memory_space<vmem_shared>>)
        tpu.yield
      }) : () -> ()
    } else {
    }
    %add3A_16 = arith.constant 16 : i32
    %add3A_17 = arith.addi %add3A_16, %arg1 : i32
    %lt3A_18 = arith.constant 125 : i32
    %lt3A_19 = arith.cmpi slt, %add3A_17, %lt3A_18 : i32
    %convert_element_type3A_20 = arith.extui %lt3A_19 : i1 to i32
    %cond3A_21 = arith.constant 0 : i32
    %cond3A_22 = arith.cmpi ne, %convert_element_type3A_20, %cond3A_21 : i32
    scf.if %cond3A_22 {
      %mul3A_315 = arith.constant 80 : i32
      %mul3A_316 = arith.muli %add3A_17, %mul3A_315 : i32
      "tpu.region"() ({
        %run_scoped3A = tpu.sem_alloc : memref<!tpu.dma_semaphore, #tpu.memory_space<semaphore_mem>>
        %dma_start3A_317 = arith.constant 0 : i32
        %dma_start3A_318 = tpu.memref_slice %arg26[%mul3A_316, %dma_start3A_317] : memref<10000x64xf32, #tpu.memory_space<vmem_shared>> -> memref<80x64xf32, #tpu.memory_space<vmem_shared>>
        %dma_start3A_319 = arith.constant 0 : i32
        %dma_start3A_320 = tpu.memref_slice %arg26[%mul3A_316, %dma_start3A_319] : memref<10000x64xf32, #tpu.memory_space<vmem_shared>> -> memref<80x64xf32, #tpu.memory_space<vmem_shared>>
        tpu.enqueue_dma source(%arg22 : memref<80x64xf32, #tpu.memory_space<vmem>>) target(%dma_start3A_320 : memref<80x64xf32, #tpu.memory_space<vmem_shared>>) target_semaphore(%run_scoped3A : memref<!tpu.dma_semaphore, #tpu.memory_space<semaphore_mem>>)
        %dma_wait3A_321 = arith.constant 0 : i32
        %dma_wait3A_322 = tpu.memref_slice %arg26[%mul3A_316, %dma_wait3A_321] : memref<10000x64xf32, #tpu.memory_space<vmem_shared>> -> memref<80x64xf32, #tpu.memory_space<vmem_shared>>
        %dma_wait3A_323 = arith.constant 0 : i32
        %dma_wait3A_324 = tpu.memref_slice %arg26[%mul3A_316, %dma_wait3A_323] : memref<10000x64xf32, #tpu.memory_space<vmem_shared>> -> memref<80x64xf32, #tpu.memory_space<vmem_shared>>
        tpu.wait_dma2 semaphore(%run_scoped3A : memref<!tpu.dma_semaphore, #tpu.memory_space<semaphore_mem>>) src(%arg22 : memref<80x64xf32, #tpu.memory_space<vmem>>) dst(%dma_wait3A_324 : memref<80x64xf32, #tpu.memory_space<vmem_shared>>)
        tpu.yield
      }) : () -> ()
    } else {
    }
    %add3A_23 = arith.constant 32 : i32
    %add3A_24 = arith.addi %add3A_23, %arg1 : i32
    %lt3A_25 = arith.constant 125 : i32
    %lt3A_26 = arith.cmpi slt, %add3A_24, %lt3A_25 : i32
    %convert_element_type3A_27 = arith.extui %lt3A_26 : i1 to i32
    %cond3A_28 = arith.constant 0 : i32
    %cond3A_29 = arith.cmpi ne, %convert_element_type3A_27, %cond3A_28 : i32
    scf.if %cond3A_29 {
      %mul3A_315 = arith.constant 80 : i32
      %mul3A_316 = arith.muli %add3A_24, %mul3A_315 : i32
      "tpu.region"() ({
        %run_scoped3A = tpu.sem_alloc : memref<!tpu.dma_semaphore, #tpu.memory_space<semaphore_mem>>
        %dma_start3A_317 = arith.constant 0 : i32
        %dma_start3A_318 = tpu.memref_slice %arg26[%mul3A_316, %dma_start3A_317] : memref<10000x64xf32, #tpu.memory_space<vmem_shared>> -> memref<80x64xf32, #tpu.memory_space<vmem_shared>>
        %dma_start3A_319 = arith.constant 0 : i32
        %dma_start3A_320 = tpu.memref_slice %arg26[%mul3A_316, %dma_start3A_319] : memref<10000x64xf32, #tpu.memory_space<vmem_shared>> -> memref<80x64xf32, #tpu.memory_space<vmem_shared>>
        tpu.enqueue_dma source(%arg22 : memref<80x64xf32, #tpu.memory_space<vmem>>) target(%dma_start3A_320 : memref<80x64xf32, #tpu.memory_space<vmem_shared>>) target_semaphore(%run_scoped3A : memref<!tpu.dma_semaphore, #tpu.memory_space<semaphore_mem>>)
        %dma_wait3A_321 = arith.constant 0 : i32
        %dma_wait3A_322 = tpu.memref_slice %arg26[%mul3A_316, %dma_wait3A_321] : memref<10000x64xf32, #tpu.memory_space<vmem_shared>> -> memref<80x64xf32, #tpu.memory_space<vmem_shared>>
        %dma_wait3A_323 = arith.constant 0 : i32
        %dma_wait3A_324 = tpu.memref_slice %arg26[%mul3A_316, %dma_wait3A_323] : memref<10000x64xf32, #tpu.memory_space<vmem_shared>> -> memref<80x64xf32, #tpu.memory_space<vmem_shared>>
        tpu.wait_dma2 semaphore(%run_scoped3A : memref<!tpu.dma_semaphore, #tpu.memory_space<semaphore_mem>>) src(%arg22 : memref<80x64xf32, #tpu.memory_space<vmem>>) dst(%dma_wait3A_324 : memref<80x64xf32, #tpu.memory_space<vmem_shared>>)
        tpu.yield
      }) : () -> ()
    } else {
    }
    %add3A_30 = arith.constant 48 : i32
    %add3A_31 = arith.addi %add3A_30, %arg1 : i32
    %lt3A_32 = arith.constant 125 : i32
    %lt3A_33 = arith.cmpi slt, %add3A_31, %lt3A_32 : i32
    %convert_element_type3A_34 = arith.extui %lt3A_33 : i1 to i32
    %cond3A_35 = arith.constant 0 : i32
    %cond3A_36 = arith.cmpi ne, %convert_element_type3A_34, %cond3A_35 : i32
    scf.if %cond3A_36 {
      %mul3A_315 = arith.constant 80 : i32
      %mul3A_316 = arith.muli %add3A_31, %mul3A_315 : i32
      "tpu.region"() ({
        %run_scoped3A = tpu.sem_alloc : memref<!tpu.dma_semaphore, #tpu.memory_space<semaphore_mem>>
        %dma_start3A_317 = arith.constant 0 : i32
        %dma_start3A_318 = tpu.memref_slice %arg26[%mul3A_316, %dma_start3A_317] : memref<10000x64xf32, #tpu.memory_space<vmem_shared>> -> memref<80x64xf32, #tpu.memory_space<vmem_shared>>
        %dma_start3A_319 = arith.constant 0 : i32
        %dma_start3A_320 = tpu.memref_slice %arg26[%mul3A_316, %dma_start3A_319] : memref<10000x64xf32, #tpu.memory_space<vmem_shared>> -> memref<80x64xf32, #tpu.memory_space<vmem_shared>>
        tpu.enqueue_dma source(%arg22 : memref<80x64xf32, #tpu.memory_space<vmem>>) target(%dma_start3A_320 : memref<80x64xf32, #tpu.memory_space<vmem_shared>>) target_semaphore(%run_scoped3A : memref<!tpu.dma_semaphore, #tpu.memory_space<semaphore_mem>>)
        %dma_wait3A_321 = arith.constant 0 : i32
        %dma_wait3A_322 = tpu.memref_slice %arg26[%mul3A_316, %dma_wait3A_321] : memref<10000x64xf32, #tpu.memory_space<vmem_shared>> -> memref<80x64xf32, #tpu.memory_space<vmem_shared>>
        %dma_wait3A_323 = arith.constant 0 : i32
        %dma_wait3A_324 = tpu.memref_slice %arg26[%mul3A_316, %dma_wait3A_323] : memref<10000x64xf32, #tpu.memory_space<vmem_shared>> -> memref<80x64xf32, #tpu.memory_space<vmem_shared>>
        tpu.wait_dma2 semaphore(%run_scoped3A : memref<!tpu.dma_semaphore, #tpu.memory_space<semaphore_mem>>) src(%arg22 : memref<80x64xf32, #tpu.memory_space<vmem>>) dst(%dma_wait3A_324 : memref<80x64xf32, #tpu.memory_space<vmem_shared>>)
        tpu.yield
      }) : () -> ()
    } else {
    }
    %add3A_37 = arith.constant 64 : i32
    %add3A_38 = arith.addi %add3A_37, %arg1 : i32
    %lt3A_39 = arith.constant 125 : i32
    %lt3A_40 = arith.cmpi slt, %add3A_38, %lt3A_39 : i32
    %convert_element_type3A_41 = arith.extui %lt3A_40 : i1 to i32
    %cond3A_42 = arith.constant 0 : i32
    %cond3A_43 = arith.cmpi ne, %convert_element_type3A_41, %cond3A_42 : i32
    scf.if %cond3A_43 {
      %mul3A_315 = arith.constant 80 : i32
      %mul3A_316 = arith.muli %add3A_38, %mul3A_315 : i32
      "tpu.region"() ({
        %run_scoped3A = tpu.sem_alloc : memref<!tpu.dma_semaphore, #tpu.memory_space<semaphore_mem>>
        %dma_start3A_317 = arith.constant 0 : i32
        %dma_start3A_318 = tpu.memref_slice %arg26[%mul3A_316, %dma_start3A_317] : memref<10000x64xf32, #tpu.memory_space<vmem_shared>> -> memref<80x64xf32, #tpu.memory_space<vmem_shared>>
        %dma_start3A_319 = arith.constant 0 : i32
        %dma_start3A_320 = tpu.memref_slice %arg26[%mul3A_316, %dma_start3A_319] : memref<10000x64xf32, #tpu.memory_space<vmem_shared>> -> memref<80x64xf32, #tpu.memory_space<vmem_shared>>
        tpu.enqueue_dma source(%arg22 : memref<80x64xf32, #tpu.memory_space<vmem>>) target(%dma_start3A_320 : memref<80x64xf32, #tpu.memory_space<vmem_shared>>) target_semaphore(%run_scoped3A : memref<!tpu.dma_semaphore, #tpu.memory_space<semaphore_mem>>)
        %dma_wait3A_321 = arith.constant 0 : i32
        %dma_wait3A_322 = tpu.memref_slice %arg26[%mul3A_316, %dma_wait3A_321] : memref<10000x64xf32, #tpu.memory_space<vmem_shared>> -> memref<80x64xf32, #tpu.memory_space<vmem_shared>>
        %dma_wait3A_323 = arith.constant 0 : i32
        %dma_wait3A_324 = tpu.memref_slice %arg26[%mul3A_316, %dma_wait3A_323] : memref<10000x64xf32, #tpu.memory_space<vmem_shared>> -> memref<80x64xf32, #tpu.memory_space<vmem_shared>>
        tpu.wait_dma2 semaphore(%run_scoped3A : memref<!tpu.dma_semaphore, #tpu.memory_space<semaphore_mem>>) src(%arg22 : memref<80x64xf32, #tpu.memory_space<vmem>>) dst(%dma_wait3A_324 : memref<80x64xf32, #tpu.memory_space<vmem_shared>>)
        tpu.yield
      }) : () -> ()
    } else {
    }
    %add3A_44 = arith.constant 80 : i32
    %add3A_45 = arith.addi %add3A_44, %arg1 : i32
    %lt3A_46 = arith.constant 125 : i32
    %lt3A_47 = arith.cmpi slt, %add3A_45, %lt3A_46 : i32
    %convert_element_type3A_48 = arith.extui %lt3A_47 : i1 to i32
    %cond3A_49 = arith.constant 0 : i32
    %cond3A_50 = arith.cmpi ne, %convert_element_type3A_48, %cond3A_49 : i32
    scf.if %cond3A_50 {
      %mul3A_315 = arith.constant 80 : i32
      %mul3A_316 = arith.muli %add3A_45, %mul3A_315 : i32
      "tpu.region"() ({
        %run_scoped3A = tpu.sem_alloc : memref<!tpu.dma_semaphore, #tpu.memory_space<semaphore_mem>>
        %dma_start3A_317 = arith.constant 0 : i32
        %dma_start3A_318 = tpu.memref_slice %arg26[%mul3A_316, %dma_start3A_317] : memref<10000x64xf32, #tpu.memory_space<vmem_shared>> -> memref<80x64xf32, #tpu.memory_space<vmem_shared>>
        %dma_start3A_319 = arith.constant 0 : i32
        %dma_start3A_320 = tpu.memref_slice %arg26[%mul3A_316, %dma_start3A_319] : memref<10000x64xf32, #tpu.memory_space<vmem_shared>> -> memref<80x64xf32, #tpu.memory_space<vmem_shared>>
        tpu.enqueue_dma source(%arg22 : memref<80x64xf32, #tpu.memory_space<vmem>>) target(%dma_start3A_320 : memref<80x64xf32, #tpu.memory_space<vmem_shared>>) target_semaphore(%run_scoped3A : memref<!tpu.dma_semaphore, #tpu.memory_space<semaphore_mem>>)
        %dma_wait3A_321 = arith.constant 0 : i32
        %dma_wait3A_322 = tpu.memref_slice %arg26[%mul3A_316, %dma_wait3A_321] : memref<10000x64xf32, #tpu.memory_space<vmem_shared>> -> memref<80x64xf32, #tpu.memory_space<vmem_shared>>
        %dma_wait3A_323 = arith.constant 0 : i32
        %dma_wait3A_324 = tpu.memref_slice %arg26[%mul3A_316, %dma_wait3A_323] : memref<10000x64xf32, #tpu.memory_space<vmem_shared>> -> memref<80x64xf32, #tpu.memory_space<vmem_shared>>
        tpu.wait_dma2 semaphore(%run_scoped3A : memref<!tpu.dma_semaphore, #tpu.memory_space<semaphore_mem>>) src(%arg22 : memref<80x64xf32, #tpu.memory_space<vmem>>) dst(%dma_wait3A_324 : memref<80x64xf32, #tpu.memory_space<vmem_shared>>)
        tpu.yield
      }) : () -> ()
    } else {
    }
    %add3A_51 = arith.constant 96 : i32
    %add3A_52 = arith.addi %add3A_51, %arg1 : i32
    %lt3A_53 = arith.constant 125 : i32
    %lt3A_54 = arith.cmpi slt, %add3A_52, %lt3A_53 : i32
    %convert_element_type3A_55 = arith.extui %lt3A_54 : i1 to i32
    %cond3A_56 = arith.constant 0 : i32
    %cond3A_57 = arith.cmpi ne, %convert_element_type3A_55, %cond3A_56 : i32
    scf.if %cond3A_57 {
      %mul3A_315 = arith.constant 80 : i32
      %mul3A_316 = arith.muli %add3A_52, %mul3A_315 : i32
      "tpu.region"() ({
        %run_scoped3A = tpu.sem_alloc : memref<!tpu.dma_semaphore, #tpu.memory_space<semaphore_mem>>
        %dma_start3A_317 = arith.constant 0 : i32
        %dma_start3A_318 = tpu.memref_slice %arg26[%mul3A_316, %dma_start3A_317] : memref<10000x64xf32, #tpu.memory_space<vmem_shared>> -> memref<80x64xf32, #tpu.memory_space<vmem_shared>>
        %dma_start3A_319 = arith.constant 0 : i32
        %dma_start3A_320 = tpu.memref_slice %arg26[%mul3A_316, %dma_start3A_319] : memref<10000x64xf32, #tpu.memory_space<vmem_shared>> -> memref<80x64xf32, #tpu.memory_space<vmem_shared>>
        tpu.enqueue_dma source(%arg22 : memref<80x64xf32, #tpu.memory_space<vmem>>) target(%dma_start3A_320 : memref<80x64xf32, #tpu.memory_space<vmem_shared>>) target_semaphore(%run_scoped3A : memref<!tpu.dma_semaphore, #tpu.memory_space<semaphore_mem>>)
        %dma_wait3A_321 = arith.constant 0 : i32
        %dma_wait3A_322 = tpu.memref_slice %arg26[%mul3A_316, %dma_wait3A_321] : memref<10000x64xf32, #tpu.memory_space<vmem_shared>> -> memref<80x64xf32, #tpu.memory_space<vmem_shared>>
        %dma_wait3A_323 = arith.constant 0 : i32
        %dma_wait3A_324 = tpu.memref_slice %arg26[%mul3A_316, %dma_wait3A_323] : memref<10000x64xf32, #tpu.memory_space<vmem_shared>> -> memref<80x64xf32, #tpu.memory_space<vmem_shared>>
        tpu.wait_dma2 semaphore(%run_scoped3A : memref<!tpu.dma_semaphore, #tpu.memory_space<semaphore_mem>>) src(%arg22 : memref<80x64xf32, #tpu.memory_space<vmem>>) dst(%dma_wait3A_324 : memref<80x64xf32, #tpu.memory_space<vmem_shared>>)
        tpu.yield
      }) : () -> ()
    } else {
    }
    %add3A_58 = arith.constant 112 : i32
    %add3A_59 = arith.addi %add3A_58, %arg1 : i32
    %lt3A_60 = arith.constant 125 : i32
    %lt3A_61 = arith.cmpi slt, %add3A_59, %lt3A_60 : i32
    %convert_element_type3A_62 = arith.extui %lt3A_61 : i1 to i32
    %cond3A_63 = arith.constant 0 : i32
    %cond3A_64 = arith.cmpi ne, %convert_element_type3A_62, %cond3A_63 : i32
    scf.if %cond3A_64 {
      %mul3A_315 = arith.constant 80 : i32
      %mul3A_316 = arith.muli %add3A_59, %mul3A_315 : i32
      "tpu.region"() ({
        %run_scoped3A = tpu.sem_alloc : memref<!tpu.dma_semaphore, #tpu.memory_space<semaphore_mem>>
        %dma_start3A_317 = arith.constant 0 : i32
        %dma_start3A_318 = tpu.memref_slice %arg26[%mul3A_316, %dma_start3A_317] : memref<10000x64xf32, #tpu.memory_space<vmem_shared>> -> memref<80x64xf32, #tpu.memory_space<vmem_shared>>
        %dma_start3A_319 = arith.constant 0 : i32
        %dma_start3A_320 = tpu.memref_slice %arg26[%mul3A_316, %dma_start3A_319] : memref<10000x64xf32, #tpu.memory_space<vmem_shared>> -> memref<80x64xf32, #tpu.memory_space<vmem_shared>>
        tpu.enqueue_dma source(%arg22 : memref<80x64xf32, #tpu.memory_space<vmem>>) target(%dma_start3A_320 : memref<80x64xf32, #tpu.memory_space<vmem_shared>>) target_semaphore(%run_scoped3A : memref<!tpu.dma_semaphore, #tpu.memory_space<semaphore_mem>>)
        %dma_wait3A_321 = arith.constant 0 : i32
        %dma_wait3A_322 = tpu.memref_slice %arg26[%mul3A_316, %dma_wait3A_321] : memref<10000x64xf32, #tpu.memory_space<vmem_shared>> -> memref<80x64xf32, #tpu.memory_space<vmem_shared>>
        %dma_wait3A_323 = arith.constant 0 : i32
        %dma_wait3A_324 = tpu.memref_slice %arg26[%mul3A_316, %dma_wait3A_323] : memref<10000x64xf32, #tpu.memory_space<vmem_shared>> -> memref<80x64xf32, #tpu.memory_space<vmem_shared>>
        tpu.wait_dma2 semaphore(%run_scoped3A : memref<!tpu.dma_semaphore, #tpu.memory_space<semaphore_mem>>) src(%arg22 : memref<80x64xf32, #tpu.memory_space<vmem>>) dst(%dma_wait3A_324 : memref<80x64xf32, #tpu.memory_space<vmem_shared>>)
        tpu.yield
      }) : () -> ()
    } else {
    }
    %barrier3A = arith.constant 0 : index
    tpu.barrier barrier_id(%barrier3A)
    %mul3A = arith.constant 10000 : i32
    %mul3A_65 = arith.muli %arg0, %mul3A : i32
    %get3A = arith.constant 0 : i32
    %get3A_66 = arith.index_cast %get3A : i32 to index
    %get3A_67 = arith.constant 0 : index
    %get3A_68 = tpu.vector_load %arg8[%get3A_66, %get3A_67] {strides = array<i32>} : memref<250x80xi32, #tpu.memory_space<vmem>>, vector<16xi32>,
    %shift_right_logical3A = arith.constant 14 : i32
    %shift_right_logical3A_69 = vector.broadcast %shift_right_logical3A : i32 to vector<16xi32>
    %shift_right_logical3A_70 = arith.shrui %get3A_68, %shift_right_logical3A_69 : vector<16xi32>
    %and3A = arith.constant 16383 : i32
    %and3A_71 = vector.broadcast %and3A : i32 to vector<16xi32>
    %and3A_72 = arith.andi %get3A_68, %and3A_71 : vector<16xi32>
    %add3A_73 = vector.broadcast %mul3A_65 : i32 to vector<16xi32>
    %add3A_74 = arith.addi %shift_right_logical3A_70, %add3A_73 : vector<16xi32>
    %swap3A = arith.constant 0 : index
    %swap3A_75 = tpu.vector_load %arg9[%swap3A] {strides = array<i32>} : memref<80xi32, #tpu.memory_space<vmem>>, vector<16xi32>,
    tpu.vector_store %arg9[%swap3A], %add3A_74 {strides = array<i32>} : memref<80xi32, #tpu.memory_space<vmem>>, vector<16xi32>,
    %swap3A_76 = arith.constant 0 : index
    %swap3A_77 = tpu.vector_load %arg13[%swap3A_76] {strides = array<i32>} : memref<80xi32, #tpu.memory_space<vmem>>, vector<16xi32>,
    tpu.vector_store %arg13[%swap3A_76], %and3A_72 {strides = array<i32>} : memref<80xi32, #tpu.memory_space<vmem>>, vector<16xi32>,
    %mul3A_78 = arith.constant 2 : i32
    %mul3A_79 = vector.broadcast %mul3A_78 : i32 to vector<16xi32>
    %mul3A_80 = arith.muli %shift_right_logical3A_70, %mul3A_79 : vector<16xi32>
    %gather3A = tpu.vector_load_idx %arg7[%mul3A_80] : memref<20000xf32, #tpu.memory_space<vmem>>[vector<16xi32>], vector<16xf32>,
    %mul3A_81 = arith.constant 2 : i32
    %mul3A_82 = vector.broadcast %mul3A_81 : i32 to vector<16xi32>
    %mul3A_83 = arith.muli %and3A_72, %mul3A_82 : vector<16xi32>
    %add3A_84 = arith.constant 1 : i32
    %add3A_85 = vector.broadcast %add3A_84 : i32 to vector<16xi32>
    %add3A_86 = arith.addi %mul3A_83, %add3A_85 : vector<16xi32>
    %gather3A_87 = tpu.vector_load_idx %arg7[%add3A_86] : memref<20000xf32, #tpu.memory_space<vmem>>[vector<16xi32>], vector<16xf32>,
    %add3A_88 = arith.addf %gather3A, %gather3A_87 : vector<16xf32>
    %mul3A_89 = arith.constant 2.000000e-01 : f32
    %mul3A_90 = vector.broadcast %mul3A_89 : f32 to vector<16xf32>
    %mul3A_91 = arith.mulf %add3A_88, %mul3A_90 : vector<16xf32>
    %max3A = arith.maximumf %add3A_88, %mul3A_91 : vector<16xf32>
    %exp3A = math.exp %max3A : vector<16xf32>
    %swap3A_92 = arith.constant 0 : index
    %swap3A_93 = tpu.vector_load %arg17[%swap3A_92] {strides = array<i32>} : memref<96xf32, #tpu.memory_space<vmem>>, vector<16xf32>,
    tpu.vector_store %arg17[%swap3A_92], %exp3A {strides = array<i32>} : memref<96xf32, #tpu.memory_space<vmem>>, vector<16xf32>,
    tpu.vector_store_idx %arg21[%and3A_72], %exp3A {add = true} : memref<10000xf32, #tpu.memory_space<vmem>>[vector<16xi32>], vector<16xf32>,
    %get3A_94 = arith.constant 0 : i32
    %get3A_95 = arith.index_cast %get3A_94 : i32 to index
    %get3A_96 = arith.constant 16 : index
    %get3A_97 = tpu.vector_load %arg8[%get3A_95, %get3A_96] {strides = array<i32>} : memref<250x80xi32, #tpu.memory_space<vmem>>, vector<16xi32>,
    %shift_right_logical3A_98 = arith.constant 14 : i32
    %shift_right_logical3A_99 = vector.broadcast %shift_right_logical3A_98 : i32 to vector<16xi32>
    %shift_right_logical3A_100 = arith.shrui %get3A_97, %shift_right_logical3A_99 : vector<16xi32>
    %and3A_101 = arith.constant 16383 : i32
    %and3A_102 = vector.broadcast %and3A_101 : i32 to vector<16xi32>
    %and3A_103 = arith.andi %get3A_97, %and3A_102 : vector<16xi32>
    %add3A_104 = vector.broadcast %mul3A_65 : i32 to vector<16xi32>
    %add3A_105 = arith.addi %shift_right_logical3A_100, %add3A_104 : vector<16xi32>
    %swap3A_106 = arith.constant 16 : index
    %swap3A_107 = tpu.vector_load %arg9[%swap3A_106] {strides = array<i32>} : memref<80xi32, #tpu.memory_space<vmem>>, vector<16xi32>,
    tpu.vector_store %arg9[%swap3A_106], %add3A_105 {strides = array<i32>} : memref<80xi32, #tpu.memory_space<vmem>>, vector<16xi32>,
    %swap3A_108 = arith.constant 16 : index
    %swap3A_109 = tpu.vector_load %arg13[%swap3A_108] {strides = array<i32>} : memref<80xi32, #tpu.memory_space<vmem>>, vector<16xi32>,
    tpu.vector_store %arg13[%swap3A_108], %and3A_103 {strides = array<i32>} : memref<80xi32, #tpu.memory_space<vmem>>, vector<16xi32>,
    %mul3A_110 = arith.constant 2 : i32
    %mul3A_111 = vector.broadcast %mul3A_110 : i32 to vector<16xi32>
    %mul3A_112 = arith.muli %shift_right_logical3A_100, %mul3A_111 : vector<16xi32>
    %gather3A_113 = tpu.vector_load_idx %arg7[%mul3A_112] : memref<20000xf32, #tpu.memory_space<vmem>>[vector<16xi32>], vector<16xf32>,
    %mul3A_114 = arith.constant 2 : i32
    %mul3A_115 = vector.broadcast %mul3A_114 : i32 to vector<16xi32>
    %mul3A_116 = arith.muli %and3A_103, %mul3A_115 : vector<16xi32>
    %add3A_117 = arith.constant 1 : i32
    %add3A_118 = vector.broadcast %add3A_117 : i32 to vector<16xi32>
    %add3A_119 = arith.addi %mul3A_116, %add3A_118 : vector<16xi32>
    %gather3A_120 = tpu.vector_load_idx %arg7[%add3A_119] : memref<20000xf32, #tpu.memory_space<vmem>>[vector<16xi32>], vector<16xf32>,
    %add3A_121 = arith.addf %gather3A_113, %gather3A_120 : vector<16xf32>
    %mul3A_122 = arith.constant 2.000000e-01 : f32
    %mul3A_123 = vector.broadcast %mul3A_122 : f32 to vector<16xf32>
    %mul3A_124 = arith.mulf %add3A_121, %mul3A_123 : vector<16xf32>
    %max3A_125 = arith.maximumf %add3A_121, %mul3A_124 : vector<16xf32>
    %exp3A_126 = math.exp %max3A_125 : vector<16xf32>
    %swap3A_127 = arith.constant 16 : index
    %swap3A_128 = tpu.vector_load %arg17[%swap3A_127] {strides = array<i32>} : memref<96xf32, #tpu.memory_space<vmem>>, vector<16xf32>,
    tpu.vector_store %arg17[%swap3A_127], %exp3A_126 {strides = array<i32>} : memref<96xf32, #tpu.memory_space<vmem>>, vector<16xf32>,
    tpu.vector_store_idx %arg21[%and3A_103], %exp3A_126 {add = true} : memref<10000xf32, #tpu.memory_space<vmem>>[vector<16xi32>], vector<16xf32>,
    %get3A_129 = arith.constant 0 : i32
    %get3A_130 = arith.index_cast %get3A_129 : i32 to index
    %get3A_131 = arith.constant 32 : index
    %get3A_132 = tpu.vector_load %arg8[%get3A_130, %get3A_131] {strides = array<i32>} : memref<250x80xi32, #tpu.memory_space<vmem>>, vector<16xi32>,
    %shift_right_logical3A_133 = arith.constant 14 : i32
    %shift_right_logical3A_134 = vector.broadcast %shift_right_logical3A_133 : i32 to vector<16xi32>
    %shift_right_logical3A_135 = arith.shrui %get3A_132, %shift_right_logical3A_134 : vector<16xi32>
    %and3A_136 = arith.constant 16383 : i32
    %and3A_137 = vector.broadcast %and3A_136 : i32 to vector<16xi32>
    %and3A_138 = arith.andi %get3A_132, %and3A_137 : vector<16xi32>
    %add3A_139 = vector.broadcast %mul3A_65 : i32 to vector<16xi32>
    %add3A_140 = arith.addi %shift_right_logical3A_135, %add3A_139 : vector<16xi32>
    %swap3A_141 = arith.constant 32 : index
    %swap3A_142 = tpu.vector_load %arg9[%swap3A_141] {strides = array<i32>} : memref<80xi32, #tpu.memory_space<vmem>>, vector<16xi32>,
    tpu.vector_store %arg9[%swap3A_141], %add3A_140 {strides = array<i32>} : memref<80xi32, #tpu.memory_space<vmem>>, vector<16xi32>,
    %swap3A_143 = arith.constant 32 : index
    %swap3A_144 = tpu.vector_load %arg13[%swap3A_143] {strides = array<i32>} : memref<80xi32, #tpu.memory_space<vmem>>, vector<16xi32>,
    tpu.vector_store %arg13[%swap3A_143], %and3A_138 {strides = array<i32>} : memref<80xi32, #tpu.memory_space<vmem>>, vector<16xi32>,
    %mul3A_145 = arith.constant 2 : i32
    %mul3A_146 = vector.broadcast %mul3A_145 : i32 to vector<16xi32>
    %mul3A_147 = arith.muli %shift_right_logical3A_135, %mul3A_146 : vector<16xi32>
    %gather3A_148 = tpu.vector_load_idx %arg7[%mul3A_147] : memref<20000xf32, #tpu.memory_space<vmem>>[vector<16xi32>], vector<16xf32>,
    %mul3A_149 = arith.constant 2 : i32
    %mul3A_150 = vector.broadcast %mul3A_149 : i32 to vector<16xi32>
    %mul3A_151 = arith.muli %and3A_138, %mul3A_150 : vector<16xi32>
    %add3A_152 = arith.constant 1 : i32
    %add3A_153 = vector.broadcast %add3A_152 : i32 to vector<16xi32>
    %add3A_154 = arith.addi %mul3A_151, %add3A_153 : vector<16xi32>
    %gather3A_155 = tpu.vector_load_idx %arg7[%add3A_154] : memref<20000xf32, #tpu.memory_space<vmem>>[vector<16xi32>], vector<16xf32>,
    %add3A_156 = arith.addf %gather3A_148, %gather3A_155 : vector<16xf32>
    %mul3A_157 = arith.constant 2.000000e-01 : f32
    %mul3A_158 = vector.broadcast %mul3A_157 : f32 to vector<16xf32>
    %mul3A_159 = arith.mulf %add3A_156, %mul3A_158 : vector<16xf32>
    %max3A_160 = arith.maximumf %add3A_156, %mul3A_159 : vector<16xf32>
    %exp3A_161 = math.exp %max3A_160 : vector<16xf32>
    %swap3A_162 = arith.constant 32 : index
    %swap3A_163 = tpu.vector_load %arg17[%swap3A_162] {strides = array<i32>} : memref<96xf32, #tpu.memory_space<vmem>>, vector<16xf32>,
    tpu.vector_store %arg17[%swap3A_162], %exp3A_161 {strides = array<i32>} : memref<96xf32, #tpu.memory_space<vmem>>, vector<16xf32>,
    tpu.vector_store_idx %arg21[%and3A_138], %exp3A_161 {add = true} : memref<10000xf32, #tpu.memory_space<vmem>>[vector<16xi32>], vector<16xf32>,
    %get3A_164 = arith.constant 0 : i32
    %get3A_165 = arith.index_cast %get3A_164 : i32 to index
    %get3A_166 = arith.constant 48 : index
    %get3A_167 = tpu.vector_load %arg8[%get3A_165, %get3A_166] {strides = array<i32>} : memref<250x80xi32, #tpu.memory_space<vmem>>, vector<16xi32>,
    %shift_right_logical3A_168 = arith.constant 14 : i32
    %shift_right_logical3A_169 = vector.broadcast %shift_right_logical3A_168 : i32 to vector<16xi32>
    %shift_right_logical3A_170 = arith.shrui %get3A_167, %shift_right_logical3A_169 : vector<16xi32>
    %and3A_171 = arith.constant 16383 : i32
    %and3A_172 = vector.broadcast %and3A_171 : i32 to vector<16xi32>
    %and3A_173 = arith.andi %get3A_167, %and3A_172 : vector<16xi32>
    %add3A_174 = vector.broadcast %mul3A_65 : i32 to vector<16xi32>
    %add3A_175 = arith.addi %shift_right_logical3A_170, %add3A_174 : vector<16xi32>
    %swap3A_176 = arith.constant 48 : index
    %swap3A_177 = tpu.vector_load %arg9[%swap3A_176] {strides = array<i32>} : memref<80xi32, #tpu.memory_space<vmem>>, vector<16xi32>,
    tpu.vector_store %arg9[%swap3A_176], %add3A_175 {strides = array<i32>} : memref<80xi32, #tpu.memory_space<vmem>>, vector<16xi32>,
    %swap3A_178 = arith.constant 48 : index
    %swap3A_179 = tpu.vector_load %arg13[%swap3A_178] {strides = array<i32>} : memref<80xi32, #tpu.memory_space<vmem>>, vector<16xi32>,
    tpu.vector_store %arg13[%swap3A_178], %and3A_173 {strides = array<i32>} : memref<80xi32, #tpu.memory_space<vmem>>, vector<16xi32>,
    %mul3A_180 = arith.constant 2 : i32
    %mul3A_181 = vector.broadcast %mul3A_180 : i32 to vector<16xi32>
    %mul3A_182 = arith.muli %shift_right_logical3A_170, %mul3A_181 : vector<16xi32>
    %gather3A_183 = tpu.vector_load_idx %arg7[%mul3A_182] : memref<20000xf32, #tpu.memory_space<vmem>>[vector<16xi32>], vector<16xf32>,
    %mul3A_184 = arith.constant 2 : i32
    %mul3A_185 = vector.broadcast %mul3A_184 : i32 to vector<16xi32>
    %mul3A_186 = arith.muli %and3A_173, %mul3A_185 : vector<16xi32>
    %add3A_187 = arith.constant 1 : i32
    %add3A_188 = vector.broadcast %add3A_187 : i32 to vector<16xi32>
    %add3A_189 = arith.addi %mul3A_186, %add3A_188 : vector<16xi32>
    %gather3A_190 = tpu.vector_load_idx %arg7[%add3A_189] : memref<20000xf32, #tpu.memory_space<vmem>>[vector<16xi32>], vector<16xf32>,
    %add3A_191 = arith.addf %gather3A_183, %gather3A_190 : vector<16xf32>
    %mul3A_192 = arith.constant 2.000000e-01 : f32
    %mul3A_193 = vector.broadcast %mul3A_192 : f32 to vector<16xf32>
    %mul3A_194 = arith.mulf %add3A_191, %mul3A_193 : vector<16xf32>
    %max3A_195 = arith.maximumf %add3A_191, %mul3A_194 : vector<16xf32>
    %exp3A_196 = math.exp %max3A_195 : vector<16xf32>
    %swap3A_197 = arith.constant 48 : index
    %swap3A_198 = tpu.vector_load %arg17[%swap3A_197] {strides = array<i32>} : memref<96xf32, #tpu.memory_space<vmem>>, vector<16xf32>,
    tpu.vector_store %arg17[%swap3A_197], %exp3A_196 {strides = array<i32>} : memref<96xf32, #tpu.memory_space<vmem>>, vector<16xf32>,
    tpu.vector_store_idx %arg21[%and3A_173], %exp3A_196 {add = true} : memref<10000xf32, #tpu.memory_space<vmem>>[vector<16xi32>], vector<16xf32>,
    %get3A_199 = arith.constant 0 : i32
    %get3A_200 = arith.index_cast %get3A_199 : i32 to index
    %get3A_201 = arith.constant 64 : index
    %get3A_202 = tpu.vector_load %arg8[%get3A_200, %get3A_201] {strides = array<i32>} : memref<250x80xi32, #tpu.memory_space<vmem>>, vector<16xi32>,
    %shift_right_logical3A_203 = arith.constant 14 : i32
    %shift_right_logical3A_204 = vector.broadcast %shift_right_logical3A_203 : i32 to vector<16xi32>
    %shift_right_logical3A_205 = arith.shrui %get3A_202, %shift_right_logical3A_204 : vector<16xi32>
    %and3A_206 = arith.constant 16383 : i32
    %and3A_207 = vector.broadcast %and3A_206 : i32 to vector<16xi32>
    %and3A_208 = arith.andi %get3A_202, %and3A_207 : vector<16xi32>
    %add3A_209 = vector.broadcast %mul3A_65 : i32 to vector<16xi32>
    %add3A_210 = arith.addi %shift_right_logical3A_205, %add3A_209 : vector<16xi32>
    %swap3A_211 = arith.constant 64 : index
    %swap3A_212 = tpu.vector_load %arg9[%swap3A_211] {strides = array<i32>} : memref<80xi32, #tpu.memory_space<vmem>>, vector<16xi32>,
    tpu.vector_store %arg9[%swap3A_211], %add3A_210 {strides = array<i32>} : memref<80xi32, #tpu.memory_space<vmem>>, vector<16xi32>,
    %swap3A_213 = arith.constant 64 : index
    %swap3A_214 = tpu.vector_load %arg13[%swap3A_213] {strides = array<i32>} : memref<80xi32, #tpu.memory_space<vmem>>, vector<16xi32>,
    tpu.vector_store %arg13[%swap3A_213], %and3A_208 {strides = array<i32>} : memref<80xi32, #tpu.memory_space<vmem>>, vector<16xi32>,
    %mul3A_215 = arith.constant 2 : i32
    %mul3A_216 = vector.broadcast %mul3A_215 : i32 to vector<16xi32>
    %mul3A_217 = arith.muli %shift_right_logical3A_205, %mul3A_216 : vector<16xi32>
    %gather3A_218 = tpu.vector_load_idx %arg7[%mul3A_217] : memref<20000xf32, #tpu.memory_space<vmem>>[vector<16xi32>], vector<16xf32>,
    %mul3A_219 = arith.constant 2 : i32
    %mul3A_220 = vector.broadcast %mul3A_219 : i32 to vector<16xi32>
    %mul3A_221 = arith.muli %and3A_208, %mul3A_220 : vector<16xi32>
    %add3A_222 = arith.constant 1 : i32
    %add3A_223 = vector.broadcast %add3A_222 : i32 to vector<16xi32>
    %add3A_224 = arith.addi %mul3A_221, %add3A_223 : vector<16xi32>
    %gather3A_225 = tpu.vector_load_idx %arg7[%add3A_224] : memref<20000xf32, #tpu.memory_space<vmem>>[vector<16xi32>], vector<16xf32>,
    %add3A_226 = arith.addf %gather3A_218, %gather3A_225 : vector<16xf32>
    %mul3A_227 = arith.constant 2.000000e-01 : f32
    %mul3A_228 = vector.broadcast %mul3A_227 : f32 to vector<16xf32>
    %mul3A_229 = arith.mulf %add3A_226, %mul3A_228 : vector<16xf32>
    %max3A_230 = arith.maximumf %add3A_226, %mul3A_229 : vector<16xf32>
    %exp3A_231 = math.exp %max3A_230 : vector<16xf32>
    %swap3A_232 = arith.constant 64 : index
    %swap3A_233 = tpu.vector_load %arg17[%swap3A_232] {strides = array<i32>} : memref<96xf32, #tpu.memory_space<vmem>>, vector<16xf32>,
    tpu.vector_store %arg17[%swap3A_232], %exp3A_231 {strides = array<i32>} : memref<96xf32, #tpu.memory_space<vmem>>, vector<16xf32>,
    tpu.vector_store_idx %arg21[%and3A_208], %exp3A_231 {add = true} : memref<10000xf32, #tpu.memory_space<vmem>>[vector<16xi32>], vector<16xf32>,
    %dma_start3A = arith.constant 0 : i32
    %dma_start3A_234 = arith.constant 0 : i32
    %dma_start3A_235 = tpu.memref_slice %arg2[%dma_start3A, %dma_start3A_234] : memref<20000x64xf32, #tpu.memory_space<hbm>> -> memref<20000x64xf32, #tpu.memory_space<hbm>>
    tpu.enqueue_indirect_dma source(%dma_start3A_235 : memref<20000x64xf32, #tpu.memory_space<hbm>>) target(%arg22 : memref<80x64xf32, #tpu.memory_space<vmem>>) offsets(%arg9 : memref<80xi32, #tpu.memory_space<vmem>>) semaphore(%arg27 : memref<!tpu.dma_semaphore, #tpu.memory_space<semaphore_mem>>)
    %scan3A_236 = arith.constant 0 : i32
    %scan3A_237 = arith.constant 0 : i32
    %scan3A_238 = arith.constant 63 : i32
    %scan3A_239 = arith.addi %scan3A_237, %scan3A_238 : i32
    %scan3A_240 = arith.constant 1 : i32
    %scan3A_241 = scf.for %scan3A_315 = %scan3A_237 to %scan3A_239 step %scan3A_240 iter_args(%scan3A_316 = %scan3A_236) -> (i32)  : i32 {
      %mul3A_317 = arith.constant 4 : i32
      %mul3A_318 = arith.muli %mul3A_317, %scan3A_315 : i32
      %add3A_319 = arith.constant 0 : i32
      %add3A_320 = arith.addi %mul3A_318, %add3A_319 : i32
      %add3A_321 = arith.constant 1 : i32
      %add3A_322 = arith.addi %add3A_320, %add3A_321 : i32
      %lt3A_323 = arith.constant 250 : i32
      %lt3A_324 = arith.cmpi slt, %add3A_322, %lt3A_323 : i32
      %ge3A = arith.constant 3 : i32
      %ge3A_325 = arith.cmpi sge, %add3A_320, %ge3A : i32
      %and3A_326 = arith.andi %lt3A_324, %ge3A_325 : i1
      %convert_element_type3A_327 = arith.extui %and3A_326 : i1 to i32
      %cond3A_328 = arith.constant 0 : i32
      %cond3A_329 = arith.cmpi ne, %convert_element_type3A_327, %cond3A_328 : i32
      scf.if %cond3A_329 {
        %dma_wait3A_421 = arith.constant 0 : i32
        %dma_wait3A_422 = arith.constant 0 : i32
        %dma_wait3A_423 = tpu.memref_slice %arg26[%dma_wait3A_421, %dma_wait3A_422] : memref<10000x64xf32, #tpu.memory_space<vmem_shared>> -> memref<10000x64xf32, #tpu.memory_space<vmem_shared>>
        tpu.wait_indirect_dma semaphore(%arg32 : memref<!tpu.dma_semaphore, #tpu.memory_space<semaphore_mem>>) src(%arg23 : memref<80x64xf32, #tpu.memory_space<vmem>>) dst(%dma_wait3A_423 : memref<10000x64xf32, #tpu.memory_space<vmem_shared>>)
      } else {
      }
      %add3A_330 = arith.constant 1 : i32
      %add3A_331 = arith.addi %add3A_320, %add3A_330 : i32
      %lt3A_332 = arith.constant 250 : i32
      %lt3A_333 = arith.cmpi slt, %add3A_331, %lt3A_332 : i32
      %convert_element_type3A_334 = arith.extui %lt3A_333 : i1 to i32
      %cond3A_335 = arith.constant 0 : i32
      %cond3A_336 = arith.cmpi ne, %convert_element_type3A_334, %cond3A_335 : i32
      scf.if %cond3A_336 {
        %add3A_421 = arith.constant 1 : i32
        %add3A_422 = arith.addi %add3A_320, %add3A_421 : i32
        %get3A_423 = arith.index_cast %add3A_422 : i32 to index
        %get3A_424 = arith.constant 0 : index
        %get3A_425 = tpu.vector_load %arg8[%get3A_423, %get3A_424] {strides = array<i32>} : memref<250x80xi32, #tpu.memory_space<vmem>>, vector<16xi32>,
        %shift_right_logical3A_426 = arith.constant 14 : i32
        %shift_right_logical3A_427 = vector.broadcast %shift_right_logical3A_426 : i32 to vector<16xi32>
        %shift_right_logical3A_428 = arith.shrui %get3A_425, %shift_right_logical3A_427 : vector<16xi32>
        %and3A_429 = arith.constant 16383 : i32
        %and3A_430 = vector.broadcast %and3A_429 : i32 to vector<16xi32>
        %and3A_431 = arith.andi %get3A_425, %and3A_430 : vector<16xi32>
        %add3A_432 = vector.broadcast %mul3A_65 : i32 to vector<16xi32>
        %add3A_433 = arith.addi %shift_right_logical3A_428, %add3A_432 : vector<16xi32>
        %swap3A_434 = arith.constant 0 : index
        %swap3A_435 = tpu.vector_load %arg10[%swap3A_434] {strides = array<i32>} : memref<80xi32, #tpu.memory_space<vmem>>, vector<16xi32>,
        tpu.vector_store %arg10[%swap3A_434], %add3A_433 {strides = array<i32>} : memref<80xi32, #tpu.memory_space<vmem>>, vector<16xi32>,
        %swap3A_436 = arith.constant 0 : index
        %swap3A_437 = tpu.vector_load %arg14[%swap3A_436] {strides = array<i32>} : memref<80xi32, #tpu.memory_space<vmem>>, vector<16xi32>,
        tpu.vector_store %arg14[%swap3A_436], %and3A_431 {strides = array<i32>} : memref<80xi32, #tpu.memory_space<vmem>>, vector<16xi32>,
        %mul3A_438 = arith.constant 2 : i32
        %mul3A_439 = vector.broadcast %mul3A_438 : i32 to vector<16xi32>
        %mul3A_440 = arith.muli %shift_right_logical3A_428, %mul3A_439 : vector<16xi32>
        %gather3A_441 = tpu.vector_load_idx %arg7[%mul3A_440] : memref<20000xf32, #tpu.memory_space<vmem>>[vector<16xi32>], vector<16xf32>,
        %mul3A_442 = arith.constant 2 : i32
        %mul3A_443 = vector.broadcast %mul3A_442 : i32 to vector<16xi32>
        %mul3A_444 = arith.muli %and3A_431, %mul3A_443 : vector<16xi32>
        %add3A_445 = arith.constant 1 : i32
        %add3A_446 = vector.broadcast %add3A_445 : i32 to vector<16xi32>
        %add3A_447 = arith.addi %mul3A_444, %add3A_446 : vector<16xi32>
        %gather3A_448 = tpu.vector_load_idx %arg7[%add3A_447] : memref<20000xf32, #tpu.memory_space<vmem>>[vector<16xi32>], vector<16xf32>,
        %add3A_449 = arith.addf %gather3A_441, %gather3A_448 : vector<16xf32>
        %mul3A_450 = arith.constant 2.000000e-01 : f32
        %mul3A_451 = vector.broadcast %mul3A_450 : f32 to vector<16xf32>
        %mul3A_452 = arith.mulf %add3A_449, %mul3A_451 : vector<16xf32>
        %max3A_453 = arith.maximumf %add3A_449, %mul3A_452 : vector<16xf32>
        %exp3A_454 = math.exp %max3A_453 : vector<16xf32>
        %swap3A_455 = arith.constant 0 : index
        %swap3A_456 = tpu.vector_load %arg18[%swap3A_455] {strides = array<i32>} : memref<96xf32, #tpu.memory_space<vmem>>, vector<16xf32>,
        tpu.vector_store %arg18[%swap3A_455], %exp3A_454 {strides = array<i32>} : memref<96xf32, #tpu.memory_space<vmem>>, vector<16xf32>,
        tpu.vector_store_idx %arg21[%and3A_431], %exp3A_454 {add = true} : memref<10000xf32, #tpu.memory_space<vmem>>[vector<16xi32>], vector<16xf32>,
        %get3A_457 = arith.index_cast %add3A_422 : i32 to index
        %get3A_458 = arith.constant 16 : index
        %get3A_459 = tpu.vector_load %arg8[%get3A_457, %get3A_458] {strides = array<i32>} : memref<250x80xi32, #tpu.memory_space<vmem>>, vector<16xi32>,
        %shift_right_logical3A_460 = arith.constant 14 : i32
        %shift_right_logical3A_461 = vector.broadcast %shift_right_logical3A_460 : i32 to vector<16xi32>
        %shift_right_logical3A_462 = arith.shrui %get3A_459, %shift_right_logical3A_461 : vector<16xi32>
        %and3A_463 = arith.constant 16383 : i32
        %and3A_464 = vector.broadcast %and3A_463 : i32 to vector<16xi32>
        %and3A_465 = arith.andi %get3A_459, %and3A_464 : vector<16xi32>
        %add3A_466 = vector.broadcast %mul3A_65 : i32 to vector<16xi32>
        %add3A_467 = arith.addi %shift_right_logical3A_462, %add3A_466 : vector<16xi32>
        %swap3A_468 = arith.constant 16 : index
        %swap3A_469 = tpu.vector_load %arg10[%swap3A_468] {strides = array<i32>} : memref<80xi32, #tpu.memory_space<vmem>>, vector<16xi32>,
        tpu.vector_store %arg10[%swap3A_468], %add3A_467 {strides = array<i32>} : memref<80xi32, #tpu.memory_space<vmem>>, vector<16xi32>,
        %swap3A_470 = arith.constant 16 : index
        %swap3A_471 = tpu.vector_load %arg14[%swap3A_470] {strides = array<i32>} : memref<80xi32, #tpu.memory_space<vmem>>, vector<16xi32>,
        tpu.vector_store %arg14[%swap3A_470], %and3A_465 {strides = array<i32>} : memref<80xi32, #tpu.memory_space<vmem>>, vector<16xi32>,
        %mul3A_472 = arith.constant 2 : i32
        %mul3A_473 = vector.broadcast %mul3A_472 : i32 to vector<16xi32>
        %mul3A_474 = arith.muli %shift_right_logical3A_462, %mul3A_473 : vector<16xi32>
        %gather3A_475 = tpu.vector_load_idx %arg7[%mul3A_474] : memref<20000xf32, #tpu.memory_space<vmem>>[vector<16xi32>], vector<16xf32>,
        %mul3A_476 = arith.constant 2 : i32
        %mul3A_477 = vector.broadcast %mul3A_476 : i32 to vector<16xi32>
        %mul3A_478 = arith.muli %and3A_465, %mul3A_477 : vector<16xi32>
        %add3A_479 = arith.constant 1 : i32
        %add3A_480 = vector.broadcast %add3A_479 : i32 to vector<16xi32>
        %add3A_481 = arith.addi %mul3A_478, %add3A_480 : vector<16xi32>
        %gather3A_482 = tpu.vector_load_idx %arg7[%add3A_481] : memref<20000xf32, #tpu.memory_space<vmem>>[vector<16xi32>], vector<16xf32>,
        %add3A_483 = arith.addf %gather3A_475, %gather3A_482 : vector<16xf32>
        %mul3A_484 = arith.constant 2.000000e-01 : f32
        %mul3A_485 = vector.broadcast %mul3A_484 : f32 to vector<16xf32>
        %mul3A_486 = arith.mulf %add3A_483, %mul3A_485 : vector<16xf32>
        %max3A_487 = arith.maximumf %add3A_483, %mul3A_486 : vector<16xf32>
        %exp3A_488 = math.exp %max3A_487 : vector<16xf32>
        %swap3A_489 = arith.constant 16 : index
        %swap3A_490 = tpu.vector_load %arg18[%swap3A_489] {strides = array<i32>} : memref<96xf32, #tpu.memory_space<vmem>>, vector<16xf32>,
        tpu.vector_store %arg18[%swap3A_489], %exp3A_488 {strides = array<i32>} : memref<96xf32, #tpu.memory_space<vmem>>, vector<16xf32>,
        tpu.vector_store_idx %arg21[%and3A_465], %exp3A_488 {add = true} : memref<10000xf32, #tpu.memory_space<vmem>>[vector<16xi32>], vector<16xf32>,
        %get3A_491 = arith.index_cast %add3A_422 : i32 to index
        %get3A_492 = arith.constant 32 : index
        %get3A_493 = tpu.vector_load %arg8[%get3A_491, %get3A_492] {strides = array<i32>} : memref<250x80xi32, #tpu.memory_space<vmem>>, vector<16xi32>,
        %shift_right_logical3A_494 = arith.constant 14 : i32
        %shift_right_logical3A_495 = vector.broadcast %shift_right_logical3A_494 : i32 to vector<16xi32>
        %shift_right_logical3A_496 = arith.shrui %get3A_493, %shift_right_logical3A_495 : vector<16xi32>
        %and3A_497 = arith.constant 16383 : i32
        %and3A_498 = vector.broadcast %and3A_497 : i32 to vector<16xi32>
        %and3A_499 = arith.andi %get3A_493, %and3A_498 : vector<16xi32>
        %add3A_500 = vector.broadcast %mul3A_65 : i32 to vector<16xi32>
        %add3A_501 = arith.addi %shift_right_logical3A_496, %add3A_500 : vector<16xi32>
        %swap3A_502 = arith.constant 32 : index
        %swap3A_503 = tpu.vector_load %arg10[%swap3A_502] {strides = array<i32>} : memref<80xi32, #tpu.memory_space<vmem>>, vector<16xi32>,
        tpu.vector_store %arg10[%swap3A_502], %add3A_501 {strides = array<i32>} : memref<80xi32, #tpu.memory_space<vmem>>, vector<16xi32>,
        %swap3A_504 = arith.constant 32 : index
        %swap3A_505 = tpu.vector_load %arg14[%swap3A_504] {strides = array<i32>} : memref<80xi32, #tpu.memory_space<vmem>>, vector<16xi32>,
        tpu.vector_store %arg14[%swap3A_504], %and3A_499 {strides = array<i32>} : memref<80xi32, #tpu.memory_space<vmem>>, vector<16xi32>,
        %mul3A_506 = arith.constant 2 : i32
        %mul3A_507 = vector.broadcast %mul3A_506 : i32 to vector<16xi32>
        %mul3A_508 = arith.muli %shift_right_logical3A_496, %mul3A_507 : vector<16xi32>
        %gather3A_509 = tpu.vector_load_idx %arg7[%mul3A_508] : memref<20000xf32, #tpu.memory_space<vmem>>[vector<16xi32>], vector<16xf32>,
        %mul3A_510 = arith.constant 2 : i32
        %mul3A_511 = vector.broadcast %mul3A_510 : i32 to vector<16xi32>
        %mul3A_512 = arith.muli %and3A_499, %mul3A_511 : vector<16xi32>
        %add3A_513 = arith.constant 1 : i32
        %add3A_514 = vector.broadcast %add3A_513 : i32 to vector<16xi32>
        %add3A_515 = arith.addi %mul3A_512, %add3A_514 : vector<16xi32>
        %gather3A_516 = tpu.vector_load_idx %arg7[%add3A_515] : memref<20000xf32, #tpu.memory_space<vmem>>[vector<16xi32>], vector<16xf32>,
        %add3A_517 = arith.addf %gather3A_509, %gather3A_516 : vector<16xf32>
        %mul3A_518 = arith.constant 2.000000e-01 : f32
        %mul3A_519 = vector.broadcast %mul3A_518 : f32 to vector<16xf32>
        %mul3A_520 = arith.mulf %add3A_517, %mul3A_519 : vector<16xf32>
        %max3A_521 = arith.maximumf %add3A_517, %mul3A_520 : vector<16xf32>
        %exp3A_522 = math.exp %max3A_521 : vector<16xf32>
        %swap3A_523 = arith.constant 32 : index
        %swap3A_524 = tpu.vector_load %arg18[%swap3A_523] {strides = array<i32>} : memref<96xf32, #tpu.memory_space<vmem>>, vector<16xf32>,
        tpu.vector_store %arg18[%swap3A_523], %exp3A_522 {strides = array<i32>} : memref<96xf32, #tpu.memory_space<vmem>>, vector<16xf32>,
        tpu.vector_store_idx %arg21[%and3A_499], %exp3A_522 {add = true} : memref<10000xf32, #tpu.memory_space<vmem>>[vector<16xi32>], vector<16xf32>,
        %get3A_525 = arith.index_cast %add3A_422 : i32 to index
        %get3A_526 = arith.constant 48 : index
        %get3A_527 = tpu.vector_load %arg8[%get3A_525, %get3A_526] {strides = array<i32>} : memref<250x80xi32, #tpu.memory_space<vmem>>, vector<16xi32>,
        %shift_right_logical3A_528 = arith.constant 14 : i32
        %shift_right_logical3A_529 = vector.broadcast %shift_right_logical3A_528 : i32 to vector<16xi32>
        %shift_right_logical3A_530 = arith.shrui %get3A_527, %shift_right_logical3A_529 : vector<16xi32>
        %and3A_531 = arith.constant 16383 : i32
        %and3A_532 = vector.broadcast %and3A_531 : i32 to vector<16xi32>
        %and3A_533 = arith.andi %get3A_527, %and3A_532 : vector<16xi32>
        %add3A_534 = vector.broadcast %mul3A_65 : i32 to vector<16xi32>
        %add3A_535 = arith.addi %shift_right_logical3A_530, %add3A_534 : vector<16xi32>
        %swap3A_536 = arith.constant 48 : index
        %swap3A_537 = tpu.vector_load %arg10[%swap3A_536] {strides = array<i32>} : memref<80xi32, #tpu.memory_space<vmem>>, vector<16xi32>,
        tpu.vector_store %arg10[%swap3A_536], %add3A_535 {strides = array<i32>} : memref<80xi32, #tpu.memory_space<vmem>>, vector<16xi32>,
        %swap3A_538 = arith.constant 48 : index
        %swap3A_539 = tpu.vector_load %arg14[%swap3A_538] {strides = array<i32>} : memref<80xi32, #tpu.memory_space<vmem>>, vector<16xi32>,
        tpu.vector_store %arg14[%swap3A_538], %and3A_533 {strides = array<i32>} : memref<80xi32, #tpu.memory_space<vmem>>, vector<16xi32>,
        %mul3A_540 = arith.constant 2 : i32
        %mul3A_541 = vector.broadcast %mul3A_540 : i32 to vector<16xi32>
        %mul3A_542 = arith.muli %shift_right_logical3A_530, %mul3A_541 : vector<16xi32>
        %gather3A_543 = tpu.vector_load_idx %arg7[%mul3A_542] : memref<20000xf32, #tpu.memory_space<vmem>>[vector<16xi32>], vector<16xf32>,
        %mul3A_544 = arith.constant 2 : i32
        %mul3A_545 = vector.broadcast %mul3A_544 : i32 to vector<16xi32>
        %mul3A_546 = arith.muli %and3A_533, %mul3A_545 : vector<16xi32>
        %add3A_547 = arith.constant 1 : i32
        %add3A_548 = vector.broadcast %add3A_547 : i32 to vector<16xi32>
        %add3A_549 = arith.addi %mul3A_546, %add3A_548 : vector<16xi32>
        %gather3A_550 = tpu.vector_load_idx %arg7[%add3A_549] : memref<20000xf32, #tpu.memory_space<vmem>>[vector<16xi32>], vector<16xf32>,
        %add3A_551 = arith.addf %gather3A_543, %gather3A_550 : vector<16xf32>
        %mul3A_552 = arith.constant 2.000000e-01 : f32
        %mul3A_553 = vector.broadcast %mul3A_552 : f32 to vector<16xf32>
        %mul3A_554 = arith.mulf %add3A_551, %mul3A_553 : vector<16xf32>
        %max3A_555 = arith.maximumf %add3A_551, %mul3A_554 : vector<16xf32>
        %exp3A_556 = math.exp %max3A_555 : vector<16xf32>
        %swap3A_557 = arith.constant 48 : index
        %swap3A_558 = tpu.vector_load %arg18[%swap3A_557] {strides = array<i32>} : memref<96xf32, #tpu.memory_space<vmem>>, vector<16xf32>,
        tpu.vector_store %arg18[%swap3A_557], %exp3A_556 {strides = array<i32>} : memref<96xf32, #tpu.memory_space<vmem>>, vector<16xf32>,
        tpu.vector_store_idx %arg21[%and3A_533], %exp3A_556 {add = true} : memref<10000xf32, #tpu.memory_space<vmem>>[vector<16xi32>], vector<16xf32>,
        %get3A_559 = arith.index_cast %add3A_422 : i32 to index
        %get3A_560 = arith.constant 64 : index
        %get3A_561 = tpu.vector_load %arg8[%get3A_559, %get3A_560] {strides = array<i32>} : memref<250x80xi32, #tpu.memory_space<vmem>>, vector<16xi32>,
        %shift_right_logical3A_562 = arith.constant 14 : i32
        %shift_right_logical3A_563 = vector.broadcast %shift_right_logical3A_562 : i32 to vector<16xi32>
        %shift_right_logical3A_564 = arith.shrui %get3A_561, %shift_right_logical3A_563 : vector<16xi32>
        %and3A_565 = arith.constant 16383 : i32
        %and3A_566 = vector.broadcast %and3A_565 : i32 to vector<16xi32>
        %and3A_567 = arith.andi %get3A_561, %and3A_566 : vector<16xi32>
        %add3A_568 = vector.broadcast %mul3A_65 : i32 to vector<16xi32>
        %add3A_569 = arith.addi %shift_right_logical3A_564, %add3A_568 : vector<16xi32>
        %swap3A_570 = arith.constant 64 : index
        %swap3A_571 = tpu.vector_load %arg10[%swap3A_570] {strides = array<i32>} : memref<80xi32, #tpu.memory_space<vmem>>, vector<16xi32>,
        tpu.vector_store %arg10[%swap3A_570], %add3A_569 {strides = array<i32>} : memref<80xi32, #tpu.memory_space<vmem>>, vector<16xi32>,
        %swap3A_572 = arith.constant 64 : index
        %swap3A_573 = tpu.vector_load %arg14[%swap3A_572] {strides = array<i32>} : memref<80xi32, #tpu.memory_space<vmem>>, vector<16xi32>,
        tpu.vector_store %arg14[%swap3A_572], %and3A_567 {strides = array<i32>} : memref<80xi32, #tpu.memory_space<vmem>>, vector<16xi32>,
        %mul3A_574 = arith.constant 2 : i32
        %mul3A_575 = vector.broadcast %mul3A_574 : i32 to vector<16xi32>
        %mul3A_576 = arith.muli %shift_right_logical3A_564, %mul3A_575 : vector<16xi32>
        %gather3A_577 = tpu.vector_load_idx %arg7[%mul3A_576] : memref<20000xf32, #tpu.memory_space<vmem>>[vector<16xi32>], vector<16xf32>,
        %mul3A_578 = arith.constant 2 : i32
        %mul3A_579 = vector.broadcast %mul3A_578 : i32 to vector<16xi32>
        %mul3A_580 = arith.muli %and3A_567, %mul3A_579 : vector<16xi32>
        %add3A_581 = arith.constant 1 : i32
        %add3A_582 = vector.broadcast %add3A_581 : i32 to vector<16xi32>
        %add3A_583 = arith.addi %mul3A_580, %add3A_582 : vector<16xi32>
        %gather3A_584 = tpu.vector_load_idx %arg7[%add3A_583] : memref<20000xf32, #tpu.memory_space<vmem>>[vector<16xi32>], vector<16xf32>,
        %add3A_585 = arith.addf %gather3A_577, %gather3A_584 : vector<16xf32>
        %mul3A_586 = arith.constant 2.000000e-01 : f32
        %mul3A_587 = vector.broadcast %mul3A_586 : f32 to vector<16xf32>
        %mul3A_588 = arith.mulf %add3A_585, %mul3A_587 : vector<16xf32>
        %max3A_589 = arith.maximumf %add3A_585, %mul3A_588 : vector<16xf32>
        %exp3A_590 = math.exp %max3A_589 : vector<16xf32>
        %swap3A_591 = arith.constant 64 : index
        %swap3A_592 = tpu.vector_load %arg18[%swap3A_591] {strides = array<i32>} : memref<96xf32, #tpu.memory_space<vmem>>, vector<16xf32>,
        tpu.vector_store %arg18[%swap3A_591], %exp3A_590 {strides = array<i32>} : memref<96xf32, #tpu.memory_space<vmem>>, vector<16xf32>,
        tpu.vector_store_idx %arg21[%and3A_567], %exp3A_590 {add = true} : memref<10000xf32, #tpu.memory_space<vmem>>[vector<16xi32>], vector<16xf32>,
        %dma_start3A_593 = arith.constant 0 : i32
        %dma_start3A_594 = arith.constant 0 : i32
        %dma_start3A_595 = tpu.memref_slice %arg2[%dma_start3A_593, %dma_start3A_594] : memref<20000x64xf32, #tpu.memory_space<hbm>> -> memref<20000x64xf32, #tpu.memory_space<hbm>>
        tpu.enqueue_indirect_dma source(%dma_start3A_595 : memref<20000x64xf32, #tpu.memory_space<hbm>>) target(%arg23 : memref<80x64xf32, #tpu.memory_space<vmem>>) offsets(%arg10 : memref<80xi32, #tpu.memory_space<vmem>>) semaphore(%arg28 : memref<!tpu.dma_semaphore, #tpu.memory_space<semaphore_mem>>)
      } else {
      }
      %lt3A_337 = arith.constant 250 : i32
      %lt3A_338 = arith.cmpi slt, %add3A_320, %lt3A_337 : i32
      %convert_element_type3A_339 = arith.extui %lt3A_338 : i1 to i32
      %cond3A_340 = arith.constant 0 : i32
      %cond3A_341 = arith.cmpi ne, %convert_element_type3A_339, %cond3A_340 : i32
      scf.if %cond3A_341 {
        %dma_wait3A_421 = arith.constant 0 : i32
        %dma_wait3A_422 = arith.constant 0 : i32
        %dma_wait3A_423 = tpu.memref_slice %arg2[%dma_wait3A_421, %dma_wait3A_422] : memref<20000x64xf32, #tpu.memory_space<hbm>> -> memref<20000x64xf32, #tpu.memory_space<hbm>>
        tpu.wait_indirect_dma semaphore(%arg27 : memref<!tpu.dma_semaphore, #tpu.memory_space<semaphore_mem>>) src(%dma_wait3A_423 : memref<20000x64xf32, #tpu.memory_space<hbm>>) dst(%arg22 : memref<80x64xf32, #tpu.memory_space<vmem>>)
        %scan3A_424 = arith.constant 0 : i32
        %scan3A_425 = arith.constant 0 : i32
        %scan3A_426 = arith.constant 80 : i32
        %scan3A_427 = arith.addi %scan3A_425, %scan3A_426 : i32
        %scan3A_428 = arith.constant 1 : i32
        %scan3A_429 = scf.for %scan3A_434 = %scan3A_425 to %scan3A_427 step %scan3A_428 iter_args(%scan3A_435 = %scan3A_424) -> (i32)  : i32 {
          %get3A_436 = arith.index_cast %scan3A_434 : i32 to index
          %get3A_437 = tpu.vector_load %arg17[%get3A_436] {strides = array<i32>} : memref<96xf32, #tpu.memory_space<vmem>>, vector<16xf32>,
          %slice3A = vector.extract_strided_slice %get3A_437 {offsets = [0], sizes = [1], strides = [1]} : vector<16xf32> to vector<1xf32>
          %squeeze3A = vector.extract %slice3A[0] : f32 from vector<1xf32>
          %get3A_438 = arith.index_cast %scan3A_434 : i32 to index
          %get3A_439 = arith.constant 0 : index
          %get3A_440 = tpu.vector_load %arg22[%get3A_438, %get3A_439] {strides = array<i32>} : memref<80x64xf32, #tpu.memory_space<vmem>>, vector<16xf32>,
          %mul3A_441 = vector.broadcast %squeeze3A : f32 to vector<16xf32>
          %mul3A_442 = arith.mulf %get3A_440, %mul3A_441 : vector<16xf32>
          %swap3A_443 = arith.index_cast %scan3A_434 : i32 to index
          %swap3A_444 = arith.constant 0 : index
          %swap3A_445 = tpu.vector_load %arg22[%swap3A_443, %swap3A_444] {strides = array<i32>} : memref<80x64xf32, #tpu.memory_space<vmem>>, vector<16xf32>,
          tpu.vector_store %arg22[%swap3A_443, %swap3A_444], %mul3A_442 {strides = array<i32>} : memref<80x64xf32, #tpu.memory_space<vmem>>, vector<16xf32>,
          %get3A_446 = arith.index_cast %scan3A_434 : i32 to index
          %get3A_447 = arith.constant 16 : index
          %get3A_448 = tpu.vector_load %arg22[%get3A_446, %get3A_447] {strides = array<i32>} : memref<80x64xf32, #tpu.memory_space<vmem>>, vector<16xf32>,
          %mul3A_449 = vector.broadcast %squeeze3A : f32 to vector<16xf32>
          %mul3A_450 = arith.mulf %get3A_448, %mul3A_449 : vector<16xf32>
          %swap3A_451 = arith.index_cast %scan3A_434 : i32 to index
          %swap3A_452 = arith.constant 16 : index
          %swap3A_453 = tpu.vector_load %arg22[%swap3A_451, %swap3A_452] {strides = array<i32>} : memref<80x64xf32, #tpu.memory_space<vmem>>, vector<16xf32>,
          tpu.vector_store %arg22[%swap3A_451, %swap3A_452], %mul3A_450 {strides = array<i32>} : memref<80x64xf32, #tpu.memory_space<vmem>>, vector<16xf32>,
          %get3A_454 = arith.index_cast %scan3A_434 : i32 to index
          %get3A_455 = arith.constant 32 : index
          %get3A_456 = tpu.vector_load %arg22[%get3A_454, %get3A_455] {strides = array<i32>} : memref<80x64xf32, #tpu.memory_space<vmem>>, vector<16xf32>,
          %mul3A_457 = vector.broadcast %squeeze3A : f32 to vector<16xf32>
          %mul3A_458 = arith.mulf %get3A_456, %mul3A_457 : vector<16xf32>
          %swap3A_459 = arith.index_cast %scan3A_434 : i32 to index
          %swap3A_460 = arith.constant 32 : index
          %swap3A_461 = tpu.vector_load %arg22[%swap3A_459, %swap3A_460] {strides = array<i32>} : memref<80x64xf32, #tpu.memory_space<vmem>>, vector<16xf32>,
          tpu.vector_store %arg22[%swap3A_459, %swap3A_460], %mul3A_458 {strides = array<i32>} : memref<80x64xf32, #tpu.memory_space<vmem>>, vector<16xf32>,
          %get3A_462 = arith.index_cast %scan3A_434 : i32 to index
          %get3A_463 = arith.constant 48 : index
          %get3A_464 = tpu.vector_load %arg22[%get3A_462, %get3A_463] {strides = array<i32>} : memref<80x64xf32, #tpu.memory_space<vmem>>, vector<16xf32>,
          %mul3A_465 = vector.broadcast %squeeze3A : f32 to vector<16xf32>
          %mul3A_466 = arith.mulf %get3A_464, %mul3A_465 : vector<16xf32>
          %swap3A_467 = arith.index_cast %scan3A_434 : i32 to index
          %swap3A_468 = arith.constant 48 : index
          %swap3A_469 = tpu.vector_load %arg22[%swap3A_467, %swap3A_468] {strides = array<i32>} : memref<80x64xf32, #tpu.memory_space<vmem>>, vector<16xf32>,
          tpu.vector_store %arg22[%swap3A_467, %swap3A_468], %mul3A_466 {strides = array<i32>} : memref<80x64xf32, #tpu.memory_space<vmem>>, vector<16xf32>,
          %scan3A_470 = arith.constant 0 : i32
          scf.yield %scan3A_470 : i32
        }
        %scan3A_430 = arith.constant 80 : i32
        %dma_start3A_431 = arith.constant 0 : i32
        %dma_start3A_432 = arith.constant 0 : i32
        %dma_start3A_433 = tpu.memref_slice %arg26[%dma_start3A_431, %dma_start3A_432] : memref<10000x64xf32, #tpu.memory_space<vmem_shared>> -> memref<10000x64xf32, #tpu.memory_space<vmem_shared>>
        tpu.enqueue_indirect_dma source(%arg22 : memref<80x64xf32, #tpu.memory_space<vmem>>) target(%dma_start3A_433 : memref<10000x64xf32, #tpu.memory_space<vmem_shared>>) offsets(%arg13 : memref<80xi32, #tpu.memory_space<vmem>>) semaphore(%arg31 : memref<!tpu.dma_semaphore, #tpu.memory_space<semaphore_mem>>) {add = true}
      } else {
      }
      %mul3A_342 = arith.constant 4 : i32
      %mul3A_343 = arith.muli %mul3A_342, %scan3A_315 : i32
      %add3A_344 = arith.constant 1 : i32
      %add3A_345 = arith.addi %mul3A_343, %add3A_344 : i32
      %add3A_346 = arith.constant 1 : i32
      %add3A_347 = arith.addi %add3A_345, %add3A_346 : i32
      %lt3A_348 = arith.constant 250 : i32
      %lt3A_349 = arith.cmpi slt, %add3A_347, %lt3A_348 : i32
      %ge3A_350 = arith.constant 3 : i32
      %ge3A_351 = arith.cmpi sge, %add3A_345, %ge3A_350 : i32
      %and3A_352 = arith.andi %lt3A_349, %ge3A_351 : i1
      %convert_element_type3A_353 = arith.extui %and3A_352 : i1 to i32
      %cond3A_354 = arith.constant 0 : i32
      %cond3A_355 = arith.cmpi ne, %convert_element_type3A_353, %cond3A_354 : i32
      scf.if %cond3A_355 {
        %dma_wait3A_421 = arith.constant 0 : i32
        %dma_wait3A_422 = arith.constant 0 : i32
        %dma_wait3A_423 = tpu.memref_slice %arg26[%dma_wait3A_421, %dma_wait3A_422] : memref<10000x64xf32, #tpu.memory_space<vmem_shared>> -> memref<10000x64xf32, #tpu.memory_space<vmem_shared>>
        tpu.wait_indirect_dma semaphore(%arg33 : memref<!tpu.dma_semaphore, #tpu.memory_space<semaphore_mem>>) src(%arg24 : memref<80x64xf32, #tpu.memory_space<vmem>>) dst(%dma_wait3A_423 : memref<10000x64xf32, #tpu.memory_space<vmem_shared>>)
      } else {
      }
      %add3A_356 = arith.constant 1 : i32
      %add3A_357 = arith.addi %add3A_345, %add3A_356 : i32
      %lt3A_358 = arith.constant 250 : i32
      %lt3A_359 = arith.cmpi slt, %add3A_357, %lt3A_358 : i32
      %convert_element_type3A_360 = arith.extui %lt3A_359 : i1 to i32
      %cond3A_361 = arith.constant 0 : i32
      %cond3A_362 = arith.cmpi ne, %convert_element_type3A_360, %cond3A_361 : i32
      scf.if %cond3A_362 {
        %add3A_421 = arith.constant 1 : i32
        %add3A_422 = arith.addi %add3A_345, %add3A_421 : i32
        %get3A_423 = arith.index_cast %add3A_422 : i32 to index
        %get3A_424 = arith.constant 0 : index
        %get3A_425 = tpu.vector_load %arg8[%get3A_423, %get3A_424] {strides = array<i32>} : memref<250x80xi32, #tpu.memory_space<vmem>>, vector<16xi32>,
        %shift_right_logical3A_426 = arith.constant 14 : i32
        %shift_right_logical3A_427 = vector.broadcast %shift_right_logical3A_426 : i32 to vector<16xi32>
        %shift_right_logical3A_428 = arith.shrui %get3A_425, %shift_right_logical3A_427 : vector<16xi32>
        %and3A_429 = arith.constant 16383 : i32
        %and3A_430 = vector.broadcast %and3A_429 : i32 to vector<16xi32>
        %and3A_431 = arith.andi %get3A_425, %and3A_430 : vector<16xi32>
        %add3A_432 = vector.broadcast %mul3A_65 : i32 to vector<16xi32>
        %add3A_433 = arith.addi %shift_right_logical3A_428, %add3A_432 : vector<16xi32>
        %swap3A_434 = arith.constant 0 : index
        %swap3A_435 = tpu.vector_load %arg11[%swap3A_434] {strides = array<i32>} : memref<80xi32, #tpu.memory_space<vmem>>, vector<16xi32>,
        tpu.vector_store %arg11[%swap3A_434], %add3A_433 {strides = array<i32>} : memref<80xi32, #tpu.memory_space<vmem>>, vector<16xi32>,
        %swap3A_436 = arith.constant 0 : index
        %swap3A_437 = tpu.vector_load %arg15[%swap3A_436] {strides = array<i32>} : memref<80xi32, #tpu.memory_space<vmem>>, vector<16xi32>,
        tpu.vector_store %arg15[%swap3A_436], %and3A_431 {strides = array<i32>} : memref<80xi32, #tpu.memory_space<vmem>>, vector<16xi32>,
        %mul3A_438 = arith.constant 2 : i32
        %mul3A_439 = vector.broadcast %mul3A_438 : i32 to vector<16xi32>
        %mul3A_440 = arith.muli %shift_right_logical3A_428, %mul3A_439 : vector<16xi32>
        %gather3A_441 = tpu.vector_load_idx %arg7[%mul3A_440] : memref<20000xf32, #tpu.memory_space<vmem>>[vector<16xi32>], vector<16xf32>,
        %mul3A_442 = arith.constant 2 : i32
        %mul3A_443 = vector.broadcast %mul3A_442 : i32 to vector<16xi32>
        %mul3A_444 = arith.muli %and3A_431, %mul3A_443 : vector<16xi32>
        %add3A_445 = arith.constant 1 : i32
        %add3A_446 = vector.broadcast %add3A_445 : i32 to vector<16xi32>
        %add3A_447 = arith.addi %mul3A_444, %add3A_446 : vector<16xi32>
        %gather3A_448 = tpu.vector_load_idx %arg7[%add3A_447] : memref<20000xf32, #tpu.memory_space<vmem>>[vector<16xi32>], vector<16xf32>,
        %add3A_449 = arith.addf %gather3A_441, %gather3A_448 : vector<16xf32>
        %mul3A_450 = arith.constant 2.000000e-01 : f32
        %mul3A_451 = vector.broadcast %mul3A_450 : f32 to vector<16xf32>
        %mul3A_452 = arith.mulf %add3A_449, %mul3A_451 : vector<16xf32>
        %max3A_453 = arith.maximumf %add3A_449, %mul3A_452 : vector<16xf32>
        %exp3A_454 = math.exp %max3A_453 : vector<16xf32>
        %swap3A_455 = arith.constant 0 : index
        %swap3A_456 = tpu.vector_load %arg19[%swap3A_455] {strides = array<i32>} : memref<96xf32, #tpu.memory_space<vmem>>, vector<16xf32>,
        tpu.vector_store %arg19[%swap3A_455], %exp3A_454 {strides = array<i32>} : memref<96xf32, #tpu.memory_space<vmem>>, vector<16xf32>,
        tpu.vector_store_idx %arg21[%and3A_431], %exp3A_454 {add = true} : memref<10000xf32, #tpu.memory_space<vmem>>[vector<16xi32>], vector<16xf32>,
        %get3A_457 = arith.index_cast %add3A_422 : i32 to index
        %get3A_458 = arith.constant 16 : index
        %get3A_459 = tpu.vector_load %arg8[%get3A_457, %get3A_458] {strides = array<i32>} : memref<250x80xi32, #tpu.memory_space<vmem>>, vector<16xi32>,
        %shift_right_logical3A_460 = arith.constant 14 : i32
        %shift_right_logical3A_461 = vector.broadcast %shift_right_logical3A_460 : i32 to vector<16xi32>
        %shift_right_logical3A_462 = arith.shrui %get3A_459, %shift_right_logical3A_461 : vector<16xi32>
        %and3A_463 = arith.constant 16383 : i32
        %and3A_464 = vector.broadcast %and3A_463 : i32 to vector<16xi32>
        %and3A_465 = arith.andi %get3A_459, %and3A_464 : vector<16xi32>
        %add3A_466 = vector.broadcast %mul3A_65 : i32 to vector<16xi32>
        %add3A_467 = arith.addi %shift_right_logical3A_462, %add3A_466 : vector<16xi32>
        %swap3A_468 = arith.constant 16 : index
        %swap3A_469 = tpu.vector_load %arg11[%swap3A_468] {strides = array<i32>} : memref<80xi32, #tpu.memory_space<vmem>>, vector<16xi32>,
        tpu.vector_store %arg11[%swap3A_468], %add3A_467 {strides = array<i32>} : memref<80xi32, #tpu.memory_space<vmem>>, vector<16xi32>,
        %swap3A_470 = arith.constant 16 : index
        %swap3A_471 = tpu.vector_load %arg15[%swap3A_470] {strides = array<i32>} : memref<80xi32, #tpu.memory_space<vmem>>, vector<16xi32>,
        tpu.vector_store %arg15[%swap3A_470], %and3A_465 {strides = array<i32>} : memref<80xi32, #tpu.memory_space<vmem>>, vector<16xi32>,
        %mul3A_472 = arith.constant 2 : i32
        %mul3A_473 = vector.broadcast %mul3A_472 : i32 to vector<16xi32>
        %mul3A_474 = arith.muli %shift_right_logical3A_462, %mul3A_473 : vector<16xi32>
        %gather3A_475 = tpu.vector_load_idx %arg7[%mul3A_474] : memref<20000xf32, #tpu.memory_space<vmem>>[vector<16xi32>], vector<16xf32>,
        %mul3A_476 = arith.constant 2 : i32
        %mul3A_477 = vector.broadcast %mul3A_476 : i32 to vector<16xi32>
        %mul3A_478 = arith.muli %and3A_465, %mul3A_477 : vector<16xi32>
        %add3A_479 = arith.constant 1 : i32
        %add3A_480 = vector.broadcast %add3A_479 : i32 to vector<16xi32>
        %add3A_481 = arith.addi %mul3A_478, %add3A_480 : vector<16xi32>
        %gather3A_482 = tpu.vector_load_idx %arg7[%add3A_481] : memref<20000xf32, #tpu.memory_space<vmem>>[vector<16xi32>], vector<16xf32>,
        %add3A_483 = arith.addf %gather3A_475, %gather3A_482 : vector<16xf32>
        %mul3A_484 = arith.constant 2.000000e-01 : f32
        %mul3A_485 = vector.broadcast %mul3A_484 : f32 to vector<16xf32>
        %mul3A_486 = arith.mulf %add3A_483, %mul3A_485 : vector<16xf32>
        %max3A_487 = arith.maximumf %add3A_483, %mul3A_486 : vector<16xf32>
        %exp3A_488 = math.exp %max3A_487 : vector<16xf32>
        %swap3A_489 = arith.constant 16 : index
        %swap3A_490 = tpu.vector_load %arg19[%swap3A_489] {strides = array<i32>} : memref<96xf32, #tpu.memory_space<vmem>>, vector<16xf32>,
        tpu.vector_store %arg19[%swap3A_489], %exp3A_488 {strides = array<i32>} : memref<96xf32, #tpu.memory_space<vmem>>, vector<16xf32>,
        tpu.vector_store_idx %arg21[%and3A_465], %exp3A_488 {add = true} : memref<10000xf32, #tpu.memory_space<vmem>>[vector<16xi32>], vector<16xf32>,
        %get3A_491 = arith.index_cast %add3A_422 : i32 to index
        %get3A_492 = arith.constant 32 : index
        %get3A_493 = tpu.vector_load %arg8[%get3A_491, %get3A_492] {strides = array<i32>} : memref<250x80xi32, #tpu.memory_space<vmem>>, vector<16xi32>,
        %shift_right_logical3A_494 = arith.constant 14 : i32
        %shift_right_logical3A_495 = vector.broadcast %shift_right_logical3A_494 : i32 to vector<16xi32>
        %shift_right_logical3A_496 = arith.shrui %get3A_493, %shift_right_logical3A_495 : vector<16xi32>
        %and3A_497 = arith.constant 16383 : i32
        %and3A_498 = vector.broadcast %and3A_497 : i32 to vector<16xi32>
        %and3A_499 = arith.andi %get3A_493, %and3A_498 : vector<16xi32>
        %add3A_500 = vector.broadcast %mul3A_65 : i32 to vector<16xi32>
        %add3A_501 = arith.addi %shift_right_logical3A_496, %add3A_500 : vector<16xi32>
        %swap3A_502 = arith.constant 32 : index
        %swap3A_503 = tpu.vector_load %arg11[%swap3A_502] {strides = array<i32>} : memref<80xi32, #tpu.memory_space<vmem>>, vector<16xi32>,
        tpu.vector_store %arg11[%swap3A_502], %add3A_501 {strides = array<i32>} : memref<80xi32, #tpu.memory_space<vmem>>, vector<16xi32>,
        %swap3A_504 = arith.constant 32 : index
        %swap3A_505 = tpu.vector_load %arg15[%swap3A_504] {strides = array<i32>} : memref<80xi32, #tpu.memory_space<vmem>>, vector<16xi32>,
        tpu.vector_store %arg15[%swap3A_504], %and3A_499 {strides = array<i32>} : memref<80xi32, #tpu.memory_space<vmem>>, vector<16xi32>,
        %mul3A_506 = arith.constant 2 : i32
        %mul3A_507 = vector.broadcast %mul3A_506 : i32 to vector<16xi32>
        %mul3A_508 = arith.muli %shift_right_logical3A_496, %mul3A_507 : vector<16xi32>
        %gather3A_509 = tpu.vector_load_idx %arg7[%mul3A_508] : memref<20000xf32, #tpu.memory_space<vmem>>[vector<16xi32>], vector<16xf32>,
        %mul3A_510 = arith.constant 2 : i32
        %mul3A_511 = vector.broadcast %mul3A_510 : i32 to vector<16xi32>
        %mul3A_512 = arith.muli %and3A_499, %mul3A_511 : vector<16xi32>
        %add3A_513 = arith.constant 1 : i32
        %add3A_514 = vector.broadcast %add3A_513 : i32 to vector<16xi32>
        %add3A_515 = arith.addi %mul3A_512, %add3A_514 : vector<16xi32>
        %gather3A_516 = tpu.vector_load_idx %arg7[%add3A_515] : memref<20000xf32, #tpu.memory_space<vmem>>[vector<16xi32>], vector<16xf32>,
        %add3A_517 = arith.addf %gather3A_509, %gather3A_516 : vector<16xf32>
        %mul3A_518 = arith.constant 2.000000e-01 : f32
        %mul3A_519 = vector.broadcast %mul3A_518 : f32 to vector<16xf32>
        %mul3A_520 = arith.mulf %add3A_517, %mul3A_519 : vector<16xf32>
        %max3A_521 = arith.maximumf %add3A_517, %mul3A_520 : vector<16xf32>
        %exp3A_522 = math.exp %max3A_521 : vector<16xf32>
        %swap3A_523 = arith.constant 32 : index
        %swap3A_524 = tpu.vector_load %arg19[%swap3A_523] {strides = array<i32>} : memref<96xf32, #tpu.memory_space<vmem>>, vector<16xf32>,
        tpu.vector_store %arg19[%swap3A_523], %exp3A_522 {strides = array<i32>} : memref<96xf32, #tpu.memory_space<vmem>>, vector<16xf32>,
        tpu.vector_store_idx %arg21[%and3A_499], %exp3A_522 {add = true} : memref<10000xf32, #tpu.memory_space<vmem>>[vector<16xi32>], vector<16xf32>,
        %get3A_525 = arith.index_cast %add3A_422 : i32 to index
        %get3A_526 = arith.constant 48 : index
        %get3A_527 = tpu.vector_load %arg8[%get3A_525, %get3A_526] {strides = array<i32>} : memref<250x80xi32, #tpu.memory_space<vmem>>, vector<16xi32>,
        %shift_right_logical3A_528 = arith.constant 14 : i32
        %shift_right_logical3A_529 = vector.broadcast %shift_right_logical3A_528 : i32 to vector<16xi32>
        %shift_right_logical3A_530 = arith.shrui %get3A_527, %shift_right_logical3A_529 : vector<16xi32>
        %and3A_531 = arith.constant 16383 : i32
        %and3A_532 = vector.broadcast %and3A_531 : i32 to vector<16xi32>
        %and3A_533 = arith.andi %get3A_527, %and3A_532 : vector<16xi32>
        %add3A_534 = vector.broadcast %mul3A_65 : i32 to vector<16xi32>
        %add3A_535 = arith.addi %shift_right_logical3A_530, %add3A_534 : vector<16xi32>
        %swap3A_536 = arith.constant 48 : index
        %swap3A_537 = tpu.vector_load %arg11[%swap3A_536] {strides = array<i32>} : memref<80xi32, #tpu.memory_space<vmem>>, vector<16xi32>,
        tpu.vector_store %arg11[%swap3A_536], %add3A_535 {strides = array<i32>} : memref<80xi32, #tpu.memory_space<vmem>>, vector<16xi32>,
        %swap3A_538 = arith.constant 48 : index
        %swap3A_539 = tpu.vector_load %arg15[%swap3A_538] {strides = array<i32>} : memref<80xi32, #tpu.memory_space<vmem>>, vector<16xi32>,
        tpu.vector_store %arg15[%swap3A_538], %and3A_533 {strides = array<i32>} : memref<80xi32, #tpu.memory_space<vmem>>, vector<16xi32>,
        %mul3A_540 = arith.constant 2 : i32
        %mul3A_541 = vector.broadcast %mul3A_540 : i32 to vector<16xi32>
        %mul3A_542 = arith.muli %shift_right_logical3A_530, %mul3A_541 : vector<16xi32>
        %gather3A_543 = tpu.vector_load_idx %arg7[%mul3A_542] : memref<20000xf32, #tpu.memory_space<vmem>>[vector<16xi32>], vector<16xf32>,
        %mul3A_544 = arith.constant 2 : i32
        %mul3A_545 = vector.broadcast %mul3A_544 : i32 to vector<16xi32>
        %mul3A_546 = arith.muli %and3A_533, %mul3A_545 : vector<16xi32>
        %add3A_547 = arith.constant 1 : i32
        %add3A_548 = vector.broadcast %add3A_547 : i32 to vector<16xi32>
        %add3A_549 = arith.addi %mul3A_546, %add3A_548 : vector<16xi32>
        %gather3A_550 = tpu.vector_load_idx %arg7[%add3A_549] : memref<20000xf32, #tpu.memory_space<vmem>>[vector<16xi32>], vector<16xf32>,
        %add3A_551 = arith.addf %gather3A_543, %gather3A_550 : vector<16xf32>
        %mul3A_552 = arith.constant 2.000000e-01 : f32
        %mul3A_553 = vector.broadcast %mul3A_552 : f32 to vector<16xf32>
        %mul3A_554 = arith.mulf %add3A_551, %mul3A_553 : vector<16xf32>
        %max3A_555 = arith.maximumf %add3A_551, %mul3A_554 : vector<16xf32>
        %exp3A_556 = math.exp %max3A_555 : vector<16xf32>
        %swap3A_557 = arith.constant 48 : index
        %swap3A_558 = tpu.vector_load %arg19[%swap3A_557] {strides = array<i32>} : memref<96xf32, #tpu.memory_space<vmem>>, vector<16xf32>,
        tpu.vector_store %arg19[%swap3A_557], %exp3A_556 {strides = array<i32>} : memref<96xf32, #tpu.memory_space<vmem>>, vector<16xf32>,
        tpu.vector_store_idx %arg21[%and3A_533], %exp3A_556 {add = true} : memref<10000xf32, #tpu.memory_space<vmem>>[vector<16xi32>], vector<16xf32>,
        %get3A_559 = arith.index_cast %add3A_422 : i32 to index
        %get3A_560 = arith.constant 64 : index
        %get3A_561 = tpu.vector_load %arg8[%get3A_559, %get3A_560] {strides = array<i32>} : memref<250x80xi32, #tpu.memory_space<vmem>>, vector<16xi32>,
        %shift_right_logical3A_562 = arith.constant 14 : i32
        %shift_right_logical3A_563 = vector.broadcast %shift_right_logical3A_562 : i32 to vector<16xi32>
        %shift_right_logical3A_564 = arith.shrui %get3A_561, %shift_right_logical3A_563 : vector<16xi32>
        %and3A_565 = arith.constant 16383 : i32
        %and3A_566 = vector.broadcast %and3A_565 : i32 to vector<16xi32>
        %and3A_567 = arith.andi %get3A_561, %and3A_566 : vector<16xi32>
        %add3A_568 = vector.broadcast %mul3A_65 : i32 to vector<16xi32>
        %add3A_569 = arith.addi %shift_right_logical3A_564, %add3A_568 : vector<16xi32>
        %swap3A_570 = arith.constant 64 : index
        %swap3A_571 = tpu.vector_load %arg11[%swap3A_570] {strides = array<i32>} : memref<80xi32, #tpu.memory_space<vmem>>, vector<16xi32>,
        tpu.vector_store %arg11[%swap3A_570], %add3A_569 {strides = array<i32>} : memref<80xi32, #tpu.memory_space<vmem>>, vector<16xi32>,
        %swap3A_572 = arith.constant 64 : index
        %swap3A_573 = tpu.vector_load %arg15[%swap3A_572] {strides = array<i32>} : memref<80xi32, #tpu.memory_space<vmem>>, vector<16xi32>,
        tpu.vector_store %arg15[%swap3A_572], %and3A_567 {strides = array<i32>} : memref<80xi32, #tpu.memory_space<vmem>>, vector<16xi32>,
        %mul3A_574 = arith.constant 2 : i32
        %mul3A_575 = vector.broadcast %mul3A_574 : i32 to vector<16xi32>
        %mul3A_576 = arith.muli %shift_right_logical3A_564, %mul3A_575 : vector<16xi32>
        %gather3A_577 = tpu.vector_load_idx %arg7[%mul3A_576] : memref<20000xf32, #tpu.memory_space<vmem>>[vector<16xi32>], vector<16xf32>,
        %mul3A_578 = arith.constant 2 : i32
        %mul3A_579 = vector.broadcast %mul3A_578 : i32 to vector<16xi32>
        %mul3A_580 = arith.muli %and3A_567, %mul3A_579 : vector<16xi32>
        %add3A_581 = arith.constant 1 : i32
        %add3A_582 = vector.broadcast %add3A_581 : i32 to vector<16xi32>
        %add3A_583 = arith.addi %mul3A_580, %add3A_582 : vector<16xi32>
        %gather3A_584 = tpu.vector_load_idx %arg7[%add3A_583] : memref<20000xf32, #tpu.memory_space<vmem>>[vector<16xi32>], vector<16xf32>,
        %add3A_585 = arith.addf %gather3A_577, %gather3A_584 : vector<16xf32>
        %mul3A_586 = arith.constant 2.000000e-01 : f32
        %mul3A_587 = vector.broadcast %mul3A_586 : f32 to vector<16xf32>
        %mul3A_588 = arith.mulf %add3A_585, %mul3A_587 : vector<16xf32>
        %max3A_589 = arith.maximumf %add3A_585, %mul3A_588 : vector<16xf32>
        %exp3A_590 = math.exp %max3A_589 : vector<16xf32>
        %swap3A_591 = arith.constant 64 : index
        %swap3A_592 = tpu.vector_load %arg19[%swap3A_591] {strides = array<i32>} : memref<96xf32, #tpu.memory_space<vmem>>, vector<16xf32>,
        tpu.vector_store %arg19[%swap3A_591], %exp3A_590 {strides = array<i32>} : memref<96xf32, #tpu.memory_space<vmem>>, vector<16xf32>,
        tpu.vector_store_idx %arg21[%and3A_567], %exp3A_590 {add = true} : memref<10000xf32, #tpu.memory_space<vmem>>[vector<16xi32>], vector<16xf32>,
        %dma_start3A_593 = arith.constant 0 : i32
        %dma_start3A_594 = arith.constant 0 : i32
        %dma_start3A_595 = tpu.memref_slice %arg2[%dma_start3A_593, %dma_start3A_594] : memref<20000x64xf32, #tpu.memory_space<hbm>> -> memref<20000x64xf32, #tpu.memory_space<hbm>>
        tpu.enqueue_indirect_dma source(%dma_start3A_595 : memref<20000x64xf32, #tpu.memory_space<hbm>>) target(%arg24 : memref<80x64xf32, #tpu.memory_space<vmem>>) offsets(%arg11 : memref<80xi32, #tpu.memory_space<vmem>>) semaphore(%arg29 : memref<!tpu.dma_semaphore, #tpu.memory_space<semaphore_mem>>)
      } else {
      }
      %lt3A_363 = arith.constant 250 : i32
      %lt3A_364 = arith.cmpi slt, %add3A_345, %lt3A_363 : i32
      %convert_element_type3A_365 = arith.extui %lt3A_364 : i1 to i32
      %cond3A_366 = arith.constant 0 : i32
      %cond3A_367 = arith.cmpi ne, %convert_element_type3A_365, %cond3A_366 : i32
      scf.if %cond3A_367 {
        %dma_wait3A_421 = arith.constant 0 : i32
        %dma_wait3A_422 = arith.constant 0 : i32
        %dma_wait3A_423 = tpu.memref_slice %arg2[%dma_wait3A_421, %dma_wait3A_422] : memref<20000x64xf32, #tpu.memory_space<hbm>> -> memref<20000x64xf32, #tpu.memory_space<hbm>>
        tpu.wait_indirect_dma semaphore(%arg28 : memref<!tpu.dma_semaphore, #tpu.memory_space<semaphore_mem>>) src(%dma_wait3A_423 : memref<20000x64xf32, #tpu.memory_space<hbm>>) dst(%arg23 : memref<80x64xf32, #tpu.memory_space<vmem>>)
        %scan3A_424 = arith.constant 0 : i32
        %scan3A_425 = arith.constant 0 : i32
        %scan3A_426 = arith.constant 80 : i32
        %scan3A_427 = arith.addi %scan3A_425, %scan3A_426 : i32
        %scan3A_428 = arith.constant 1 : i32
        %scan3A_429 = scf.for %scan3A_434 = %scan3A_425 to %scan3A_427 step %scan3A_428 iter_args(%scan3A_435 = %scan3A_424) -> (i32)  : i32 {
          %get3A_436 = arith.index_cast %scan3A_434 : i32 to index
          %get3A_437 = tpu.vector_load %arg18[%get3A_436] {strides = array<i32>} : memref<96xf32, #tpu.memory_space<vmem>>, vector<16xf32>,
          %slice3A = vector.extract_strided_slice %get3A_437 {offsets = [0], sizes = [1], strides = [1]} : vector<16xf32> to vector<1xf32>
          %squeeze3A = vector.extract %slice3A[0] : f32 from vector<1xf32>
          %get3A_438 = arith.index_cast %scan3A_434 : i32 to index
          %get3A_439 = arith.constant 0 : index
          %get3A_440 = tpu.vector_load %arg23[%get3A_438, %get3A_439] {strides = array<i32>} : memref<80x64xf32, #tpu.memory_space<vmem>>, vector<16xf32>,
          %mul3A_441 = vector.broadcast %squeeze3A : f32 to vector<16xf32>
          %mul3A_442 = arith.mulf %get3A_440, %mul3A_441 : vector<16xf32>
          %swap3A_443 = arith.index_cast %scan3A_434 : i32 to index
          %swap3A_444 = arith.constant 0 : index
          %swap3A_445 = tpu.vector_load %arg23[%swap3A_443, %swap3A_444] {strides = array<i32>} : memref<80x64xf32, #tpu.memory_space<vmem>>, vector<16xf32>,
          tpu.vector_store %arg23[%swap3A_443, %swap3A_444], %mul3A_442 {strides = array<i32>} : memref<80x64xf32, #tpu.memory_space<vmem>>, vector<16xf32>,
          %get3A_446 = arith.index_cast %scan3A_434 : i32 to index
          %get3A_447 = arith.constant 16 : index
          %get3A_448 = tpu.vector_load %arg23[%get3A_446, %get3A_447] {strides = array<i32>} : memref<80x64xf32, #tpu.memory_space<vmem>>, vector<16xf32>,
          %mul3A_449 = vector.broadcast %squeeze3A : f32 to vector<16xf32>
          %mul3A_450 = arith.mulf %get3A_448, %mul3A_449 : vector<16xf32>
          %swap3A_451 = arith.index_cast %scan3A_434 : i32 to index
          %swap3A_452 = arith.constant 16 : index
          %swap3A_453 = tpu.vector_load %arg23[%swap3A_451, %swap3A_452] {strides = array<i32>} : memref<80x64xf32, #tpu.memory_space<vmem>>, vector<16xf32>,
          tpu.vector_store %arg23[%swap3A_451, %swap3A_452], %mul3A_450 {strides = array<i32>} : memref<80x64xf32, #tpu.memory_space<vmem>>, vector<16xf32>,
          %get3A_454 = arith.index_cast %scan3A_434 : i32 to index
          %get3A_455 = arith.constant 32 : index
          %get3A_456 = tpu.vector_load %arg23[%get3A_454, %get3A_455] {strides = array<i32>} : memref<80x64xf32, #tpu.memory_space<vmem>>, vector<16xf32>,
          %mul3A_457 = vector.broadcast %squeeze3A : f32 to vector<16xf32>
          %mul3A_458 = arith.mulf %get3A_456, %mul3A_457 : vector<16xf32>
          %swap3A_459 = arith.index_cast %scan3A_434 : i32 to index
          %swap3A_460 = arith.constant 32 : index
          %swap3A_461 = tpu.vector_load %arg23[%swap3A_459, %swap3A_460] {strides = array<i32>} : memref<80x64xf32, #tpu.memory_space<vmem>>, vector<16xf32>,
          tpu.vector_store %arg23[%swap3A_459, %swap3A_460], %mul3A_458 {strides = array<i32>} : memref<80x64xf32, #tpu.memory_space<vmem>>, vector<16xf32>,
          %get3A_462 = arith.index_cast %scan3A_434 : i32 to index
          %get3A_463 = arith.constant 48 : index
          %get3A_464 = tpu.vector_load %arg23[%get3A_462, %get3A_463] {strides = array<i32>} : memref<80x64xf32, #tpu.memory_space<vmem>>, vector<16xf32>,
          %mul3A_465 = vector.broadcast %squeeze3A : f32 to vector<16xf32>
          %mul3A_466 = arith.mulf %get3A_464, %mul3A_465 : vector<16xf32>
          %swap3A_467 = arith.index_cast %scan3A_434 : i32 to index
          %swap3A_468 = arith.constant 48 : index
          %swap3A_469 = tpu.vector_load %arg23[%swap3A_467, %swap3A_468] {strides = array<i32>} : memref<80x64xf32, #tpu.memory_space<vmem>>, vector<16xf32>,
          tpu.vector_store %arg23[%swap3A_467, %swap3A_468], %mul3A_466 {strides = array<i32>} : memref<80x64xf32, #tpu.memory_space<vmem>>, vector<16xf32>,
          %scan3A_470 = arith.constant 0 : i32
          scf.yield %scan3A_470 : i32
        }
        %scan3A_430 = arith.constant 80 : i32
        %dma_start3A_431 = arith.constant 0 : i32
        %dma_start3A_432 = arith.constant 0 : i32
        %dma_start3A_433 = tpu.memref_slice %arg26[%dma_start3A_431, %dma_start3A_432] : memref<10000x64xf32, #tpu.memory_space<vmem_shared>> -> memref<10000x64xf32, #tpu.memory_space<vmem_shared>>
        tpu.enqueue_indirect_dma source(%arg23 : memref<80x64xf32, #tpu.memory_space<vmem>>) target(%dma_start3A_433 : memref<10000x64xf32, #tpu.memory_space<vmem_shared>>) offsets(%arg14 : memref<80xi32, #tpu.memory_space<vmem>>) semaphore(%arg32 : memref<!tpu.dma_semaphore, #tpu.memory_space<semaphore_mem>>) {add = true}
      } else {
      }
      %mul3A_368 = arith.constant 4 : i32
      %mul3A_369 = arith.muli %mul3A_368, %scan3A_315 : i32
      %add3A_370 = arith.constant 2 : i32
      %add3A_371 = arith.addi %mul3A_369, %add3A_370 : i32
      %add3A_372 = arith.constant 1 : i32
      %add3A_373 = arith.addi %add3A_371, %add3A_372 : i32
      %lt3A_374 = arith.constant 250 : i32
      %lt3A_375 = arith.cmpi slt, %add3A_373, %lt3A_374 : i32
      %ge3A_376 = arith.constant 3 : i32
      %ge3A_377 = arith.cmpi sge, %add3A_371, %ge3A_376 : i32
      %and3A_378 = arith.andi %lt3A_375, %ge3A_377 : i1
      %convert_element_type3A_379 = arith.extui %and3A_378 : i1 to i32
      %cond3A_380 = arith.constant 0 : i32
      %cond3A_381 = arith.cmpi ne, %convert_element_type3A_379, %cond3A_380 : i32
      scf.if %cond3A_381 {
        %dma_wait3A_421 = arith.constant 0 : i32
        %dma_wait3A_422 = arith.constant 0 : i32
        %dma_wait3A_423 = tpu.memref_slice %arg26[%dma_wait3A_421, %dma_wait3A_422] : memref<10000x64xf32, #tpu.memory_space<vmem_shared>> -> memref<10000x64xf32, #tpu.memory_space<vmem_shared>>
        tpu.wait_indirect_dma semaphore(%arg34 : memref<!tpu.dma_semaphore, #tpu.memory_space<semaphore_mem>>) src(%arg25 : memref<80x64xf32, #tpu.memory_space<vmem>>) dst(%dma_wait3A_423 : memref<10000x64xf32, #tpu.memory_space<vmem_shared>>)
      } else {
      }
      %add3A_382 = arith.constant 1 : i32
      %add3A_383 = arith.addi %add3A_371, %add3A_382 : i32
      %lt3A_384 = arith.constant 250 : i32
      %lt3A_385 = arith.cmpi slt, %add3A_383, %lt3A_384 : i32
      %convert_element_type3A_386 = arith.extui %lt3A_385 : i1 to i32
      %cond3A_387 = arith.constant 0 : i32
      %cond3A_388 = arith.cmpi ne, %convert_element_type3A_386, %cond3A_387 : i32
      scf.if %cond3A_388 {
        %add3A_421 = arith.constant 1 : i32
        %add3A_422 = arith.addi %add3A_371, %add3A_421 : i32
        %get3A_423 = arith.index_cast %add3A_422 : i32 to index
        %get3A_424 = arith.constant 0 : index
        %get3A_425 = tpu.vector_load %arg8[%get3A_423, %get3A_424] {strides = array<i32>} : memref<250x80xi32, #tpu.memory_space<vmem>>, vector<16xi32>,
        %shift_right_logical3A_426 = arith.constant 14 : i32
        %shift_right_logical3A_427 = vector.broadcast %shift_right_logical3A_426 : i32 to vector<16xi32>
        %shift_right_logical3A_428 = arith.shrui %get3A_425, %shift_right_logical3A_427 : vector<16xi32>
        %and3A_429 = arith.constant 16383 : i32
        %and3A_430 = vector.broadcast %and3A_429 : i32 to vector<16xi32>
        %and3A_431 = arith.andi %get3A_425, %and3A_430 : vector<16xi32>
        %add3A_432 = vector.broadcast %mul3A_65 : i32 to vector<16xi32>
        %add3A_433 = arith.addi %shift_right_logical3A_428, %add3A_432 : vector<16xi32>
        %swap3A_434 = arith.constant 0 : index
        %swap3A_435 = tpu.vector_load %arg12[%swap3A_434] {strides = array<i32>} : memref<80xi32, #tpu.memory_space<vmem>>, vector<16xi32>,
        tpu.vector_store %arg12[%swap3A_434], %add3A_433 {strides = array<i32>} : memref<80xi32, #tpu.memory_space<vmem>>, vector<16xi32>,
        %swap3A_436 = arith.constant 0 : index
        %swap3A_437 = tpu.vector_load %arg16[%swap3A_436] {strides = array<i32>} : memref<80xi32, #tpu.memory_space<vmem>>, vector<16xi32>,
        tpu.vector_store %arg16[%swap3A_436], %and3A_431 {strides = array<i32>} : memref<80xi32, #tpu.memory_space<vmem>>, vector<16xi32>,
        %mul3A_438 = arith.constant 2 : i32
        %mul3A_439 = vector.broadcast %mul3A_438 : i32 to vector<16xi32>
        %mul3A_440 = arith.muli %shift_right_logical3A_428, %mul3A_439 : vector<16xi32>
        %gather3A_441 = tpu.vector_load_idx %arg7[%mul3A_440] : memref<20000xf32, #tpu.memory_space<vmem>>[vector<16xi32>], vector<16xf32>,
        %mul3A_442 = arith.constant 2 : i32
        %mul3A_443 = vector.broadcast %mul3A_442 : i32 to vector<16xi32>
        %mul3A_444 = arith.muli %and3A_431, %mul3A_443 : vector<16xi32>
        %add3A_445 = arith.constant 1 : i32
        %add3A_446 = vector.broadcast %add3A_445 : i32 to vector<16xi32>
        %add3A_447 = arith.addi %mul3A_444, %add3A_446 : vector<16xi32>
        %gather3A_448 = tpu.vector_load_idx %arg7[%add3A_447] : memref<20000xf32, #tpu.memory_space<vmem>>[vector<16xi32>], vector<16xf32>,
        %add3A_449 = arith.addf %gather3A_441, %gather3A_448 : vector<16xf32>
        %mul3A_450 = arith.constant 2.000000e-01 : f32
        %mul3A_451 = vector.broadcast %mul3A_450 : f32 to vector<16xf32>
        %mul3A_452 = arith.mulf %add3A_449, %mul3A_451 : vector<16xf32>
        %max3A_453 = arith.maximumf %add3A_449, %mul3A_452 : vector<16xf32>
        %exp3A_454 = math.exp %max3A_453 : vector<16xf32>
        %swap3A_455 = arith.constant 0 : index
        %swap3A_456 = tpu.vector_load %arg20[%swap3A_455] {strides = array<i32>} : memref<96xf32, #tpu.memory_space<vmem>>, vector<16xf32>,
        tpu.vector_store %arg20[%swap3A_455], %exp3A_454 {strides = array<i32>} : memref<96xf32, #tpu.memory_space<vmem>>, vector<16xf32>,
        tpu.vector_store_idx %arg21[%and3A_431], %exp3A_454 {add = true} : memref<10000xf32, #tpu.memory_space<vmem>>[vector<16xi32>], vector<16xf32>,
        %get3A_457 = arith.index_cast %add3A_422 : i32 to index
        %get3A_458 = arith.constant 16 : index
        %get3A_459 = tpu.vector_load %arg8[%get3A_457, %get3A_458] {strides = array<i32>} : memref<250x80xi32, #tpu.memory_space<vmem>>, vector<16xi32>,
        %shift_right_logical3A_460 = arith.constant 14 : i32
        %shift_right_logical3A_461 = vector.broadcast %shift_right_logical3A_460 : i32 to vector<16xi32>
        %shift_right_logical3A_462 = arith.shrui %get3A_459, %shift_right_logical3A_461 : vector<16xi32>
        %and3A_463 = arith.constant 16383 : i32
        %and3A_464 = vector.broadcast %and3A_463 : i32 to vector<16xi32>
        %and3A_465 = arith.andi %get3A_459, %and3A_464 : vector<16xi32>
        %add3A_466 = vector.broadcast %mul3A_65 : i32 to vector<16xi32>
        %add3A_467 = arith.addi %shift_right_logical3A_462, %add3A_466 : vector<16xi32>
        %swap3A_468 = arith.constant 16 : index
        %swap3A_469 = tpu.vector_load %arg12[%swap3A_468] {strides = array<i32>} : memref<80xi32, #tpu.memory_space<vmem>>, vector<16xi32>,
        tpu.vector_store %arg12[%swap3A_468], %add3A_467 {strides = array<i32>} : memref<80xi32, #tpu.memory_space<vmem>>, vector<16xi32>,
        %swap3A_470 = arith.constant 16 : index
        %swap3A_471 = tpu.vector_load %arg16[%swap3A_470] {strides = array<i32>} : memref<80xi32, #tpu.memory_space<vmem>>, vector<16xi32>,
        tpu.vector_store %arg16[%swap3A_470], %and3A_465 {strides = array<i32>} : memref<80xi32, #tpu.memory_space<vmem>>, vector<16xi32>,
        %mul3A_472 = arith.constant 2 : i32
        %mul3A_473 = vector.broadcast %mul3A_472 : i32 to vector<16xi32>
        %mul3A_474 = arith.muli %shift_right_logical3A_462, %mul3A_473 : vector<16xi32>
        %gather3A_475 = tpu.vector_load_idx %arg7[%mul3A_474] : memref<20000xf32, #tpu.memory_space<vmem>>[vector<16xi32>], vector<16xf32>,
        %mul3A_476 = arith.constant 2 : i32
        %mul3A_477 = vector.broadcast %mul3A_476 : i32 to vector<16xi32>
        %mul3A_478 = arith.muli %and3A_465, %mul3A_477 : vector<16xi32>
        %add3A_479 = arith.constant 1 : i32
        %add3A_480 = vector.broadcast %add3A_479 : i32 to vector<16xi32>
        %add3A_481 = arith.addi %mul3A_478, %add3A_480 : vector<16xi32>
        %gather3A_482 = tpu.vector_load_idx %arg7[%add3A_481] : memref<20000xf32, #tpu.memory_space<vmem>>[vector<16xi32>], vector<16xf32>,
        %add3A_483 = arith.addf %gather3A_475, %gather3A_482 : vector<16xf32>
        %mul3A_484 = arith.constant 2.000000e-01 : f32
        %mul3A_485 = vector.broadcast %mul3A_484 : f32 to vector<16xf32>
        %mul3A_486 = arith.mulf %add3A_483, %mul3A_485 : vector<16xf32>
        %max3A_487 = arith.maximumf %add3A_483, %mul3A_486 : vector<16xf32>
        %exp3A_488 = math.exp %max3A_487 : vector<16xf32>
        %swap3A_489 = arith.constant 16 : index
        %swap3A_490 = tpu.vector_load %arg20[%swap3A_489] {strides = array<i32>} : memref<96xf32, #tpu.memory_space<vmem>>, vector<16xf32>,
        tpu.vector_store %arg20[%swap3A_489], %exp3A_488 {strides = array<i32>} : memref<96xf32, #tpu.memory_space<vmem>>, vector<16xf32>,
        tpu.vector_store_idx %arg21[%and3A_465], %exp3A_488 {add = true} : memref<10000xf32, #tpu.memory_space<vmem>>[vector<16xi32>], vector<16xf32>,
        %get3A_491 = arith.index_cast %add3A_422 : i32 to index
        %get3A_492 = arith.constant 32 : index
        %get3A_493 = tpu.vector_load %arg8[%get3A_491, %get3A_492] {strides = array<i32>} : memref<250x80xi32, #tpu.memory_space<vmem>>, vector<16xi32>,
        %shift_right_logical3A_494 = arith.constant 14 : i32
        %shift_right_logical3A_495 = vector.broadcast %shift_right_logical3A_494 : i32 to vector<16xi32>
        %shift_right_logical3A_496 = arith.shrui %get3A_493, %shift_right_logical3A_495 : vector<16xi32>
        %and3A_497 = arith.constant 16383 : i32
        %and3A_498 = vector.broadcast %and3A_497 : i32 to vector<16xi32>
        %and3A_499 = arith.andi %get3A_493, %and3A_498 : vector<16xi32>
        %add3A_500 = vector.broadcast %mul3A_65 : i32 to vector<16xi32>
        %add3A_501 = arith.addi %shift_right_logical3A_496, %add3A_500 : vector<16xi32>
        %swap3A_502 = arith.constant 32 : index
        %swap3A_503 = tpu.vector_load %arg12[%swap3A_502] {strides = array<i32>} : memref<80xi32, #tpu.memory_space<vmem>>, vector<16xi32>,
        tpu.vector_store %arg12[%swap3A_502], %add3A_501 {strides = array<i32>} : memref<80xi32, #tpu.memory_space<vmem>>, vector<16xi32>,
        %swap3A_504 = arith.constant 32 : index
        %swap3A_505 = tpu.vector_load %arg16[%swap3A_504] {strides = array<i32>} : memref<80xi32, #tpu.memory_space<vmem>>, vector<16xi32>,
        tpu.vector_store %arg16[%swap3A_504], %and3A_499 {strides = array<i32>} : memref<80xi32, #tpu.memory_space<vmem>>, vector<16xi32>,
        %mul3A_506 = arith.constant 2 : i32
        %mul3A_507 = vector.broadcast %mul3A_506 : i32 to vector<16xi32>
        %mul3A_508 = arith.muli %shift_right_logical3A_496, %mul3A_507 : vector<16xi32>
        %gather3A_509 = tpu.vector_load_idx %arg7[%mul3A_508] : memref<20000xf32, #tpu.memory_space<vmem>>[vector<16xi32>], vector<16xf32>,
        %mul3A_510 = arith.constant 2 : i32
        %mul3A_511 = vector.broadcast %mul3A_510 : i32 to vector<16xi32>
        %mul3A_512 = arith.muli %and3A_499, %mul3A_511 : vector<16xi32>
        %add3A_513 = arith.constant 1 : i32
        %add3A_514 = vector.broadcast %add3A_513 : i32 to vector<16xi32>
        %add3A_515 = arith.addi %mul3A_512, %add3A_514 : vector<16xi32>
        %gather3A_516 = tpu.vector_load_idx %arg7[%add3A_515] : memref<20000xf32, #tpu.memory_space<vmem>>[vector<16xi32>], vector<16xf32>,
        %add3A_517 = arith.addf %gather3A_509, %gather3A_516 : vector<16xf32>
        %mul3A_518 = arith.constant 2.000000e-01 : f32
        %mul3A_519 = vector.broadcast %mul3A_518 : f32 to vector<16xf32>
        %mul3A_520 = arith.mulf %add3A_517, %mul3A_519 : vector<16xf32>
        %max3A_521 = arith.maximumf %add3A_517, %mul3A_520 : vector<16xf32>
        %exp3A_522 = math.exp %max3A_521 : vector<16xf32>
        %swap3A_523 = arith.constant 32 : index
        %swap3A_524 = tpu.vector_load %arg20[%swap3A_523] {strides = array<i32>} : memref<96xf32, #tpu.memory_space<vmem>>, vector<16xf32>,
        tpu.vector_store %arg20[%swap3A_523], %exp3A_522 {strides = array<i32>} : memref<96xf32, #tpu.memory_space<vmem>>, vector<16xf32>,
        tpu.vector_store_idx %arg21[%and3A_499], %exp3A_522 {add = true} : memref<10000xf32, #tpu.memory_space<vmem>>[vector<16xi32>], vector<16xf32>,
        %get3A_525 = arith.index_cast %add3A_422 : i32 to index
        %get3A_526 = arith.constant 48 : index
        %get3A_527 = tpu.vector_load %arg8[%get3A_525, %get3A_526] {strides = array<i32>} : memref<250x80xi32, #tpu.memory_space<vmem>>, vector<16xi32>,
        %shift_right_logical3A_528 = arith.constant 14 : i32
        %shift_right_logical3A_529 = vector.broadcast %shift_right_logical3A_528 : i32 to vector<16xi32>
        %shift_right_logical3A_530 = arith.shrui %get3A_527, %shift_right_logical3A_529 : vector<16xi32>
        %and3A_531 = arith.constant 16383 : i32
        %and3A_532 = vector.broadcast %and3A_531 : i32 to vector<16xi32>
        %and3A_533 = arith.andi %get3A_527, %and3A_532 : vector<16xi32>
        %add3A_534 = vector.broadcast %mul3A_65 : i32 to vector<16xi32>
        %add3A_535 = arith.addi %shift_right_logical3A_530, %add3A_534 : vector<16xi32>
        %swap3A_536 = arith.constant 48 : index
        %swap3A_537 = tpu.vector_load %arg12[%swap3A_536] {strides = array<i32>} : memref<80xi32, #tpu.memory_space<vmem>>, vector<16xi32>,
        tpu.vector_store %arg12[%swap3A_536], %add3A_535 {strides = array<i32>} : memref<80xi32, #tpu.memory_space<vmem>>, vector<16xi32>,
        %swap3A_538 = arith.constant 48 : index
        %swap3A_539 = tpu.vector_load %arg16[%swap3A_538] {strides = array<i32>} : memref<80xi32, #tpu.memory_space<vmem>>, vector<16xi32>,
        tpu.vector_store %arg16[%swap3A_538], %and3A_533 {strides = array<i32>} : memref<80xi32, #tpu.memory_space<vmem>>, vector<16xi32>,
        %mul3A_540 = arith.constant 2 : i32
        %mul3A_541 = vector.broadcast %mul3A_540 : i32 to vector<16xi32>
        %mul3A_542 = arith.muli %shift_right_logical3A_530, %mul3A_541 : vector<16xi32>
        %gather3A_543 = tpu.vector_load_idx %arg7[%mul3A_542] : memref<20000xf32, #tpu.memory_space<vmem>>[vector<16xi32>], vector<16xf32>,
        %mul3A_544 = arith.constant 2 : i32
        %mul3A_545 = vector.broadcast %mul3A_544 : i32 to vector<16xi32>
        %mul3A_546 = arith.muli %and3A_533, %mul3A_545 : vector<16xi32>
        %add3A_547 = arith.constant 1 : i32
        %add3A_548 = vector.broadcast %add3A_547 : i32 to vector<16xi32>
        %add3A_549 = arith.addi %mul3A_546, %add3A_548 : vector<16xi32>
        %gather3A_550 = tpu.vector_load_idx %arg7[%add3A_549] : memref<20000xf32, #tpu.memory_space<vmem>>[vector<16xi32>], vector<16xf32>,
        %add3A_551 = arith.addf %gather3A_543, %gather3A_550 : vector<16xf32>
        %mul3A_552 = arith.constant 2.000000e-01 : f32
        %mul3A_553 = vector.broadcast %mul3A_552 : f32 to vector<16xf32>
        %mul3A_554 = arith.mulf %add3A_551, %mul3A_553 : vector<16xf32>
        %max3A_555 = arith.maximumf %add3A_551, %mul3A_554 : vector<16xf32>
        %exp3A_556 = math.exp %max3A_555 : vector<16xf32>
        %swap3A_557 = arith.constant 48 : index
        %swap3A_558 = tpu.vector_load %arg20[%swap3A_557] {strides = array<i32>} : memref<96xf32, #tpu.memory_space<vmem>>, vector<16xf32>,
        tpu.vector_store %arg20[%swap3A_557], %exp3A_556 {strides = array<i32>} : memref<96xf32, #tpu.memory_space<vmem>>, vector<16xf32>,
        tpu.vector_store_idx %arg21[%and3A_533], %exp3A_556 {add = true} : memref<10000xf32, #tpu.memory_space<vmem>>[vector<16xi32>], vector<16xf32>,
        %get3A_559 = arith.index_cast %add3A_422 : i32 to index
        %get3A_560 = arith.constant 64 : index
        %get3A_561 = tpu.vector_load %arg8[%get3A_559, %get3A_560] {strides = array<i32>} : memref<250x80xi32, #tpu.memory_space<vmem>>, vector<16xi32>,
        %shift_right_logical3A_562 = arith.constant 14 : i32
        %shift_right_logical3A_563 = vector.broadcast %shift_right_logical3A_562 : i32 to vector<16xi32>
        %shift_right_logical3A_564 = arith.shrui %get3A_561, %shift_right_logical3A_563 : vector<16xi32>
        %and3A_565 = arith.constant 16383 : i32
        %and3A_566 = vector.broadcast %and3A_565 : i32 to vector<16xi32>
        %and3A_567 = arith.andi %get3A_561, %and3A_566 : vector<16xi32>
        %add3A_568 = vector.broadcast %mul3A_65 : i32 to vector<16xi32>
        %add3A_569 = arith.addi %shift_right_logical3A_564, %add3A_568 : vector<16xi32>
        %swap3A_570 = arith.constant 64 : index
        %swap3A_571 = tpu.vector_load %arg12[%swap3A_570] {strides = array<i32>} : memref<80xi32, #tpu.memory_space<vmem>>, vector<16xi32>,
        tpu.vector_store %arg12[%swap3A_570], %add3A_569 {strides = array<i32>} : memref<80xi32, #tpu.memory_space<vmem>>, vector<16xi32>,
        %swap3A_572 = arith.constant 64 : index
        %swap3A_573 = tpu.vector_load %arg16[%swap3A_572] {strides = array<i32>} : memref<80xi32, #tpu.memory_space<vmem>>, vector<16xi32>,
        tpu.vector_store %arg16[%swap3A_572], %and3A_567 {strides = array<i32>} : memref<80xi32, #tpu.memory_space<vmem>>, vector<16xi32>,
        %mul3A_574 = arith.constant 2 : i32
        %mul3A_575 = vector.broadcast %mul3A_574 : i32 to vector<16xi32>
        %mul3A_576 = arith.muli %shift_right_logical3A_564, %mul3A_575 : vector<16xi32>
        %gather3A_577 = tpu.vector_load_idx %arg7[%mul3A_576] : memref<20000xf32, #tpu.memory_space<vmem>>[vector<16xi32>], vector<16xf32>,
        %mul3A_578 = arith.constant 2 : i32
        %mul3A_579 = vector.broadcast %mul3A_578 : i32 to vector<16xi32>
        %mul3A_580 = arith.muli %and3A_567, %mul3A_579 : vector<16xi32>
        %add3A_581 = arith.constant 1 : i32
        %add3A_582 = vector.broadcast %add3A_581 : i32 to vector<16xi32>
        %add3A_583 = arith.addi %mul3A_580, %add3A_582 : vector<16xi32>
        %gather3A_584 = tpu.vector_load_idx %arg7[%add3A_583] : memref<20000xf32, #tpu.memory_space<vmem>>[vector<16xi32>], vector<16xf32>,
        %add3A_585 = arith.addf %gather3A_577, %gather3A_584 : vector<16xf32>
        %mul3A_586 = arith.constant 2.000000e-01 : f32
        %mul3A_587 = vector.broadcast %mul3A_586 : f32 to vector<16xf32>
        %mul3A_588 = arith.mulf %add3A_585, %mul3A_587 : vector<16xf32>
        %max3A_589 = arith.maximumf %add3A_585, %mul3A_588 : vector<16xf32>
        %exp3A_590 = math.exp %max3A_589 : vector<16xf32>
        %swap3A_591 = arith.constant 64 : index
        %swap3A_592 = tpu.vector_load %arg20[%swap3A_591] {strides = array<i32>} : memref<96xf32, #tpu.memory_space<vmem>>, vector<16xf32>,
        tpu.vector_store %arg20[%swap3A_591], %exp3A_590 {strides = array<i32>} : memref<96xf32, #tpu.memory_space<vmem>>, vector<16xf32>,
        tpu.vector_store_idx %arg21[%and3A_567], %exp3A_590 {add = true} : memref<10000xf32, #tpu.memory_space<vmem>>[vector<16xi32>], vector<16xf32>,
        %dma_start3A_593 = arith.constant 0 : i32
        %dma_start3A_594 = arith.constant 0 : i32
        %dma_start3A_595 = tpu.memref_slice %arg2[%dma_start3A_593, %dma_start3A_594] : memref<20000x64xf32, #tpu.memory_space<hbm>> -> memref<20000x64xf32, #tpu.memory_space<hbm>>
        tpu.enqueue_indirect_dma source(%dma_start3A_595 : memref<20000x64xf32, #tpu.memory_space<hbm>>) target(%arg25 : memref<80x64xf32, #tpu.memory_space<vmem>>) offsets(%arg12 : memref<80xi32, #tpu.memory_space<vmem>>) semaphore(%arg30 : memref<!tpu.dma_semaphore, #tpu.memory_space<semaphore_mem>>)
      } else {
      }
      %lt3A_389 = arith.constant 250 : i32
      %lt3A_390 = arith.cmpi slt, %add3A_371, %lt3A_389 : i32
      %convert_element_type3A_391 = arith.extui %lt3A_390 : i1 to i32
      %cond3A_392 = arith.constant 0 : i32
      %cond3A_393 = arith.cmpi ne, %convert_element_type3A_391, %cond3A_392 : i32
      scf.if %cond3A_393 {
        %dma_wait3A_421 = arith.constant 0 : i32
        %dma_wait3A_422 = arith.constant 0 : i32
        %dma_wait3A_423 = tpu.memref_slice %arg2[%dma_wait3A_421, %dma_wait3A_422] : memref<20000x64xf32, #tpu.memory_space<hbm>> -> memref<20000x64xf32, #tpu.memory_space<hbm>>
        tpu.wait_indirect_dma semaphore(%arg29 : memref<!tpu.dma_semaphore, #tpu.memory_space<semaphore_mem>>) src(%dma_wait3A_423 : memref<20000x64xf32, #tpu.memory_space<hbm>>) dst(%arg24 : memref<80x64xf32, #tpu.memory_space<vmem>>)
        %scan3A_424 = arith.constant 0 : i32
        %scan3A_425 = arith.constant 0 : i32
        %scan3A_426 = arith.constant 80 : i32
        %scan3A_427 = arith.addi %scan3A_425, %scan3A_426 : i32
        %scan3A_428 = arith.constant 1 : i32
        %scan3A_429 = scf.for %scan3A_434 = %scan3A_425 to %scan3A_427 step %scan3A_428 iter_args(%scan3A_435 = %scan3A_424) -> (i32)  : i32 {
          %get3A_436 = arith.index_cast %scan3A_434 : i32 to index
          %get3A_437 = tpu.vector_load %arg19[%get3A_436] {strides = array<i32>} : memref<96xf32, #tpu.memory_space<vmem>>, vector<16xf32>,
          %slice3A = vector.extract_strided_slice %get3A_437 {offsets = [0], sizes = [1], strides = [1]} : vector<16xf32> to vector<1xf32>
          %squeeze3A = vector.extract %slice3A[0] : f32 from vector<1xf32>
          %get3A_438 = arith.index_cast %scan3A_434 : i32 to index
          %get3A_439 = arith.constant 0 : index
          %get3A_440 = tpu.vector_load %arg24[%get3A_438, %get3A_439] {strides = array<i32>} : memref<80x64xf32, #tpu.memory_space<vmem>>, vector<16xf32>,
          %mul3A_441 = vector.broadcast %squeeze3A : f32 to vector<16xf32>
          %mul3A_442 = arith.mulf %get3A_440, %mul3A_441 : vector<16xf32>
          %swap3A_443 = arith.index_cast %scan3A_434 : i32 to index
          %swap3A_444 = arith.constant 0 : index
          %swap3A_445 = tpu.vector_load %arg24[%swap3A_443, %swap3A_444] {strides = array<i32>} : memref<80x64xf32, #tpu.memory_space<vmem>>, vector<16xf32>,
          tpu.vector_store %arg24[%swap3A_443, %swap3A_444], %mul3A_442 {strides = array<i32>} : memref<80x64xf32, #tpu.memory_space<vmem>>, vector<16xf32>,
          %get3A_446 = arith.index_cast %scan3A_434 : i32 to index
          %get3A_447 = arith.constant 16 : index
          %get3A_448 = tpu.vector_load %arg24[%get3A_446, %get3A_447] {strides = array<i32>} : memref<80x64xf32, #tpu.memory_space<vmem>>, vector<16xf32>,
          %mul3A_449 = vector.broadcast %squeeze3A : f32 to vector<16xf32>
          %mul3A_450 = arith.mulf %get3A_448, %mul3A_449 : vector<16xf32>
          %swap3A_451 = arith.index_cast %scan3A_434 : i32 to index
          %swap3A_452 = arith.constant 16 : index
          %swap3A_453 = tpu.vector_load %arg24[%swap3A_451, %swap3A_452] {strides = array<i32>} : memref<80x64xf32, #tpu.memory_space<vmem>>, vector<16xf32>,
          tpu.vector_store %arg24[%swap3A_451, %swap3A_452], %mul3A_450 {strides = array<i32>} : memref<80x64xf32, #tpu.memory_space<vmem>>, vector<16xf32>,
          %get3A_454 = arith.index_cast %scan3A_434 : i32 to index
          %get3A_455 = arith.constant 32 : index
          %get3A_456 = tpu.vector_load %arg24[%get3A_454, %get3A_455] {strides = array<i32>} : memref<80x64xf32, #tpu.memory_space<vmem>>, vector<16xf32>,
          %mul3A_457 = vector.broadcast %squeeze3A : f32 to vector<16xf32>
          %mul3A_458 = arith.mulf %get3A_456, %mul3A_457 : vector<16xf32>
          %swap3A_459 = arith.index_cast %scan3A_434 : i32 to index
          %swap3A_460 = arith.constant 32 : index
          %swap3A_461 = tpu.vector_load %arg24[%swap3A_459, %swap3A_460] {strides = array<i32>} : memref<80x64xf32, #tpu.memory_space<vmem>>, vector<16xf32>,
          tpu.vector_store %arg24[%swap3A_459, %swap3A_460], %mul3A_458 {strides = array<i32>} : memref<80x64xf32, #tpu.memory_space<vmem>>, vector<16xf32>,
          %get3A_462 = arith.index_cast %scan3A_434 : i32 to index
          %get3A_463 = arith.constant 48 : index
          %get3A_464 = tpu.vector_load %arg24[%get3A_462, %get3A_463] {strides = array<i32>} : memref<80x64xf32, #tpu.memory_space<vmem>>, vector<16xf32>,
          %mul3A_465 = vector.broadcast %squeeze3A : f32 to vector<16xf32>
          %mul3A_466 = arith.mulf %get3A_464, %mul3A_465 : vector<16xf32>
          %swap3A_467 = arith.index_cast %scan3A_434 : i32 to index
          %swap3A_468 = arith.constant 48 : index
          %swap3A_469 = tpu.vector_load %arg24[%swap3A_467, %swap3A_468] {strides = array<i32>} : memref<80x64xf32, #tpu.memory_space<vmem>>, vector<16xf32>,
          tpu.vector_store %arg24[%swap3A_467, %swap3A_468], %mul3A_466 {strides = array<i32>} : memref<80x64xf32, #tpu.memory_space<vmem>>, vector<16xf32>,
          %scan3A_470 = arith.constant 0 : i32
          scf.yield %scan3A_470 : i32
        }
        %scan3A_430 = arith.constant 80 : i32
        %dma_start3A_431 = arith.constant 0 : i32
        %dma_start3A_432 = arith.constant 0 : i32
        %dma_start3A_433 = tpu.memref_slice %arg26[%dma_start3A_431, %dma_start3A_432] : memref<10000x64xf32, #tpu.memory_space<vmem_shared>> -> memref<10000x64xf32, #tpu.memory_space<vmem_shared>>
        tpu.enqueue_indirect_dma source(%arg24 : memref<80x64xf32, #tpu.memory_space<vmem>>) target(%dma_start3A_433 : memref<10000x64xf32, #tpu.memory_space<vmem_shared>>) offsets(%arg15 : memref<80xi32, #tpu.memory_space<vmem>>) semaphore(%arg33 : memref<!tpu.dma_semaphore, #tpu.memory_space<semaphore_mem>>) {add = true}
      } else {
      }
      %mul3A_394 = arith.constant 4 : i32
      %mul3A_395 = arith.muli %mul3A_394, %scan3A_315 : i32
      %add3A_396 = arith.constant 3 : i32
      %add3A_397 = arith.addi %mul3A_395, %add3A_396 : i32
      %add3A_398 = arith.constant 1 : i32
      %add3A_399 = arith.addi %add3A_397, %add3A_398 : i32
      %lt3A_400 = arith.constant 250 : i32
      %lt3A_401 = arith.cmpi slt, %add3A_399, %lt3A_400 : i32
      %ge3A_402 = arith.constant 3 : i32
      %ge3A_403 = arith.cmpi sge, %add3A_397, %ge3A_402 : i32
      %and3A_404 = arith.andi %lt3A_401, %ge3A_403 : i1
      %convert_element_type3A_405 = arith.extui %and3A_404 : i1 to i32
      %cond3A_406 = arith.constant 0 : i32
      %cond3A_407 = arith.cmpi ne, %convert_element_type3A_405, %cond3A_406 : i32
      scf.if %cond3A_407 {
        %dma_wait3A_421 = arith.constant 0 : i32
        %dma_wait3A_422 = arith.constant 0 : i32
        %dma_wait3A_423 = tpu.memref_slice %arg26[%dma_wait3A_421, %dma_wait3A_422] : memref<10000x64xf32, #tpu.memory_space<vmem_shared>> -> memref<10000x64xf32, #tpu.memory_space<vmem_shared>>
        tpu.wait_indirect_dma semaphore(%arg31 : memref<!tpu.dma_semaphore, #tpu.memory_space<semaphore_mem>>) src(%arg22 : memref<80x64xf32, #tpu.memory_space<vmem>>) dst(%dma_wait3A_423 : memref<10000x64xf32, #tpu.memory_space<vmem_shared>>)
      } else {
      }
      %add3A_408 = arith.constant 1 : i32
      %add3A_409 = arith.addi %add3A_397, %add3A_408 : i32
      %lt3A_410 = arith.constant 250 : i32
      %lt3A_411 = arith.cmpi slt, %add3A_409, %lt3A_410 : i32
      %convert_element_type3A_412 = arith.extui %lt3A_411 : i1 to i32
      %cond3A_413 = arith.constant 0 : i32
      %cond3A_414 = arith.cmpi ne, %convert_element_type3A_412, %cond3A_413 : i32
      scf.if %cond3A_414 {
        %add3A_421 = arith.constant 1 : i32
        %add3A_422 = arith.addi %add3A_397, %add3A_421 : i32
        %get3A_423 = arith.index_cast %add3A_422 : i32 to index
        %get3A_424 = arith.constant 0 : index
        %get3A_425 = tpu.vector_load %arg8[%get3A_423, %get3A_424] {strides = array<i32>} : memref<250x80xi32, #tpu.memory_space<vmem>>, vector<16xi32>,
        %shift_right_logical3A_426 = arith.constant 14 : i32
        %shift_right_logical3A_427 = vector.broadcast %shift_right_logical3A_426 : i32 to vector<16xi32>
        %shift_right_logical3A_428 = arith.shrui %get3A_425, %shift_right_logical3A_427 : vector<16xi32>
        %and3A_429 = arith.constant 16383 : i32
        %and3A_430 = vector.broadcast %and3A_429 : i32 to vector<16xi32>
        %and3A_431 = arith.andi %get3A_425, %and3A_430 : vector<16xi32>
        %add3A_432 = vector.broadcast %mul3A_65 : i32 to vector<16xi32>
        %add3A_433 = arith.addi %shift_right_logical3A_428, %add3A_432 : vector<16xi32>
        %swap3A_434 = arith.constant 0 : index
        %swap3A_435 = tpu.vector_load %arg9[%swap3A_434] {strides = array<i32>} : memref<80xi32, #tpu.memory_space<vmem>>, vector<16xi32>,
        tpu.vector_store %arg9[%swap3A_434], %add3A_433 {strides = array<i32>} : memref<80xi32, #tpu.memory_space<vmem>>, vector<16xi32>,
        %swap3A_436 = arith.constant 0 : index
        %swap3A_437 = tpu.vector_load %arg13[%swap3A_436] {strides = array<i32>} : memref<80xi32, #tpu.memory_space<vmem>>, vector<16xi32>,
        tpu.vector_store %arg13[%swap3A_436], %and3A_431 {strides = array<i32>} : memref<80xi32, #tpu.memory_space<vmem>>, vector<16xi32>,
        %mul3A_438 = arith.constant 2 : i32
        %mul3A_439 = vector.broadcast %mul3A_438 : i32 to vector<16xi32>
        %mul3A_440 = arith.muli %shift_right_logical3A_428, %mul3A_439 : vector<16xi32>
        %gather3A_441 = tpu.vector_load_idx %arg7[%mul3A_440] : memref<20000xf32, #tpu.memory_space<vmem>>[vector<16xi32>], vector<16xf32>,
        %mul3A_442 = arith.constant 2 : i32
        %mul3A_443 = vector.broadcast %mul3A_442 : i32 to vector<16xi32>
        %mul3A_444 = arith.muli %and3A_431, %mul3A_443 : vector<16xi32>
        %add3A_445 = arith.constant 1 : i32
        %add3A_446 = vector.broadcast %add3A_445 : i32 to vector<16xi32>
        %add3A_447 = arith.addi %mul3A_444, %add3A_446 : vector<16xi32>
        %gather3A_448 = tpu.vector_load_idx %arg7[%add3A_447] : memref<20000xf32, #tpu.memory_space<vmem>>[vector<16xi32>], vector<16xf32>,
        %add3A_449 = arith.addf %gather3A_441, %gather3A_448 : vector<16xf32>
        %mul3A_450 = arith.constant 2.000000e-01 : f32
        %mul3A_451 = vector.broadcast %mul3A_450 : f32 to vector<16xf32>
        %mul3A_452 = arith.mulf %add3A_449, %mul3A_451 : vector<16xf32>
        %max3A_453 = arith.maximumf %add3A_449, %mul3A_452 : vector<16xf32>
        %exp3A_454 = math.exp %max3A_453 : vector<16xf32>
        %swap3A_455 = arith.constant 0 : index
        %swap3A_456 = tpu.vector_load %arg17[%swap3A_455] {strides = array<i32>} : memref<96xf32, #tpu.memory_space<vmem>>, vector<16xf32>,
        tpu.vector_store %arg17[%swap3A_455], %exp3A_454 {strides = array<i32>} : memref<96xf32, #tpu.memory_space<vmem>>, vector<16xf32>,
        tpu.vector_store_idx %arg21[%and3A_431], %exp3A_454 {add = true} : memref<10000xf32, #tpu.memory_space<vmem>>[vector<16xi32>], vector<16xf32>,
        %get3A_457 = arith.index_cast %add3A_422 : i32 to index
        %get3A_458 = arith.constant 16 : index
        %get3A_459 = tpu.vector_load %arg8[%get3A_457, %get3A_458] {strides = array<i32>} : memref<250x80xi32, #tpu.memory_space<vmem>>, vector<16xi32>,
        %shift_right_logical3A_460 = arith.constant 14 : i32
        %shift_right_logical3A_461 = vector.broadcast %shift_right_logical3A_460 : i32 to vector<16xi32>
        %shift_right_logical3A_462 = arith.shrui %get3A_459, %shift_right_logical3A_461 : vector<16xi32>
        %and3A_463 = arith.constant 16383 : i32
        %and3A_464 = vector.broadcast %and3A_463 : i32 to vector<16xi32>
        %and3A_465 = arith.andi %get3A_459, %and3A_464 : vector<16xi32>
        %add3A_466 = vector.broadcast %mul3A_65 : i32 to vector<16xi32>
        %add3A_467 = arith.addi %shift_right_logical3A_462, %add3A_466 : vector<16xi32>
        %swap3A_468 = arith.constant 16 : index
        %swap3A_469 = tpu.vector_load %arg9[%swap3A_468] {strides = array<i32>} : memref<80xi32, #tpu.memory_space<vmem>>, vector<16xi32>,
        tpu.vector_store %arg9[%swap3A_468], %add3A_467 {strides = array<i32>} : memref<80xi32, #tpu.memory_space<vmem>>, vector<16xi32>,
        %swap3A_470 = arith.constant 16 : index
        %swap3A_471 = tpu.vector_load %arg13[%swap3A_470] {strides = array<i32>} : memref<80xi32, #tpu.memory_space<vmem>>, vector<16xi32>,
        tpu.vector_store %arg13[%swap3A_470], %and3A_465 {strides = array<i32>} : memref<80xi32, #tpu.memory_space<vmem>>, vector<16xi32>,
        %mul3A_472 = arith.constant 2 : i32
        %mul3A_473 = vector.broadcast %mul3A_472 : i32 to vector<16xi32>
        %mul3A_474 = arith.muli %shift_right_logical3A_462, %mul3A_473 : vector<16xi32>
        %gather3A_475 = tpu.vector_load_idx %arg7[%mul3A_474] : memref<20000xf32, #tpu.memory_space<vmem>>[vector<16xi32>], vector<16xf32>,
        %mul3A_476 = arith.constant 2 : i32
        %mul3A_477 = vector.broadcast %mul3A_476 : i32 to vector<16xi32>
        %mul3A_478 = arith.muli %and3A_465, %mul3A_477 : vector<16xi32>
        %add3A_479 = arith.constant 1 : i32
        %add3A_480 = vector.broadcast %add3A_479 : i32 to vector<16xi32>
        %add3A_481 = arith.addi %mul3A_478, %add3A_480 : vector<16xi32>
        %gather3A_482 = tpu.vector_load_idx %arg7[%add3A_481] : memref<20000xf32, #tpu.memory_space<vmem>>[vector<16xi32>], vector<16xf32>,
        %add3A_483 = arith.addf %gather3A_475, %gather3A_482 : vector<16xf32>
        %mul3A_484 = arith.constant 2.000000e-01 : f32
        %mul3A_485 = vector.broadcast %mul3A_484 : f32 to vector<16xf32>
        %mul3A_486 = arith.mulf %add3A_483, %mul3A_485 : vector<16xf32>
        %max3A_487 = arith.maximumf %add3A_483, %mul3A_486 : vector<16xf32>
        %exp3A_488 = math.exp %max3A_487 : vector<16xf32>
        %swap3A_489 = arith.constant 16 : index
        %swap3A_490 = tpu.vector_load %arg17[%swap3A_489] {strides = array<i32>} : memref<96xf32, #tpu.memory_space<vmem>>, vector<16xf32>,
        tpu.vector_store %arg17[%swap3A_489], %exp3A_488 {strides = array<i32>} : memref<96xf32, #tpu.memory_space<vmem>>, vector<16xf32>,
        tpu.vector_store_idx %arg21[%and3A_465], %exp3A_488 {add = true} : memref<10000xf32, #tpu.memory_space<vmem>>[vector<16xi32>], vector<16xf32>,
        %get3A_491 = arith.index_cast %add3A_422 : i32 to index
        %get3A_492 = arith.constant 32 : index
        %get3A_493 = tpu.vector_load %arg8[%get3A_491, %get3A_492] {strides = array<i32>} : memref<250x80xi32, #tpu.memory_space<vmem>>, vector<16xi32>,
        %shift_right_logical3A_494 = arith.constant 14 : i32
        %shift_right_logical3A_495 = vector.broadcast %shift_right_logical3A_494 : i32 to vector<16xi32>
        %shift_right_logical3A_496 = arith.shrui %get3A_493, %shift_right_logical3A_495 : vector<16xi32>
        %and3A_497 = arith.constant 16383 : i32
        %and3A_498 = vector.broadcast %and3A_497 : i32 to vector<16xi32>
        %and3A_499 = arith.andi %get3A_493, %and3A_498 : vector<16xi32>
        %add3A_500 = vector.broadcast %mul3A_65 : i32 to vector<16xi32>
        %add3A_501 = arith.addi %shift_right_logical3A_496, %add3A_500 : vector<16xi32>
        %swap3A_502 = arith.constant 32 : index
        %swap3A_503 = tpu.vector_load %arg9[%swap3A_502] {strides = array<i32>} : memref<80xi32, #tpu.memory_space<vmem>>, vector<16xi32>,
        tpu.vector_store %arg9[%swap3A_502], %add3A_501 {strides = array<i32>} : memref<80xi32, #tpu.memory_space<vmem>>, vector<16xi32>,
        %swap3A_504 = arith.constant 32 : index
        %swap3A_505 = tpu.vector_load %arg13[%swap3A_504] {strides = array<i32>} : memref<80xi32, #tpu.memory_space<vmem>>, vector<16xi32>,
        tpu.vector_store %arg13[%swap3A_504], %and3A_499 {strides = array<i32>} : memref<80xi32, #tpu.memory_space<vmem>>, vector<16xi32>,
        %mul3A_506 = arith.constant 2 : i32
        %mul3A_507 = vector.broadcast %mul3A_506 : i32 to vector<16xi32>
        %mul3A_508 = arith.muli %shift_right_logical3A_496, %mul3A_507 : vector<16xi32>
        %gather3A_509 = tpu.vector_load_idx %arg7[%mul3A_508] : memref<20000xf32, #tpu.memory_space<vmem>>[vector<16xi32>], vector<16xf32>,
        %mul3A_510 = arith.constant 2 : i32
        %mul3A_511 = vector.broadcast %mul3A_510 : i32 to vector<16xi32>
        %mul3A_512 = arith.muli %and3A_499, %mul3A_511 : vector<16xi32>
        %add3A_513 = arith.constant 1 : i32
        %add3A_514 = vector.broadcast %add3A_513 : i32 to vector<16xi32>
        %add3A_515 = arith.addi %mul3A_512, %add3A_514 : vector<16xi32>
        %gather3A_516 = tpu.vector_load_idx %arg7[%add3A_515] : memref<20000xf32, #tpu.memory_space<vmem>>[vector<16xi32>], vector<16xf32>,
        %add3A_517 = arith.addf %gather3A_509, %gather3A_516 : vector<16xf32>
        %mul3A_518 = arith.constant 2.000000e-01 : f32
        %mul3A_519 = vector.broadcast %mul3A_518 : f32 to vector<16xf32>
        %mul3A_520 = arith.mulf %add3A_517, %mul3A_519 : vector<16xf32>
        %max3A_521 = arith.maximumf %add3A_517, %mul3A_520 : vector<16xf32>
        %exp3A_522 = math.exp %max3A_521 : vector<16xf32>
        %swap3A_523 = arith.constant 32 : index
        %swap3A_524 = tpu.vector_load %arg17[%swap3A_523] {strides = array<i32>} : memref<96xf32, #tpu.memory_space<vmem>>, vector<16xf32>,
        tpu.vector_store %arg17[%swap3A_523], %exp3A_522 {strides = array<i32>} : memref<96xf32, #tpu.memory_space<vmem>>, vector<16xf32>,
        tpu.vector_store_idx %arg21[%and3A_499], %exp3A_522 {add = true} : memref<10000xf32, #tpu.memory_space<vmem>>[vector<16xi32>], vector<16xf32>,
        %get3A_525 = arith.index_cast %add3A_422 : i32 to index
        %get3A_526 = arith.constant 48 : index
        %get3A_527 = tpu.vector_load %arg8[%get3A_525, %get3A_526] {strides = array<i32>} : memref<250x80xi32, #tpu.memory_space<vmem>>, vector<16xi32>,
        %shift_right_logical3A_528 = arith.constant 14 : i32
        %shift_right_logical3A_529 = vector.broadcast %shift_right_logical3A_528 : i32 to vector<16xi32>
        %shift_right_logical3A_530 = arith.shrui %get3A_527, %shift_right_logical3A_529 : vector<16xi32>
        %and3A_531 = arith.constant 16383 : i32
        %and3A_532 = vector.broadcast %and3A_531 : i32 to vector<16xi32>
        %and3A_533 = arith.andi %get3A_527, %and3A_532 : vector<16xi32>
        %add3A_534 = vector.broadcast %mul3A_65 : i32 to vector<16xi32>
        %add3A_535 = arith.addi %shift_right_logical3A_530, %add3A_534 : vector<16xi32>
        %swap3A_536 = arith.constant 48 : index
        %swap3A_537 = tpu.vector_load %arg9[%swap3A_536] {strides = array<i32>} : memref<80xi32, #tpu.memory_space<vmem>>, vector<16xi32>,
        tpu.vector_store %arg9[%swap3A_536], %add3A_535 {strides = array<i32>} : memref<80xi32, #tpu.memory_space<vmem>>, vector<16xi32>,
        %swap3A_538 = arith.constant 48 : index
        %swap3A_539 = tpu.vector_load %arg13[%swap3A_538] {strides = array<i32>} : memref<80xi32, #tpu.memory_space<vmem>>, vector<16xi32>,
        tpu.vector_store %arg13[%swap3A_538], %and3A_533 {strides = array<i32>} : memref<80xi32, #tpu.memory_space<vmem>>, vector<16xi32>,
        %mul3A_540 = arith.constant 2 : i32
        %mul3A_541 = vector.broadcast %mul3A_540 : i32 to vector<16xi32>
        %mul3A_542 = arith.muli %shift_right_logical3A_530, %mul3A_541 : vector<16xi32>
        %gather3A_543 = tpu.vector_load_idx %arg7[%mul3A_542] : memref<20000xf32, #tpu.memory_space<vmem>>[vector<16xi32>], vector<16xf32>,
        %mul3A_544 = arith.constant 2 : i32
        %mul3A_545 = vector.broadcast %mul3A_544 : i32 to vector<16xi32>
        %mul3A_546 = arith.muli %and3A_533, %mul3A_545 : vector<16xi32>
        %add3A_547 = arith.constant 1 : i32
        %add3A_548 = vector.broadcast %add3A_547 : i32 to vector<16xi32>
        %add3A_549 = arith.addi %mul3A_546, %add3A_548 : vector<16xi32>
        %gather3A_550 = tpu.vector_load_idx %arg7[%add3A_549] : memref<20000xf32, #tpu.memory_space<vmem>>[vector<16xi32>], vector<16xf32>,
        %add3A_551 = arith.addf %gather3A_543, %gather3A_550 : vector<16xf32>
        %mul3A_552 = arith.constant 2.000000e-01 : f32
        %mul3A_553 = vector.broadcast %mul3A_552 : f32 to vector<16xf32>
        %mul3A_554 = arith.mulf %add3A_551, %mul3A_553 : vector<16xf32>
        %max3A_555 = arith.maximumf %add3A_551, %mul3A_554 : vector<16xf32>
        %exp3A_556 = math.exp %max3A_555 : vector<16xf32>
        %swap3A_557 = arith.constant 48 : index
        %swap3A_558 = tpu.vector_load %arg17[%swap3A_557] {strides = array<i32>} : memref<96xf32, #tpu.memory_space<vmem>>, vector<16xf32>,
        tpu.vector_store %arg17[%swap3A_557], %exp3A_556 {strides = array<i32>} : memref<96xf32, #tpu.memory_space<vmem>>, vector<16xf32>,
        tpu.vector_store_idx %arg21[%and3A_533], %exp3A_556 {add = true} : memref<10000xf32, #tpu.memory_space<vmem>>[vector<16xi32>], vector<16xf32>,
        %get3A_559 = arith.index_cast %add3A_422 : i32 to index
        %get3A_560 = arith.constant 64 : index
        %get3A_561 = tpu.vector_load %arg8[%get3A_559, %get3A_560] {strides = array<i32>} : memref<250x80xi32, #tpu.memory_space<vmem>>, vector<16xi32>,
        %shift_right_logical3A_562 = arith.constant 14 : i32
        %shift_right_logical3A_563 = vector.broadcast %shift_right_logical3A_562 : i32 to vector<16xi32>
        %shift_right_logical3A_564 = arith.shrui %get3A_561, %shift_right_logical3A_563 : vector<16xi32>
        %and3A_565 = arith.constant 16383 : i32
        %and3A_566 = vector.broadcast %and3A_565 : i32 to vector<16xi32>
        %and3A_567 = arith.andi %get3A_561, %and3A_566 : vector<16xi32>
        %add3A_568 = vector.broadcast %mul3A_65 : i32 to vector<16xi32>
        %add3A_569 = arith.addi %shift_right_logical3A_564, %add3A_568 : vector<16xi32>
        %swap3A_570 = arith.constant 64 : index
        %swap3A_571 = tpu.vector_load %arg9[%swap3A_570] {strides = array<i32>} : memref<80xi32, #tpu.memory_space<vmem>>, vector<16xi32>,
        tpu.vector_store %arg9[%swap3A_570], %add3A_569 {strides = array<i32>} : memref<80xi32, #tpu.memory_space<vmem>>, vector<16xi32>,
        %swap3A_572 = arith.constant 64 : index
        %swap3A_573 = tpu.vector_load %arg13[%swap3A_572] {strides = array<i32>} : memref<80xi32, #tpu.memory_space<vmem>>, vector<16xi32>,
        tpu.vector_store %arg13[%swap3A_572], %and3A_567 {strides = array<i32>} : memref<80xi32, #tpu.memory_space<vmem>>, vector<16xi32>,
        %mul3A_574 = arith.constant 2 : i32
        %mul3A_575 = vector.broadcast %mul3A_574 : i32 to vector<16xi32>
        %mul3A_576 = arith.muli %shift_right_logical3A_564, %mul3A_575 : vector<16xi32>
        %gather3A_577 = tpu.vector_load_idx %arg7[%mul3A_576] : memref<20000xf32, #tpu.memory_space<vmem>>[vector<16xi32>], vector<16xf32>,
        %mul3A_578 = arith.constant 2 : i32
        %mul3A_579 = vector.broadcast %mul3A_578 : i32 to vector<16xi32>
        %mul3A_580 = arith.muli %and3A_567, %mul3A_579 : vector<16xi32>
        %add3A_581 = arith.constant 1 : i32
        %add3A_582 = vector.broadcast %add3A_581 : i32 to vector<16xi32>
        %add3A_583 = arith.addi %mul3A_580, %add3A_582 : vector<16xi32>
        %gather3A_584 = tpu.vector_load_idx %arg7[%add3A_583] : memref<20000xf32, #tpu.memory_space<vmem>>[vector<16xi32>], vector<16xf32>,
        %add3A_585 = arith.addf %gather3A_577, %gather3A_584 : vector<16xf32>
        %mul3A_586 = arith.constant 2.000000e-01 : f32
        %mul3A_587 = vector.broadcast %mul3A_586 : f32 to vector<16xf32>
        %mul3A_588 = arith.mulf %add3A_585, %mul3A_587 : vector<16xf32>
        %max3A_589 = arith.maximumf %add3A_585, %mul3A_588 : vector<16xf32>
        %exp3A_590 = math.exp %max3A_589 : vector<16xf32>
        %swap3A_591 = arith.constant 64 : index
        %swap3A_592 = tpu.vector_load %arg17[%swap3A_591] {strides = array<i32>} : memref<96xf32, #tpu.memory_space<vmem>>, vector<16xf32>,
        tpu.vector_store %arg17[%swap3A_591], %exp3A_590 {strides = array<i32>} : memref<96xf32, #tpu.memory_space<vmem>>, vector<16xf32>,
        tpu.vector_store_idx %arg21[%and3A_567], %exp3A_590 {add = true} : memref<10000xf32, #tpu.memory_space<vmem>>[vector<16xi32>], vector<16xf32>,
        %dma_start3A_593 = arith.constant 0 : i32
        %dma_start3A_594 = arith.constant 0 : i32
        %dma_start3A_595 = tpu.memref_slice %arg2[%dma_start3A_593, %dma_start3A_594] : memref<20000x64xf32, #tpu.memory_space<hbm>> -> memref<20000x64xf32, #tpu.memory_space<hbm>>
        tpu.enqueue_indirect_dma source(%dma_start3A_595 : memref<20000x64xf32, #tpu.memory_space<hbm>>) target(%arg22 : memref<80x64xf32, #tpu.memory_space<vmem>>) offsets(%arg9 : memref<80xi32, #tpu.memory_space<vmem>>) semaphore(%arg27 : memref<!tpu.dma_semaphore, #tpu.memory_space<semaphore_mem>>)
      } else {
      }
      %lt3A_415 = arith.constant 250 : i32
      %lt3A_416 = arith.cmpi slt, %add3A_397, %lt3A_415 : i32
      %convert_element_type3A_417 = arith.extui %lt3A_416 : i1 to i32
      %cond3A_418 = arith.constant 0 : i32
      %cond3A_419 = arith.cmpi ne, %convert_element_type3A_417, %cond3A_418 : i32
      scf.if %cond3A_419 {
        %dma_wait3A_421 = arith.constant 0 : i32
        %dma_wait3A_422 = arith.constant 0 : i32
        %dma_wait3A_423 = tpu.memref_slice %arg2[%dma_wait3A_421, %dma_wait3A_422] : memref<20000x64xf32, #tpu.memory_space<hbm>> -> memref<20000x64xf32, #tpu.memory_space<hbm>>
        tpu.wait_indirect_dma semaphore(%arg30 : memref<!tpu.dma_semaphore, #tpu.memory_space<semaphore_mem>>) src(%dma_wait3A_423 : memref<20000x64xf32, #tpu.memory_space<hbm>>) dst(%arg25 : memref<80x64xf32, #tpu.memory_space<vmem>>)
        %scan3A_424 = arith.constant 0 : i32
        %scan3A_425 = arith.constant 0 : i32
        %scan3A_426 = arith.constant 80 : i32
        %scan3A_427 = arith.addi %scan3A_425, %scan3A_426 : i32
        %scan3A_428 = arith.constant 1 : i32
        %scan3A_429 = scf.for %scan3A_434 = %scan3A_425 to %scan3A_427 step %scan3A_428 iter_args(%scan3A_435 = %scan3A_424) -> (i32)  : i32 {
          %get3A_436 = arith.index_cast %scan3A_434 : i32 to index
          %get3A_437 = tpu.vector_load %arg20[%get3A_436] {strides = array<i32>} : memref<96xf32, #tpu.memory_space<vmem>>, vector<16xf32>,
          %slice3A = vector.extract_strided_slice %get3A_437 {offsets = [0], sizes = [1], strides = [1]} : vector<16xf32> to vector<1xf32>
          %squeeze3A = vector.extract %slice3A[0] : f32 from vector<1xf32>
          %get3A_438 = arith.index_cast %scan3A_434 : i32 to index
          %get3A_439 = arith.constant 0 : index
          %get3A_440 = tpu.vector_load %arg25[%get3A_438, %get3A_439] {strides = array<i32>} : memref<80x64xf32, #tpu.memory_space<vmem>>, vector<16xf32>,
          %mul3A_441 = vector.broadcast %squeeze3A : f32 to vector<16xf32>
          %mul3A_442 = arith.mulf %get3A_440, %mul3A_441 : vector<16xf32>
          %swap3A_443 = arith.index_cast %scan3A_434 : i32 to index
          %swap3A_444 = arith.constant 0 : index
          %swap3A_445 = tpu.vector_load %arg25[%swap3A_443, %swap3A_444] {strides = array<i32>} : memref<80x64xf32, #tpu.memory_space<vmem>>, vector<16xf32>,
          tpu.vector_store %arg25[%swap3A_443, %swap3A_444], %mul3A_442 {strides = array<i32>} : memref<80x64xf32, #tpu.memory_space<vmem>>, vector<16xf32>,
          %get3A_446 = arith.index_cast %scan3A_434 : i32 to index
          %get3A_447 = arith.constant 16 : index
          %get3A_448 = tpu.vector_load %arg25[%get3A_446, %get3A_447] {strides = array<i32>} : memref<80x64xf32, #tpu.memory_space<vmem>>, vector<16xf32>,
          %mul3A_449 = vector.broadcast %squeeze3A : f32 to vector<16xf32>
          %mul3A_450 = arith.mulf %get3A_448, %mul3A_449 : vector<16xf32>
          %swap3A_451 = arith.index_cast %scan3A_434 : i32 to index
          %swap3A_452 = arith.constant 16 : index
          %swap3A_453 = tpu.vector_load %arg25[%swap3A_451, %swap3A_452] {strides = array<i32>} : memref<80x64xf32, #tpu.memory_space<vmem>>, vector<16xf32>,
          tpu.vector_store %arg25[%swap3A_451, %swap3A_452], %mul3A_450 {strides = array<i32>} : memref<80x64xf32, #tpu.memory_space<vmem>>, vector<16xf32>,
          %get3A_454 = arith.index_cast %scan3A_434 : i32 to index
          %get3A_455 = arith.constant 32 : index
          %get3A_456 = tpu.vector_load %arg25[%get3A_454, %get3A_455] {strides = array<i32>} : memref<80x64xf32, #tpu.memory_space<vmem>>, vector<16xf32>,
          %mul3A_457 = vector.broadcast %squeeze3A : f32 to vector<16xf32>
          %mul3A_458 = arith.mulf %get3A_456, %mul3A_457 : vector<16xf32>
          %swap3A_459 = arith.index_cast %scan3A_434 : i32 to index
          %swap3A_460 = arith.constant 32 : index
          %swap3A_461 = tpu.vector_load %arg25[%swap3A_459, %swap3A_460] {strides = array<i32>} : memref<80x64xf32, #tpu.memory_space<vmem>>, vector<16xf32>,
          tpu.vector_store %arg25[%swap3A_459, %swap3A_460], %mul3A_458 {strides = array<i32>} : memref<80x64xf32, #tpu.memory_space<vmem>>, vector<16xf32>,
          %get3A_462 = arith.index_cast %scan3A_434 : i32 to index
          %get3A_463 = arith.constant 48 : index
          %get3A_464 = tpu.vector_load %arg25[%get3A_462, %get3A_463] {strides = array<i32>} : memref<80x64xf32, #tpu.memory_space<vmem>>, vector<16xf32>,
          %mul3A_465 = vector.broadcast %squeeze3A : f32 to vector<16xf32>
          %mul3A_466 = arith.mulf %get3A_464, %mul3A_465 : vector<16xf32>
          %swap3A_467 = arith.index_cast %scan3A_434 : i32 to index
          %swap3A_468 = arith.constant 48 : index
          %swap3A_469 = tpu.vector_load %arg25[%swap3A_467, %swap3A_468] {strides = array<i32>} : memref<80x64xf32, #tpu.memory_space<vmem>>, vector<16xf32>,
          tpu.vector_store %arg25[%swap3A_467, %swap3A_468], %mul3A_466 {strides = array<i32>} : memref<80x64xf32, #tpu.memory_space<vmem>>, vector<16xf32>,
          %scan3A_470 = arith.constant 0 : i32
          scf.yield %scan3A_470 : i32
        }
        %scan3A_430 = arith.constant 80 : i32
        %dma_start3A_431 = arith.constant 0 : i32
        %dma_start3A_432 = arith.constant 0 : i32
        %dma_start3A_433 = tpu.memref_slice %arg26[%dma_start3A_431, %dma_start3A_432] : memref<10000x64xf32, #tpu.memory_space<vmem_shared>> -> memref<10000x64xf32, #tpu.memory_space<vmem_shared>>
        tpu.enqueue_indirect_dma source(%arg25 : memref<80x64xf32, #tpu.memory_space<vmem>>) target(%dma_start3A_433 : memref<10000x64xf32, #tpu.memory_space<vmem_shared>>) offsets(%arg16 : memref<80xi32, #tpu.memory_space<vmem>>) semaphore(%arg34 : memref<!tpu.dma_semaphore, #tpu.memory_space<semaphore_mem>>) {add = true}
      } else {
      }
      %scan3A_420 = arith.constant 0 : i32
      scf.yield %scan3A_420 : i32
    }
    %scan3A_242 = arith.constant 63 : i32
    %dma_wait3A = arith.constant 0 : i32
    %dma_wait3A_243 = arith.constant 0 : i32
    %dma_wait3A_244 = tpu.memref_slice %arg26[%dma_wait3A, %dma_wait3A_243] : memref<10000x64xf32, #tpu.memory_space<vmem_shared>> -> memref<10000x64xf32, #tpu.memory_space<vmem_shared>>
    tpu.wait_indirect_dma semaphore(%arg33 : memref<!tpu.dma_semaphore, #tpu.memory_space<semaphore_mem>>) src(%arg24 : memref<80x64xf32, #tpu.memory_space<vmem>>) dst(%dma_wait3A_244 : memref<10000x64xf32, #tpu.memory_space<vmem_shared>>)
    %dma_wait3A_245 = arith.constant 0 : i32
    %dma_wait3A_246 = arith.constant 0 : i32
    %dma_wait3A_247 = tpu.memref_slice %arg26[%dma_wait3A_245, %dma_wait3A_246] : memref<10000x64xf32, #tpu.memory_space<vmem_shared>> -> memref<10000x64xf32, #tpu.memory_space<vmem_shared>>
    tpu.wait_indirect_dma semaphore(%arg34 : memref<!tpu.dma_semaphore, #tpu.memory_space<semaphore_mem>>) src(%arg25 : memref<80x64xf32, #tpu.memory_space<vmem>>) dst(%dma_wait3A_247 : memref<10000x64xf32, #tpu.memory_space<vmem_shared>>)
    %dma_wait3A_248 = arith.constant 0 : i32
    %dma_wait3A_249 = arith.constant 0 : i32
    %dma_wait3A_250 = tpu.memref_slice %arg26[%dma_wait3A_248, %dma_wait3A_249] : memref<10000x64xf32, #tpu.memory_space<vmem_shared>> -> memref<10000x64xf32, #tpu.memory_space<vmem_shared>>
    tpu.wait_indirect_dma semaphore(%arg31 : memref<!tpu.dma_semaphore, #tpu.memory_space<semaphore_mem>>) src(%arg22 : memref<80x64xf32, #tpu.memory_space<vmem>>) dst(%dma_wait3A_250 : memref<10000x64xf32, #tpu.memory_space<vmem_shared>>)
    %dma_wait3A_251 = arith.constant 0 : i32
    %dma_wait3A_252 = arith.constant 0 : i32
    %dma_wait3A_253 = tpu.memref_slice %arg26[%dma_wait3A_251, %dma_wait3A_252] : memref<10000x64xf32, #tpu.memory_space<vmem_shared>> -> memref<10000x64xf32, #tpu.memory_space<vmem_shared>>
    tpu.wait_indirect_dma semaphore(%arg32 : memref<!tpu.dma_semaphore, #tpu.memory_space<semaphore_mem>>) src(%arg23 : memref<80x64xf32, #tpu.memory_space<vmem>>) dst(%dma_wait3A_253 : memref<10000x64xf32, #tpu.memory_space<vmem_shared>>)
    %eq3A = arith.constant 0 : i32
    %eq3A_254 = arith.cmpi eq, %arg0, %eq3A : i32
    %convert_element_type3A_255 = arith.extui %eq3A_254 : i1 to i32
    %cond3A_256 = arith.constant 0 : i32
    %cond3A_257 = arith.cmpi ne, %convert_element_type3A_255, %cond3A_256 : i32
    scf.if %cond3A_257 {
      "tpu.region"() ({
        %run_scoped3A = tpu.sem_alloc : memref<!tpu.dma_semaphore, #tpu.memory_space<semaphore_mem>>
        %dma_start3A_315 = arith.constant 0 : i32
        %dma_start3A_316 = tpu.memref_slice %arg6[%arg1, %dma_start3A_315] : memref<16x10240xf32, #tpu.memory_space<hbm>> -> memref<1x10000xf32, #tpu.memory_space<hbm>>
        %dma_start3A_317 = tpu.memref_squeeze %dma_start3A_316 : memref<1x10000xf32, #tpu.memory_space<hbm>> -> memref<10000xf32, #tpu.memory_space<hbm>>
        %dma_start3A_318 = arith.constant 0 : i32
        %dma_start3A_319 = tpu.memref_slice %arg6[%arg1, %dma_start3A_318] : memref<16x10240xf32, #tpu.memory_space<hbm>> -> memref<1x10000xf32, #tpu.memory_space<hbm>>
        %dma_start3A_320 = tpu.memref_squeeze %dma_start3A_319 : memref<1x10000xf32, #tpu.memory_space<hbm>> -> memref<10000xf32, #tpu.memory_space<hbm>>
        tpu.enqueue_dma source(%arg21 : memref<10000xf32, #tpu.memory_space<vmem>>) target(%dma_start3A_320 : memref<10000xf32, #tpu.memory_space<hbm>>) target_semaphore(%run_scoped3A : memref<!tpu.dma_semaphore, #tpu.memory_space<semaphore_mem>>)
        %dma_wait3A_321 = arith.constant 0 : i32
        %dma_wait3A_322 = tpu.memref_slice %arg6[%arg1, %dma_wait3A_321] : memref<16x10240xf32, #tpu.memory_space<hbm>> -> memref<1x10000xf32, #tpu.memory_space<hbm>>
        %dma_wait3A_323 = tpu.memref_squeeze %dma_wait3A_322 : memref<1x10000xf32, #tpu.memory_space<hbm>> -> memref<10000xf32, #tpu.memory_space<hbm>>
        %dma_wait3A_324 = arith.constant 0 : i32
        %dma_wait3A_325 = tpu.memref_slice %arg6[%arg1, %dma_wait3A_324] : memref<16x10240xf32, #tpu.memory_space<hbm>> -> memref<1x10000xf32, #tpu.memory_space<hbm>>
        %dma_wait3A_326 = tpu.memref_squeeze %dma_wait3A_325 : memref<1x10000xf32, #tpu.memory_space<hbm>> -> memref<10000xf32, #tpu.memory_space<hbm>>
        tpu.wait_dma2 semaphore(%run_scoped3A : memref<!tpu.dma_semaphore, #tpu.memory_space<semaphore_mem>>) src(%arg21 : memref<10000xf32, #tpu.memory_space<vmem>>) dst(%dma_wait3A_326 : memref<10000xf32, #tpu.memory_space<hbm>>)
        tpu.yield
      }) : () -> ()
    } else {
    }
    %barrier3A_258 = arith.constant 0 : index
    tpu.barrier barrier_id(%barrier3A_258)
    %add3A_259 = arith.constant 0 : i32
    %add3A_260 = arith.addi %add3A_259, %arg1 : i32
    %lt3A_261 = arith.constant 125 : i32
    %lt3A_262 = arith.cmpi slt, %add3A_260, %lt3A_261 : i32
    %convert_element_type3A_263 = arith.extui %lt3A_262 : i1 to i32
    %cond3A_264 = arith.constant 0 : i32
    %cond3A_265 = arith.cmpi ne, %convert_element_type3A_263, %cond3A_264 : i32
    scf.if %cond3A_265 {
      %mul3A_315 = arith.constant 80 : i32
      %mul3A_316 = arith.muli %add3A_260, %mul3A_315 : i32
      %mul3A_317 = arith.constant 80 : i32
      %mul3A_318 = arith.muli %add3A_260, %mul3A_317 : i32
      "tpu.region"() ({
        %run_scoped3A = tpu.sem_alloc : memref<!tpu.dma_semaphore, #tpu.memory_space<semaphore_mem>>
        %dma_start3A_319 = arith.constant 0 : i32
        %dma_start3A_320 = tpu.memref_slice %arg5[%arg0, %mul3A_318, %dma_start3A_319] : memref<2x10240x64xf32, #tpu.memory_space<hbm>> -> memref<1x80x64xf32, #tpu.memory_space<hbm>>
        %dma_start3A_321 = tpu.memref_squeeze %dma_start3A_320 : memref<1x80x64xf32, #tpu.memory_space<hbm>> -> memref<80x64xf32, #tpu.memory_space<hbm>>
        %dma_start3A_322 = arith.constant 0 : i32
        %dma_start3A_323 = tpu.memref_slice %arg26[%mul3A_316, %dma_start3A_322] : memref<10000x64xf32, #tpu.memory_space<vmem_shared>> -> memref<80x64xf32, #tpu.memory_space<vmem_shared>>
        tpu.enqueue_dma source(%dma_start3A_323 : memref<80x64xf32, #tpu.memory_space<vmem_shared>>) target(%dma_start3A_321 : memref<80x64xf32, #tpu.memory_space<hbm>>) target_semaphore(%run_scoped3A : memref<!tpu.dma_semaphore, #tpu.memory_space<semaphore_mem>>)
        %dma_wait3A_324 = arith.constant 0 : i32
        %dma_wait3A_325 = tpu.memref_slice %arg5[%arg0, %mul3A_318, %dma_wait3A_324] : memref<2x10240x64xf32, #tpu.memory_space<hbm>> -> memref<1x80x64xf32, #tpu.memory_space<hbm>>
        %dma_wait3A_326 = tpu.memref_squeeze %dma_wait3A_325 : memref<1x80x64xf32, #tpu.memory_space<hbm>> -> memref<80x64xf32, #tpu.memory_space<hbm>>
        %dma_wait3A_327 = arith.constant 0 : i32
        %dma_wait3A_328 = tpu.memref_slice %arg26[%mul3A_316, %dma_wait3A_327] : memref<10000x64xf32, #tpu.memory_space<vmem_shared>> -> memref<80x64xf32, #tpu.memory_space<vmem_shared>>
        tpu.wait_dma2 semaphore(%run_scoped3A : memref<!tpu.dma_semaphore, #tpu.memory_space<semaphore_mem>>) src(%dma_wait3A_328 : memref<80x64xf32, #tpu.memory_space<vmem_shared>>) dst(%dma_wait3A_326 : memref<80x64xf32, #tpu.memory_space<hbm>>)
        tpu.yield
      }) : () -> ()
    } else {
    }
    %add3A_266 = arith.constant 16 : i32
    %add3A_267 = arith.addi %add3A_266, %arg1 : i32
    %lt3A_268 = arith.constant 125 : i32
    %lt3A_269 = arith.cmpi slt, %add3A_267, %lt3A_268 : i32
    %convert_element_type3A_270 = arith.extui %lt3A_269 : i1 to i32
    %cond3A_271 = arith.constant 0 : i32
    %cond3A_272 = arith.cmpi ne, %convert_element_type3A_270, %cond3A_271 : i32
    scf.if %cond3A_272 {
      %mul3A_315 = arith.constant 80 : i32
      %mul3A_316 = arith.muli %add3A_267, %mul3A_315 : i32
      %mul3A_317 = arith.constant 80 : i32
      %mul3A_318 = arith.muli %add3A_267, %mul3A_317 : i32
      "tpu.region"() ({
        %run_scoped3A = tpu.sem_alloc : memref<!tpu.dma_semaphore, #tpu.memory_space<semaphore_mem>>
        %dma_start3A_319 = arith.constant 0 : i32
        %dma_start3A_320 = tpu.memref_slice %arg5[%arg0, %mul3A_318, %dma_start3A_319] : memref<2x10240x64xf32, #tpu.memory_space<hbm>> -> memref<1x80x64xf32, #tpu.memory_space<hbm>>
        %dma_start3A_321 = tpu.memref_squeeze %dma_start3A_320 : memref<1x80x64xf32, #tpu.memory_space<hbm>> -> memref<80x64xf32, #tpu.memory_space<hbm>>
        %dma_start3A_322 = arith.constant 0 : i32
        %dma_start3A_323 = tpu.memref_slice %arg26[%mul3A_316, %dma_start3A_322] : memref<10000x64xf32, #tpu.memory_space<vmem_shared>> -> memref<80x64xf32, #tpu.memory_space<vmem_shared>>
        tpu.enqueue_dma source(%dma_start3A_323 : memref<80x64xf32, #tpu.memory_space<vmem_shared>>) target(%dma_start3A_321 : memref<80x64xf32, #tpu.memory_space<hbm>>) target_semaphore(%run_scoped3A : memref<!tpu.dma_semaphore, #tpu.memory_space<semaphore_mem>>)
        %dma_wait3A_324 = arith.constant 0 : i32
        %dma_wait3A_325 = tpu.memref_slice %arg5[%arg0, %mul3A_318, %dma_wait3A_324] : memref<2x10240x64xf32, #tpu.memory_space<hbm>> -> memref<1x80x64xf32, #tpu.memory_space<hbm>>
        %dma_wait3A_326 = tpu.memref_squeeze %dma_wait3A_325 : memref<1x80x64xf32, #tpu.memory_space<hbm>> -> memref<80x64xf32, #tpu.memory_space<hbm>>
        %dma_wait3A_327 = arith.constant 0 : i32
        %dma_wait3A_328 = tpu.memref_slice %arg26[%mul3A_316, %dma_wait3A_327] : memref<10000x64xf32, #tpu.memory_space<vmem_shared>> -> memref<80x64xf32, #tpu.memory_space<vmem_shared>>
        tpu.wait_dma2 semaphore(%run_scoped3A : memref<!tpu.dma_semaphore, #tpu.memory_space<semaphore_mem>>) src(%dma_wait3A_328 : memref<80x64xf32, #tpu.memory_space<vmem_shared>>) dst(%dma_wait3A_326 : memref<80x64xf32, #tpu.memory_space<hbm>>)
        tpu.yield
      }) : () -> ()
    } else {
    }
    %add3A_273 = arith.constant 32 : i32
    %add3A_274 = arith.addi %add3A_273, %arg1 : i32
    %lt3A_275 = arith.constant 125 : i32
    %lt3A_276 = arith.cmpi slt, %add3A_274, %lt3A_275 : i32
    %convert_element_type3A_277 = arith.extui %lt3A_276 : i1 to i32
    %cond3A_278 = arith.constant 0 : i32
    %cond3A_279 = arith.cmpi ne, %convert_element_type3A_277, %cond3A_278 : i32
    scf.if %cond3A_279 {
      %mul3A_315 = arith.constant 80 : i32
      %mul3A_316 = arith.muli %add3A_274, %mul3A_315 : i32
      %mul3A_317 = arith.constant 80 : i32
      %mul3A_318 = arith.muli %add3A_274, %mul3A_317 : i32
      "tpu.region"() ({
        %run_scoped3A = tpu.sem_alloc : memref<!tpu.dma_semaphore, #tpu.memory_space<semaphore_mem>>
        %dma_start3A_319 = arith.constant 0 : i32
        %dma_start3A_320 = tpu.memref_slice %arg5[%arg0, %mul3A_318, %dma_start3A_319] : memref<2x10240x64xf32, #tpu.memory_space<hbm>> -> memref<1x80x64xf32, #tpu.memory_space<hbm>>
        %dma_start3A_321 = tpu.memref_squeeze %dma_start3A_320 : memref<1x80x64xf32, #tpu.memory_space<hbm>> -> memref<80x64xf32, #tpu.memory_space<hbm>>
        %dma_start3A_322 = arith.constant 0 : i32
        %dma_start3A_323 = tpu.memref_slice %arg26[%mul3A_316, %dma_start3A_322] : memref<10000x64xf32, #tpu.memory_space<vmem_shared>> -> memref<80x64xf32, #tpu.memory_space<vmem_shared>>
        tpu.enqueue_dma source(%dma_start3A_323 : memref<80x64xf32, #tpu.memory_space<vmem_shared>>) target(%dma_start3A_321 : memref<80x64xf32, #tpu.memory_space<hbm>>) target_semaphore(%run_scoped3A : memref<!tpu.dma_semaphore, #tpu.memory_space<semaphore_mem>>)
        %dma_wait3A_324 = arith.constant 0 : i32
        %dma_wait3A_325 = tpu.memref_slice %arg5[%arg0, %mul3A_318, %dma_wait3A_324] : memref<2x10240x64xf32, #tpu.memory_space<hbm>> -> memref<1x80x64xf32, #tpu.memory_space<hbm>>
        %dma_wait3A_326 = tpu.memref_squeeze %dma_wait3A_325 : memref<1x80x64xf32, #tpu.memory_space<hbm>> -> memref<80x64xf32, #tpu.memory_space<hbm>>
        %dma_wait3A_327 = arith.constant 0 : i32
        %dma_wait3A_328 = tpu.memref_slice %arg26[%mul3A_316, %dma_wait3A_327] : memref<10000x64xf32, #tpu.memory_space<vmem_shared>> -> memref<80x64xf32, #tpu.memory_space<vmem_shared>>
        tpu.wait_dma2 semaphore(%run_scoped3A : memref<!tpu.dma_semaphore, #tpu.memory_space<semaphore_mem>>) src(%dma_wait3A_328 : memref<80x64xf32, #tpu.memory_space<vmem_shared>>) dst(%dma_wait3A_326 : memref<80x64xf32, #tpu.memory_space<hbm>>)
        tpu.yield
      }) : () -> ()
    } else {
    }
    %add3A_280 = arith.constant 48 : i32
    %add3A_281 = arith.addi %add3A_280, %arg1 : i32
    %lt3A_282 = arith.constant 125 : i32
    %lt3A_283 = arith.cmpi slt, %add3A_281, %lt3A_282 : i32
    %convert_element_type3A_284 = arith.extui %lt3A_283 : i1 to i32
    %cond3A_285 = arith.constant 0 : i32
    %cond3A_286 = arith.cmpi ne, %convert_element_type3A_284, %cond3A_285 : i32
    scf.if %cond3A_286 {
      %mul3A_315 = arith.constant 80 : i32
      %mul3A_316 = arith.muli %add3A_281, %mul3A_315 : i32
      %mul3A_317 = arith.constant 80 : i32
      %mul3A_318 = arith.muli %add3A_281, %mul3A_317 : i32
      "tpu.region"() ({
        %run_scoped3A = tpu.sem_alloc : memref<!tpu.dma_semaphore, #tpu.memory_space<semaphore_mem>>
        %dma_start3A_319 = arith.constant 0 : i32
        %dma_start3A_320 = tpu.memref_slice %arg5[%arg0, %mul3A_318, %dma_start3A_319] : memref<2x10240x64xf32, #tpu.memory_space<hbm>> -> memref<1x80x64xf32, #tpu.memory_space<hbm>>
        %dma_start3A_321 = tpu.memref_squeeze %dma_start3A_320 : memref<1x80x64xf32, #tpu.memory_space<hbm>> -> memref<80x64xf32, #tpu.memory_space<hbm>>
        %dma_start3A_322 = arith.constant 0 : i32
        %dma_start3A_323 = tpu.memref_slice %arg26[%mul3A_316, %dma_start3A_322] : memref<10000x64xf32, #tpu.memory_space<vmem_shared>> -> memref<80x64xf32, #tpu.memory_space<vmem_shared>>
        tpu.enqueue_dma source(%dma_start3A_323 : memref<80x64xf32, #tpu.memory_space<vmem_shared>>) target(%dma_start3A_321 : memref<80x64xf32, #tpu.memory_space<hbm>>) target_semaphore(%run_scoped3A : memref<!tpu.dma_semaphore, #tpu.memory_space<semaphore_mem>>)
        %dma_wait3A_324 = arith.constant 0 : i32
        %dma_wait3A_325 = tpu.memref_slice %arg5[%arg0, %mul3A_318, %dma_wait3A_324] : memref<2x10240x64xf32, #tpu.memory_space<hbm>> -> memref<1x80x64xf32, #tpu.memory_space<hbm>>
        %dma_wait3A_326 = tpu.memref_squeeze %dma_wait3A_325 : memref<1x80x64xf32, #tpu.memory_space<hbm>> -> memref<80x64xf32, #tpu.memory_space<hbm>>
        %dma_wait3A_327 = arith.constant 0 : i32
        %dma_wait3A_328 = tpu.memref_slice %arg26[%mul3A_316, %dma_wait3A_327] : memref<10000x64xf32, #tpu.memory_space<vmem_shared>> -> memref<80x64xf32, #tpu.memory_space<vmem_shared>>
        tpu.wait_dma2 semaphore(%run_scoped3A : memref<!tpu.dma_semaphore, #tpu.memory_space<semaphore_mem>>) src(%dma_wait3A_328 : memref<80x64xf32, #tpu.memory_space<vmem_shared>>) dst(%dma_wait3A_326 : memref<80x64xf32, #tpu.memory_space<hbm>>)
        tpu.yield
      }) : () -> ()
    } else {
    }
    %add3A_287 = arith.constant 64 : i32
    %add3A_288 = arith.addi %add3A_287, %arg1 : i32
    %lt3A_289 = arith.constant 125 : i32
    %lt3A_290 = arith.cmpi slt, %add3A_288, %lt3A_289 : i32
    %convert_element_type3A_291 = arith.extui %lt3A_290 : i1 to i32
    %cond3A_292 = arith.constant 0 : i32
    %cond3A_293 = arith.cmpi ne, %convert_element_type3A_291, %cond3A_292 : i32
    scf.if %cond3A_293 {
      %mul3A_315 = arith.constant 80 : i32
      %mul3A_316 = arith.muli %add3A_288, %mul3A_315 : i32
      %mul3A_317 = arith.constant 80 : i32
      %mul3A_318 = arith.muli %add3A_288, %mul3A_317 : i32
      "tpu.region"() ({
        %run_scoped3A = tpu.sem_alloc : memref<!tpu.dma_semaphore, #tpu.memory_space<semaphore_mem>>
        %dma_start3A_319 = arith.constant 0 : i32
        %dma_start3A_320 = tpu.memref_slice %arg5[%arg0, %mul3A_318, %dma_start3A_319] : memref<2x10240x64xf32, #tpu.memory_space<hbm>> -> memref<1x80x64xf32, #tpu.memory_space<hbm>>
        %dma_start3A_321 = tpu.memref_squeeze %dma_start3A_320 : memref<1x80x64xf32, #tpu.memory_space<hbm>> -> memref<80x64xf32, #tpu.memory_space<hbm>>
        %dma_start3A_322 = arith.constant 0 : i32
        %dma_start3A_323 = tpu.memref_slice %arg26[%mul3A_316, %dma_start3A_322] : memref<10000x64xf32, #tpu.memory_space<vmem_shared>> -> memref<80x64xf32, #tpu.memory_space<vmem_shared>>
        tpu.enqueue_dma source(%dma_start3A_323 : memref<80x64xf32, #tpu.memory_space<vmem_shared>>) target(%dma_start3A_321 : memref<80x64xf32, #tpu.memory_space<hbm>>) target_semaphore(%run_scoped3A : memref<!tpu.dma_semaphore, #tpu.memory_space<semaphore_mem>>)
        %dma_wait3A_324 = arith.constant 0 : i32
        %dma_wait3A_325 = tpu.memref_slice %arg5[%arg0, %mul3A_318, %dma_wait3A_324] : memref<2x10240x64xf32, #tpu.memory_space<hbm>> -> memref<1x80x64xf32, #tpu.memory_space<hbm>>
        %dma_wait3A_326 = tpu.memref_squeeze %dma_wait3A_325 : memref<1x80x64xf32, #tpu.memory_space<hbm>> -> memref<80x64xf32, #tpu.memory_space<hbm>>
        %dma_wait3A_327 = arith.constant 0 : i32
        %dma_wait3A_328 = tpu.memref_slice %arg26[%mul3A_316, %dma_wait3A_327] : memref<10000x64xf32, #tpu.memory_space<vmem_shared>> -> memref<80x64xf32, #tpu.memory_space<vmem_shared>>
        tpu.wait_dma2 semaphore(%run_scoped3A : memref<!tpu.dma_semaphore, #tpu.memory_space<semaphore_mem>>) src(%dma_wait3A_328 : memref<80x64xf32, #tpu.memory_space<vmem_shared>>) dst(%dma_wait3A_326 : memref<80x64xf32, #tpu.memory_space<hbm>>)
        tpu.yield
      }) : () -> ()
    } else {
    }
    %add3A_294 = arith.constant 80 : i32
    %add3A_295 = arith.addi %add3A_294, %arg1 : i32
    %lt3A_296 = arith.constant 125 : i32
    %lt3A_297 = arith.cmpi slt, %add3A_295, %lt3A_296 : i32
    %convert_element_type3A_298 = arith.extui %lt3A_297 : i1 to i32
    %cond3A_299 = arith.constant 0 : i32
    %cond3A_300 = arith.cmpi ne, %convert_element_type3A_298, %cond3A_299 : i32
    scf.if %cond3A_300 {
      %mul3A_315 = arith.constant 80 : i32
      %mul3A_316 = arith.muli %add3A_295, %mul3A_315 : i32
      %mul3A_317 = arith.constant 80 : i32
      %mul3A_318 = arith.muli %add3A_295, %mul3A_317 : i32
      "tpu.region"() ({
        %run_scoped3A = tpu.sem_alloc : memref<!tpu.dma_semaphore, #tpu.memory_space<semaphore_mem>>
        %dma_start3A_319 = arith.constant 0 : i32
        %dma_start3A_320 = tpu.memref_slice %arg5[%arg0, %mul3A_318, %dma_start3A_319] : memref<2x10240x64xf32, #tpu.memory_space<hbm>> -> memref<1x80x64xf32, #tpu.memory_space<hbm>>
        %dma_start3A_321 = tpu.memref_squeeze %dma_start3A_320 : memref<1x80x64xf32, #tpu.memory_space<hbm>> -> memref<80x64xf32, #tpu.memory_space<hbm>>
        %dma_start3A_322 = arith.constant 0 : i32
        %dma_start3A_323 = tpu.memref_slice %arg26[%mul3A_316, %dma_start3A_322] : memref<10000x64xf32, #tpu.memory_space<vmem_shared>> -> memref<80x64xf32, #tpu.memory_space<vmem_shared>>
        tpu.enqueue_dma source(%dma_start3A_323 : memref<80x64xf32, #tpu.memory_space<vmem_shared>>) target(%dma_start3A_321 : memref<80x64xf32, #tpu.memory_space<hbm>>) target_semaphore(%run_scoped3A : memref<!tpu.dma_semaphore, #tpu.memory_space<semaphore_mem>>)
        %dma_wait3A_324 = arith.constant 0 : i32
        %dma_wait3A_325 = tpu.memref_slice %arg5[%arg0, %mul3A_318, %dma_wait3A_324] : memref<2x10240x64xf32, #tpu.memory_space<hbm>> -> memref<1x80x64xf32, #tpu.memory_space<hbm>>
        %dma_wait3A_326 = tpu.memref_squeeze %dma_wait3A_325 : memref<1x80x64xf32, #tpu.memory_space<hbm>> -> memref<80x64xf32, #tpu.memory_space<hbm>>
        %dma_wait3A_327 = arith.constant 0 : i32
        %dma_wait3A_328 = tpu.memref_slice %arg26[%mul3A_316, %dma_wait3A_327] : memref<10000x64xf32, #tpu.memory_space<vmem_shared>> -> memref<80x64xf32, #tpu.memory_space<vmem_shared>>
        tpu.wait_dma2 semaphore(%run_scoped3A : memref<!tpu.dma_semaphore, #tpu.memory_space<semaphore_mem>>) src(%dma_wait3A_328 : memref<80x64xf32, #tpu.memory_space<vmem_shared>>) dst(%dma_wait3A_326 : memref<80x64xf32, #tpu.memory_space<hbm>>)
        tpu.yield
      }) : () -> ()
    } else {
    }
    %add3A_301 = arith.constant 96 : i32
    %add3A_302 = arith.addi %add3A_301, %arg1 : i32
    %lt3A_303 = arith.constant 125 : i32
    %lt3A_304 = arith.cmpi slt, %add3A_302, %lt3A_303 : i32
    %convert_element_type3A_305 = arith.extui %lt3A_304 : i1 to i32
    %cond3A_306 = arith.constant 0 : i32
    %cond3A_307 = arith.cmpi ne, %convert_element_type3A_305, %cond3A_306 : i32
    scf.if %cond3A_307 {
      %mul3A_315 = arith.constant 80 : i32
      %mul3A_316 = arith.muli %add3A_302, %mul3A_315 : i32
      %mul3A_317 = arith.constant 80 : i32
      %mul3A_318 = arith.muli %add3A_302, %mul3A_317 : i32
      "tpu.region"() ({
        %run_scoped3A = tpu.sem_alloc : memref<!tpu.dma_semaphore, #tpu.memory_space<semaphore_mem>>
        %dma_start3A_319 = arith.constant 0 : i32
        %dma_start3A_320 = tpu.memref_slice %arg5[%arg0, %mul3A_318, %dma_start3A_319] : memref<2x10240x64xf32, #tpu.memory_space<hbm>> -> memref<1x80x64xf32, #tpu.memory_space<hbm>>
        %dma_start3A_321 = tpu.memref_squeeze %dma_start3A_320 : memref<1x80x64xf32, #tpu.memory_space<hbm>> -> memref<80x64xf32, #tpu.memory_space<hbm>>
        %dma_start3A_322 = arith.constant 0 : i32
        %dma_start3A_323 = tpu.memref_slice %arg26[%mul3A_316, %dma_start3A_322] : memref<10000x64xf32, #tpu.memory_space<vmem_shared>> -> memref<80x64xf32, #tpu.memory_space<vmem_shared>>
        tpu.enqueue_dma source(%dma_start3A_323 : memref<80x64xf32, #tpu.memory_space<vmem_shared>>) target(%dma_start3A_321 : memref<80x64xf32, #tpu.memory_space<hbm>>) target_semaphore(%run_scoped3A : memref<!tpu.dma_semaphore, #tpu.memory_space<semaphore_mem>>)
        %dma_wait3A_324 = arith.constant 0 : i32
        %dma_wait3A_325 = tpu.memref_slice %arg5[%arg0, %mul3A_318, %dma_wait3A_324] : memref<2x10240x64xf32, #tpu.memory_space<hbm>> -> memref<1x80x64xf32, #tpu.memory_space<hbm>>
        %dma_wait3A_326 = tpu.memref_squeeze %dma_wait3A_325 : memref<1x80x64xf32, #tpu.memory_space<hbm>> -> memref<80x64xf32, #tpu.memory_space<hbm>>
        %dma_wait3A_327 = arith.constant 0 : i32
        %dma_wait3A_328 = tpu.memref_slice %arg26[%mul3A_316, %dma_wait3A_327] : memref<10000x64xf32, #tpu.memory_space<vmem_shared>> -> memref<80x64xf32, #tpu.memory_space<vmem_shared>>
        tpu.wait_dma2 semaphore(%run_scoped3A : memref<!tpu.dma_semaphore, #tpu.memory_space<semaphore_mem>>) src(%dma_wait3A_328 : memref<80x64xf32, #tpu.memory_space<vmem_shared>>) dst(%dma_wait3A_326 : memref<80x64xf32, #tpu.memory_space<hbm>>)
        tpu.yield
      }) : () -> ()
    } else {
    }
    %add3A_308 = arith.constant 112 : i32
    %add3A_309 = arith.addi %add3A_308, %arg1 : i32
    %lt3A_310 = arith.constant 125 : i32
    %lt3A_311 = arith.cmpi slt, %add3A_309, %lt3A_310 : i32
    %convert_element_type3A_312 = arith.extui %lt3A_311 : i1 to i32
    %cond3A_313 = arith.constant 0 : i32
    %cond3A_314 = arith.cmpi ne, %convert_element_type3A_312, %cond3A_313 : i32
    scf.if %cond3A_314 {
      %mul3A_315 = arith.constant 80 : i32
      %mul3A_316 = arith.muli %add3A_309, %mul3A_315 : i32
      %mul3A_317 = arith.constant 80 : i32
      %mul3A_318 = arith.muli %add3A_309, %mul3A_317 : i32
      "tpu.region"() ({
        %run_scoped3A = tpu.sem_alloc : memref<!tpu.dma_semaphore, #tpu.memory_space<semaphore_mem>>
        %dma_start3A_319 = arith.constant 0 : i32
        %dma_start3A_320 = tpu.memref_slice %arg5[%arg0, %mul3A_318, %dma_start3A_319] : memref<2x10240x64xf32, #tpu.memory_space<hbm>> -> memref<1x80x64xf32, #tpu.memory_space<hbm>>
        %dma_start3A_321 = tpu.memref_squeeze %dma_start3A_320 : memref<1x80x64xf32, #tpu.memory_space<hbm>> -> memref<80x64xf32, #tpu.memory_space<hbm>>
        %dma_start3A_322 = arith.constant 0 : i32
        %dma_start3A_323 = tpu.memref_slice %arg26[%mul3A_316, %dma_start3A_322] : memref<10000x64xf32, #tpu.memory_space<vmem_shared>> -> memref<80x64xf32, #tpu.memory_space<vmem_shared>>
        tpu.enqueue_dma source(%dma_start3A_323 : memref<80x64xf32, #tpu.memory_space<vmem_shared>>) target(%dma_start3A_321 : memref<80x64xf32, #tpu.memory_space<hbm>>) target_semaphore(%run_scoped3A : memref<!tpu.dma_semaphore, #tpu.memory_space<semaphore_mem>>)
        %dma_wait3A_324 = arith.constant 0 : i32
        %dma_wait3A_325 = tpu.memref_slice %arg5[%arg0, %mul3A_318, %dma_wait3A_324] : memref<2x10240x64xf32, #tpu.memory_space<hbm>> -> memref<1x80x64xf32, #tpu.memory_space<hbm>>
        %dma_wait3A_326 = tpu.memref_squeeze %dma_wait3A_325 : memref<1x80x64xf32, #tpu.memory_space<hbm>> -> memref<80x64xf32, #tpu.memory_space<hbm>>
        %dma_wait3A_327 = arith.constant 0 : i32
        %dma_wait3A_328 = tpu.memref_slice %arg26[%mul3A_316, %dma_wait3A_327] : memref<10000x64xf32, #tpu.memory_space<vmem_shared>> -> memref<80x64xf32, #tpu.memory_space<vmem_shared>>
        tpu.wait_dma2 semaphore(%run_scoped3A : memref<!tpu.dma_semaphore, #tpu.memory_space<semaphore_mem>>) src(%dma_wait3A_328 : memref<80x64xf32, #tpu.memory_space<vmem_shared>>) dst(%dma_wait3A_326 : memref<80x64xf32, #tpu.memory_space<hbm>>)
        tpu.yield
      }) : () -> ()
    } else {
    }
    return
  }
}

module attributes {stable_mosaic.version = 14 : i64} {
  func.func @_prep_body(%arg0: i32, %arg1: memref<1000x128xf32, #tpu.memory_space<vmem>>, %arg2: memref<128x128xf32, #tpu.memory_space<vmem>>, %arg3: memref<2x128xf32, #tpu.memory_space<vmem>>, %arg4: memref<2x1000x64xf32, #tpu.memory_space<vmem>>, %arg5: memref<1000x2xf32, #tpu.memory_space<vmem>>) attributes {dimension_semantics = [#tpu.dimension_semantics<arbitrary>], iteration_bounds = array<i64: 10>, scalar_prefetch = 0 : i64, scratch_operands = 0 : i64, tpu.core_type = #tpu.core_type<tc>, window_params = [{transform_indices = @transform_0, window_bounds = array<i64: 1000, 128>}, {pipeline_mode = #tpu.pipeline_mode<synchronous>, transform_indices = @transform_1, window_bounds = array<i64: 128, 128>}, {pipeline_mode = #tpu.pipeline_mode<synchronous>, transform_indices = @transform_2, window_bounds = array<i64: 2, 128>}, {transform_indices = @transform_3, window_bounds = array<i64: 2, 1000, 64>}, {transform_indices = @transform_4, window_bounds = array<i64: 1000, 2>}]} {
    %get3A = arith.constant 0 : index
    %get3A_0 = arith.constant 0 : index
    %get3A_1 = vector.load %arg1[%get3A, %get3A_0] : memref<1000x128xf32, #tpu.memory_space<vmem>>, vector<1000x128xf32>
    %get3A_2 = arith.constant 0 : index
    %get3A_3 = arith.constant 0 : index
    %get3A_4 = vector.load %arg2[%get3A_2, %get3A_3] : memref<128x128xf32, #tpu.memory_space<vmem>>, vector<128x128xf32>
    %dot_general3A = arith.constant dense<0.000000e+00> : vector<1000x128xf32>
    %dot_general3A_5 = tpu.matmul %get3A_1, %get3A_4, %dot_general3A {dimension_numbers = #tpu.dot_dimension_numbers<[1], [1], [0], [0], [0, 0, 1, 0], [], []>, transpose_lhs_hint = false} : vector<1000x128xf32>, vector<128x128xf32>, vector<1000x128xf32> -> vector<1000x128xf32>
    %slice3A = vector.extract_strided_slice %dot_general3A_5 {offsets = [0, 0], sizes = [1000, 64], strides = [1, 1]} : vector<1000x128xf32> to vector<1000x64xf32>
    %swap3A = arith.constant 0 : index
    %swap3A_6 = arith.constant 0 : index
    %swap3A_7 = arith.constant 0 : index
    %swap3A_8 = vector.load %arg4[%swap3A, %swap3A_6, %swap3A_7] : memref<2x1000x64xf32, #tpu.memory_space<vmem>>, vector<1x1000x64xf32>
    %swap3A_9 = vector.shape_cast %swap3A_8 : vector<1x1000x64xf32> to vector<1000x64xf32>
    %swap3A_10 = vector.shape_cast %slice3A : vector<1000x64xf32> to vector<1x1000x64xf32>
    tpu.vector_store %arg4[%swap3A, %swap3A_6, %swap3A_7], %swap3A_10 {strides = array<i32>} : memref<2x1000x64xf32, #tpu.memory_space<vmem>>, vector<1x1000x64xf32>,
    %slice3A_11 = vector.extract_strided_slice %dot_general3A_5 {offsets = [0, 64], sizes = [1000, 64], strides = [1, 1]} : vector<1000x128xf32> to vector<1000x64xf32>
    %swap3A_12 = arith.constant 1 : index
    %swap3A_13 = arith.constant 0 : index
    %swap3A_14 = arith.constant 0 : index
    %swap3A_15 = vector.load %arg4[%swap3A_12, %swap3A_13, %swap3A_14] : memref<2x1000x64xf32, #tpu.memory_space<vmem>>, vector<1x1000x64xf32>
    %swap3A_16 = vector.shape_cast %swap3A_15 : vector<1x1000x64xf32> to vector<1000x64xf32>
    %swap3A_17 = vector.shape_cast %slice3A_11 : vector<1000x64xf32> to vector<1x1000x64xf32>
    tpu.vector_store %arg4[%swap3A_12, %swap3A_13, %swap3A_14], %swap3A_17 {strides = array<i32>} : memref<2x1000x64xf32, #tpu.memory_space<vmem>>, vector<1x1000x64xf32>,
    %get3A_18 = arith.constant 0 : index
    %get3A_19 = arith.constant 0 : index
    %get3A_20 = vector.load %arg3[%get3A_18, %get3A_19] : memref<2x128xf32, #tpu.memory_space<vmem>>, vector<2x128xf32>
    %dot_general3A_21 = arith.constant dense<0.000000e+00> : vector<1000x2xf32>
    %dot_general3A_22 = tpu.matmul %dot_general3A_5, %get3A_20, %dot_general3A_21 {dimension_numbers = #tpu.dot_dimension_numbers<[1], [1], [0], [0], [0, 0, 1, 0], [], []>, transpose_lhs_hint = false} : vector<1000x128xf32>, vector<2x128xf32>, vector<1000x2xf32> -> vector<1000x2xf32>
    %swap3A_23 = arith.constant 0 : index
    %swap3A_24 = arith.constant 0 : index
    %swap3A_25 = vector.load %arg5[%swap3A_23, %swap3A_24] : memref<1000x2xf32, #tpu.memory_space<vmem>>, vector<1000x2xf32>
    tpu.vector_store %arg5[%swap3A_23, %swap3A_24], %dot_general3A_22 {strides = array<i32>} : memref<1000x2xf32, #tpu.memory_space<vmem>>, vector<1000x2xf32>,
    return
  }
  func.func @transform_0(%arg0: i32) -> (i32, i32) {
    %c0_i32 = arith.constant 0 : i32
    %c0_i32_0 = arith.constant 0 : i32
    return %arg0, %c0_i32 : i32, i32
  }
  func.func @transform_1(%arg0: i32) -> (i32, i32) {
    %c0_i32 = arith.constant 0 : i32
    %c0_i32_0 = arith.constant 0 : i32
    %c0_i32_1 = arith.constant 0 : i32
    return %c0_i32, %c0_i32_0 : i32, i32
  }
  func.func @transform_2(%arg0: i32) -> (i32, i32) {
    %c0_i32 = arith.constant 0 : i32
    %c0_i32_0 = arith.constant 0 : i32
    %c0_i32_1 = arith.constant 0 : i32
    return %c0_i32, %c0_i32_0 : i32, i32
  }
  func.func @transform_3(%arg0: i32) -> (i32, i32, i32) {
    %c0_i32 = arith.constant 0 : i32
    %c0_i32_0 = arith.constant 0 : i32
    %c0_i32_1 = arith.constant 0 : i32
    return %c0_i32, %arg0, %c0_i32_0 : i32, i32, i32
  }
  func.func @transform_4(%arg0: i32) -> (i32, i32) {
    %c0_i32 = arith.constant 0 : i32
    %c0_i32_0 = arith.constant 0 : i32
    return %arg0, %c0_i32 : i32, i32
  }
}

module attributes {stable_mosaic.version = 14 : i64} {
  func.func @_combine_body(%arg0: i32, %arg1: memref<1024x64xf32, #tpu.memory_space<vmem>>, %arg2: memref<1024x64xf32, #tpu.memory_space<vmem>>, %arg3: memref<16x1024xf32, #tpu.memory_space<vmem>>, %arg4: memref<1024x128xf32, #tpu.memory_space<vmem>>) attributes {dimension_semantics = [#tpu.dimension_semantics<arbitrary>], iteration_bounds = array<i64: 10>, scalar_prefetch = 0 : i64, scratch_operands = 0 : i64, tpu.core_type = #tpu.core_type<tc>, window_params = [{transform_indices = @transform_0, window_bounds = array<i64: 1024, 64>}, {transform_indices = @transform_1, window_bounds = array<i64: 1024, 64>}, {transform_indices = @transform_2, window_bounds = array<i64: 16, 1024>}, {transform_indices = @transform_3, window_bounds = array<i64: 1024, 128>}]} {
    %get3A = arith.constant 0 : index
    %get3A_0 = arith.constant 0 : index
    %get3A_1 = vector.load %arg3[%get3A, %get3A_0] : memref<16x1024xf32, #tpu.memory_space<vmem>>, vector<16x1024xf32>
    %reduce_sum3A = arith.constant dense<0.000000e+00> : vector<1024xf32>
    %reduce_sum3A_2 = vector.multi_reduction <add>, %get3A_1, %reduce_sum3A [0] : vector<16x1024xf32> to vector<1024xf32>
    %add3A = arith.constant 1.000000e-16 : f32
    %add3A_3 = vector.broadcast %add3A : f32 to vector<1024xf32>
    %add3A_4 = arith.addf %reduce_sum3A_2, %add3A_3 : vector<1024xf32>
    %get3A_5 = arith.constant 0 : index
    %get3A_6 = arith.constant 0 : index
    %get3A_7 = vector.load %arg1[%get3A_5, %get3A_6] : memref<1024x64xf32, #tpu.memory_space<vmem>>, vector<1024x64xf32>
    %get3A_8 = arith.constant 0 : index
    %get3A_9 = arith.constant 0 : index
    %get3A_10 = vector.load %arg2[%get3A_8, %get3A_9] : memref<1024x64xf32, #tpu.memory_space<vmem>>, vector<1024x64xf32>
    %concatenate3A = tpu.concatenate %get3A_7, %get3A_10 in 1 : vector<1024x64xf32>, vector<1024x64xf32> -> vector<1024x128xf32>
    %broadcast_in_dim3A = vector.shape_cast %add3A_4 : vector<1024xf32> to vector<1024x1xf32>
    %div3A = vector.broadcast %broadcast_in_dim3A : vector<1024x1xf32> to vector<1024x128xf32>
    %div3A_11 = arith.divf %concatenate3A, %div3A : vector<1024x128xf32>
    %swap3A = arith.constant 0 : index
    %swap3A_12 = arith.constant 0 : index
    %swap3A_13 = vector.load %arg4[%swap3A, %swap3A_12] : memref<1024x128xf32, #tpu.memory_space<vmem>>, vector<1024x128xf32>
    tpu.vector_store %arg4[%swap3A, %swap3A_12], %div3A_11 {strides = array<i32>} : memref<1024x128xf32, #tpu.memory_space<vmem>>, vector<1024x128xf32>,
    return
  }
  func.func @transform_0(%arg0: i32) -> (i32, i32) {
    %c0_i32 = arith.constant 0 : i32
    %c0_i32_0 = arith.constant 0 : i32
    return %arg0, %c0_i32 : i32, i32
  }
  func.func @transform_1(%arg0: i32) -> (i32, i32) {
    %c0_i32 = arith.constant 0 : i32
    %c0_i32_0 = arith.constant 0 : i32
    return %arg0, %c0_i32 : i32, i32
  }
  func.func @transform_2(%arg0: i32) -> (i32, i32) {
    %c0_i32 = arith.constant 0 : i32
    %c0_i32_0 = arith.constant 0 : i32
    return %c0_i32, %arg0 : i32, i32
  }
  func.func @transform_3(%arg0: i32) -> (i32, i32) {
    %c0_i32 = arith.constant 0 : i32
    %c0_i32_0 = arith.constant 0 : i32
    return %arg0, %c0_i32 : i32, i32
  }
}

</mosaic_0001>

<sc_bundles>
// kernel: kernel.5.cloned.1.call-start
scs
__scs_entry_jumppad:
0x0: {  	(pc) =	sbr.rel $0x88, $3  }
0x1: {  	(tag) =	ssettag $0x0;
	lr =	simm.s32 $0x1  }
0x2: {  	[smem:$0x3F9D] =	sst lr;
	_ =	strace $0xD0000000  }
0x3: {  	_ = 	snop  }
0x4: {  	_ = 	snop  }
0x5: {  	_ = 	snop  }
0x6: {  	_ = 	snop  }
0x7: {  	_ = 	snop  }
__scs_overlays_trampoline_lowered:
0x8: {  	[smem:$0x3FAC] =	sst s0  }
0x9: {  	[smem:$0x3FAD] =	sst s1  }
0xa: {  	[smem:$0x3FAE] =	sst s2  }
0xb: {  	[smem:$0x3FAF] =	sst s3  }
0xc: {  	[smem:$0x3FB0] =	sst s4  }
0xd: {  	[smem:$0x3FB1] =	sst s5  }
0xe: {  	[smem:$0x3FB2] =	sst s6  }
0xf: {  	[smem:$0x3FB3] =	sst s7  }
0x10: {  	[smem:$0x3FB4] =	sst s8  }
0x11: {  	[smem:$0x3FB5] =	sst s9;
	s0 =	simm.s32 @!p0 $0x0  }
0x12: {  	s1 =	sld [smem:$0x3F9B];
	s0 =	simm.s32 @p0 $0x1  }
0x13: {  	[smem:$0x3FB6] =	sst s0;
	s0 =	simm.s32 @!p1 $0x0  }
0x14: {  	s2 =	sld [smem:$0x3F9A];
	s0 =	simm.s32 @p1 $0x1  }
0x15: {  	[smem:$0x3FB7] =	sst s0;
	s0 =	simm.s32 @!p2 $0x0  }
0x16: {  	s3 =	sld [smem:$0x3FDB];
	s0 =	simm.s32 @p2 $0x1  }
0x17: {  	s4 =	simm.s32 $0x1BF5;
	[smem:$0x3FB9] =	sst s0  }
0x18: {  	s0 =	sld [smem:$0x3F9C];
	_ =	swait.ge [sflag:s4], $0x0  }
0x19: {  	s7 =	sld [smem:$0x3F9D]  }
0x1a: {  	s8 =	sadd.s32 $0xFFFFE003, lr  }
0x1b: {  	s9 =	sadd.s32 $0xFFFFFEF7, lr;
	s5 =	simm.s32 $0xFFFFFFFF;
	p2 =	slt.u32 s8, $0xFFFFF086  }
0x1c: {  	p1 =	slt.u32 s9, $0xF7A;
	s5 =	simm.s32 @!p2 $0x0  }
0x1d: {  	s5 =	simm.s32 @p1 $0x1;
	p0 =	seq.s32 s7, s2  }
0x1e: {  	s7 =	smul.u32 @!p0 $0xF7A, s2;
	p2 =	seq.s32 @!p0 s5, $0x0  }
0x1f: {  	s9 =	smul.u32 $0xF7A, s1;
	s8 =	simm.s32 @!p0 $0x1BF5;
	p2 =	por !p2, p0  }
0x20: {  	[sflag:s8] =	ssyncset.s32 @!p0 $0xFFFFF086;
	s6 =	sadd.s32 @!p0 s3, s7;
	s7 =	simm.s32 @!p0 $0x108  }
0x21: {  	s3 =	sadd.s32 s3, s9;
	s6 =	sadd.s32 @!p0 $0x88, s6;
	s7 =	simm.s32 @p2 $0x1082  }
0x22: {  	[simem:s7], [sflag:s8] =	dma.local @!p0 [hbm:s6], $0xF7A  }
0x23: {  	s9 =	sor.u32 $0xD0000000, s2;
	s6 =	simm.s32 $0x108;
	_ =	swait.ge @!p0 [sflag:s8], $0x0  }
0x24: {  	s3 =	sadd.s32 $0x88, s3;
	s6 =	simm.s32 @!p1 $0x1082;
	[sflag:s4] =	ssyncset.s32 $0xFFFFF086  }
0x25: {  	[simem:s6], [sflag:s4] =	dma.local [hbm:s3], $0xF7A  }
0x26: {  	[smem:$0x3F9D] =	sst s1;
	(tag) =	ssettag s2;
	_ =	strace s9  }
0x27: {  	s1 =	sld [smem:$0x3FAD]  }
0x28: {  	s2 =	sld [smem:$0x3FAE]  }
0x29: {  	s4 =	sld [smem:$0x3FB0]  }
0x2a: {  	p0 =	seq.s32 s5, $0x0;
	s5 =	sld [smem:$0x3FB1]  }
0x2b: {  	s6 =	sld [smem:$0x3FB2]  }
0x2c: {  	s7 =	sld [smem:$0x3FB3]  }
0x2d: {  	s3 =	simm.s32 $0x108;
	s8 =	sld [smem:$0x3FB4]  }
0x2e: {  	s3 =	simm.s32 @!p0 $0x1082;
	s9 =	sld [smem:$0x3FB5]  }
0x2f: {  	lr =	sadd.s32 s0, s3;
	s0 =	sld [smem:$0x3FAC]  }
0x30: {  	s3 =	sld [smem:$0x3FAF]  }
0x31: {  	[smem:$0x3FB8] =	sst s10  }
0x32: {  	s10 =	sld [smem:$0x3FB6];
	_ =	sdelay $0x3  }
0x33: {  	p0 =	seq.s32 s10, $0x1;
	s10 =	sld [smem:$0x3FB8];
	_ =	sdelay $0x3  }
0x34: {  	[smem:$0x3FB8] =	sst s10  }
0x35: {  	s10 =	sld [smem:$0x3FB7];
	_ =	sdelay $0x3  }
0x36: {  	p1 =	seq.s32 s10, $0x1;
	s10 =	sld [smem:$0x3FB8];
	_ =	sdelay $0x3  }
0x37: {  	[smem:$0x3FB8] =	sst s10  }
0x38: {  	s10 =	sld [smem:$0x3FB9]  }
0x39: {  	_ = 	snop;
	(pc) =	sbr.ind lr, $3  }
0x3a: {  	_ = 	snop  }
0x3b: {  	_ = 	snop  }
0x3c: {  	p2 =	seq.s32 s10, $0x1;
	s10 =	sld [smem:$0x3FB8]  }
0x3d: {  	_ =	shalt  }
0x3e: {  	_ =	shalt  }
0x3f: {  	_ =	shalt  }
0x40: {  	_ =	shalt  }
0x41: {  	_ =	shalt  }
0x42: {  	_ =	shalt  }
0x43: {  	_ =	shalt  }
0x44: {  	_ =	shalt  }
0x45: {  	_ =	shalt  }
0x46: {  	_ =	shalt  }
0x47: {  	_ =	shalt  }
0x48: {  	_ =	shalt  }
0x49: {  	_ =	shalt  }
0x4a: {  	_ =	shalt  }
0x4b: {  	_ =	shalt  }
0x4c: {  	_ =	shalt  }
0x4d: {  	_ =	shalt  }
0x4e: {  	_ =	shalt  }
0x4f: {  	_ =	shalt  }
0x50: {  	_ =	shalt  }
0x51: {  	_ =	shalt  }
0x52: {  	_ =	shalt  }
0x53: {  	_ =	shalt  }
0x54: {  	_ =	shalt  }
0x55: {  	_ =	shalt  }
0x56: {  	_ =	shalt  }
0x57: {  	_ =	shalt  }
0x58: {  	_ =	shalt  }
0x59: {  	_ =	shalt  }
0x5a: {  	_ =	shalt  }
0x5b: {  	_ =	shalt  }
0x5c: {  	_ =	shalt  }
0x5d: {  	_ =	shalt  }
0x5e: {  	_ =	shalt  }
0x5f: {  	_ =	shalt  }
0x60: {  	_ =	shalt  }
0x61: {  	_ =	shalt  }
0x62: {  	_ =	shalt  }
0x63: {  	_ =	shalt  }
0x64: {  	_ =	shalt  }
0x65: {  	_ =	shalt  }
0x66: {  	_ =	shalt  }
0x67: {  	_ =	shalt  }
0x68: {  	_ =	shalt  }
0x69: {  	_ =	shalt  }
0x6a: {  	_ =	shalt  }
0x6b: {  	_ =	shalt  }
0x6c: {  	_ =	shalt  }
0x6d: {  	_ =	shalt  }
0x6e: {  	_ =	shalt  }
0x6f: {  	_ =	shalt  }
0x70: {  	_ =	shalt  }
0x71: {  	_ =	shalt  }
0x72: {  	_ =	shalt  }
0x73: {  	_ =	shalt  }
0x74: {  	_ =	shalt  }
0x75: {  	_ =	shalt  }
0x76: {  	_ =	shalt  }
0x77: {  	_ =	shalt  }
0x78: {  	_ =	shalt  }
0x79: {  	_ =	shalt  }
0x7a: {  	_ =	shalt  }
0x7b: {  	_ =	shalt  }
0x7c: {  	_ =	shalt  }
0x7d: {  	_ =	shalt  }
0x7e: {  	_ =	shalt  }
0x7f: {  	_ =	shalt  }
0x80: {  	_ =	shalt  }
0x81: {  	_ =	shalt  }
0x82: {  	_ =	shalt  }
0x83: {  	_ =	shalt  }
0x84: {  	_ =	shalt  }
0x85: {  	_ =	shalt  }
0x86: {  	_ =	shalt  }
0x87: {  	_ =	shalt  }
.Lfunc_end0:
.L_simem_size_0:
called_computation_lowered:
.L_overlay_start_0:
0x88: {  	s2 =	sld [smem:$0x3FD9]  }
0x89: {  	s3 =	sld [smem:$0x3FFE];
	_ =	sdelay $0x1  }
0x8a: {  	s1 =	srdreg.scid  }
0x8b: {  	s0 =	sand.u32 $0x1, s1  }
0x8c: {  	s17 =	sshll.u32 s0, $0xA;
	s2 =	sadd.s32 s3, s2  }
0x8d: {  	s2 =	sadd.s32 s2, s17  }
0x8e: {  	[smem:$0x3FC4] =	sst s2  }
0x8f: {  	_ = 	snop  }
0x90: {  	s2 =	sld [smem:$0x3FD0];
	(tm) =	ssettm $0x1  }
0x91: {  	s18 =	sld [smem:$0x3FFB];
	_ =	sdelay $0x3  }
0x92: {  	_ =	strace s18  }
0x93: {  	s3 =	sld [smem:$0x3FFC];
	_ =	sdelay $0x3  }
0x94: {  	_ =	strace s3  }
0x95: {  	s3 =	sld [smem:$0x3FFD];
	_ =	sdelay $0x3  }
0x96: {  	_ =	strace s3  }
0x97: {  	_ =	strace $0x8FFFFFFF  }
0x98: {  	s19 =	sld [smem:$0x3FDB];
	_ =	sdelay $0x1  }
0x99: {  	s4 =	simm.s32 $_scs_section_size  }
0x9a: {  	s5 =	simm.s32 $_size__tile_overlayer_lowered;
	s6 =	simm.s32 $_tile_overlayer_lowered  }
0x9b: {  	s22 =	simm.s32 $0x1BFF;
	s21 =	sshll.u32 s6, $0x1;
	s3 =	sadd.s32 s4, s19  }
0x9c: {  	s7 =	simm.s32 $0x0;
	s20 =	sshll.u32 s5, $0x1;
	s5 =	sadd.s32 s21, s3  }
0x9d: {  	[timem:s7], [sflag:s22] =	dma.local [hbm:s5], s20  }
0x9e: {  	_ =	swait.ge [sflag:s22], s20  }
0x9f: {  	s4 =	ssub.s32 $0x0, s20;
	[sflag:s22] =	ssyncset.done $0x0  }
0xa0: {  	[sflag:s22] =	ssyncadd.s32 s4;
	_ =	sdelay $0x1  }
0xa1: {  	s23 =	simm.s32 $0x1B8B  }
0xa2: {  	_ =	swait.ge [sflag:s23], $0x1  }
0xa3: {  	[sflag:s23] =	ssyncset.done $0x0  }
0xa4: {  	s25 =	simm.s32 $0x1B8E;
	s24 =	sld [smem:$0x3FFE];
	[sflag:s23] =	ssyncadd.s32 $0xFFFFFFFF  }
0xa5: {  	s26 =	simm.s32 $execute0_lowered;
	[smem:$0x3FD2] =	sst s25  }
0xa6: {  	s5 =	sshll.u32 s26, $0x1;
	_ =	strace $0x80000046;
	[dreg:$0x1] =	wrdreg $0xFFFFFFFF  }
0xa7: {  	s28 =	simm.s32 $_size_execute0_lowered;
	s3 =	sadd.s32 s3, s5;
	[dreg:$0x0] =	wrdreg $0x0  }
0xa8: {  	s5 =	sshll.u32 s28, $0x1;
	[dreg:$0x2] =	wrdreg s3  }
0xa9: {  	[dreg:$0x3] =	wrdreg s5  }
0xaa: {  	[dreg:$0x4] =	wrdreg $0xC0  }
0xab: {  	_ =	task [dreg:s7], $0x5FFFF  }
0xac: {  	[dreg:$0x1] =	wrdreg $0xFFFFFFFF  }
0xad: {  	[dreg:$0x0] =	wrdreg $0x60  }
0xae: {  	[dreg:$0x2] =	wrdreg s2  }
0xaf: {  	[dreg:$0x3] =	wrdreg s24  }
0xb0: {  	[dreg:$0x4] =	wrdreg $0x117500  }
0xb1: {  	[dreg:$0x5] =	wrdreg $0x9  }
0xb2: {  	_ =	task.clear_ibuf [dreg:s7], $0x6FFFF;
	_ =	strace $0x90000046  }
0xb3: {  	s29 =	simm.s32 $0x9;
	_ =	strace $0x80000048  }
0xb4: {  	_ =	swait.ge [sflag:s29], $0x1  }
0xb5: {  	[sflag:s29] =	ssyncadd.s32 $0xFFFFFFFF  }
0xb6: {  	_ =	strace $0x90000048  }
0xb7: {  	_ =	sfence  }
0xb8: {  	s30 =	sld [smem:$0x0];
	_ =	sdelay $0x2  }
0xb9: {  	s31 =	sshll.u32 s1, $0xD;
	s1 =	sshrl.u32 s1, $0x2  }
0xba: {  	s3 =	sand.u32 $0x4000, s31;
	s1 =	sadd.s32 s1, s30  }
0xbb: {  	s0 =	sor.u32 s3, s0;
	s1 =	sshll.u32 s1, $0x11  }
0xbc: {  	s0 =	sor.u32 s1, s0  }
0xbd: {  	s0 =	sadd.s32 $0x8F2B, s0  }
0xbe: {  	[sflag:s0] =	ssyncadd.remote.s32 $0x1  }
0xbf: {  	_ =	sfence.sel $0xFFFF  }
0xc0: {  	[dreg:$0x0] =	wrdreg $0xFFFFFFFF;
	(pc) =	sbr.abs _section_cstart, $3  }
0xc1: {  	[dreg:$0x1] =	wrdreg $0xFFFFFFFF  }
0xc2: {  	_ =	task.clear_ibuf [dreg:s7], $0x2FFFF;
	_ =	strace $0x9FFFFFFF  }
0xc3: {  	(tm) =	ssettm $0x7FFFFFFF  }
tec
execute0_lowered:
.L_overlay_start_1:
0x0: {  	(tag) =	ssettag $0x1  }
0x1: {  	s0 =	srdreg.scid  }
0x2: {  	s7 =	rddreg [dreg:$0x1];
	s25 =	stileid.u32;
	s1 =	simm.s32 $0x0  }
0x3: {  	s30 =	simm.s32 $0x0;
	s2 =	sand.u32 $0x1, s0;
	s4 =	sor.u32 $0x10, s25  }
0x4: {  	[smem:$0x7FF] =	sst s1;
	s9 =	sadd.s32 $0xBA00, s7;
	s12 =	sor.u32 $0x20, s25  }
0x5: {  	s13 =	sor.u32 $0x30, s25;
	s14 =	sor.u32 $0x40, s25;
	s8 =	smul.u32 $0x5000, s4  }
0x6: {  	s15 =	sor.u32 $0x50, s25;
	s16 =	sor.u32 $0x60, s25;
	s11 =	smul.u32 $0xA0000, s2  }
0x7: {  	s17 =	sor.u32 $0x70, s25;
	s0 =	ssub.s32 $0x2, s2;
	s4 =	smul.u32 $0x1400, s4  }
0x8: {  	p1 =	sgt.u32 s25, $0xC;
	s18 =	smul.u32 $0x1400, s14;
	s3 =	sshrl.u32 s0, $0x1  }
0x9: {  	s20 =	smul.u32 $0x1400, s15;
	p0 =	sne.s32 s2, $0x0;
	s0 =	ssub.s32 s0, s3  }
0xa: {  	s3 =	smul.u32 $0x1400, s25;
	s10 =	sadd.s32 s11, s4;
	s21 =	sadd.s32 s11, s18  }
0xb: {  	s26 =	sadd.s32 s11, s20;
	s8 =	sshrl.u32 s8, $0x2;
	s10 =	sshrl.u32 s10, $0x3  }
0xc: {  	s24 =	sshrl.u32 s21, $0x3;
	s21 =	smul.u32 $0x1400, s17;
	s5 =	sor.u32 s3, s11  }
0xd: {  	s10 =	sadd.s32 s9, s10;
	s6 =	sshrl.u32 s5, $0x3;
	s5 =	smul.u32 $0x1400, s12  }
0xe: {  	s0 =	smax.u32 s0, $0x1;
	[dreg:$0x5] =	wrdreg s10;
	s6 =	sadd.s32 s9, s6  }
0xf: {  	[dreg:$0x4] =	wrdreg s6;
	s6 =	smul.u32 $0x1400, s13;
	s22 =	sadd.s32 s11, s5  }
0x10: {  	s31 =	sadd.s32 s11, s21;
	s12 =	smul.u32 $0x5000, s12;
	s10 =	sshrl.u32 s22, $0x3  }
0x11: {  	s22 =	smul.u32 $0x1400, s16;
	s19 =	sadd.s32 s11, s6;
	s10 =	sadd.s32 s9, s10  }
0x12: {  	s12 =	sshrl.u32 s12, $0x2;
	s19 =	sshrl.u32 s19, $0x3;
	[dreg:$0x6] =	wrdreg s10  }
0x13: {  	s10 =	sadd.s32 s9, s24;
	s28 =	sadd.s32 s11, s22;
	s11 =	rddreg [dreg:$0x2]  }
0x14: {  	s24 =	smul.u32 $0x500, s25;
	s23 =	sadd.s32 s9, s19;
	[dreg:$0x8] =	wrdreg s10  }
0x15: {  	s10 =	sshrl.u32 s26, $0x3;
	s19 =	sshrl.u32 s28, $0x3;
	s8 =	sadd.s32 s8, s11  }
0x16: {  	s20 =	sadd.s32 s20, s11;
	[dreg:$0x7] =	wrdreg s23;
	s10 =	sadd.s32 s9, s10  }
0x17: {  	s22 =	sadd.s32 s22, s11;
	s29 =	sadd.s32 s9, s19;
	[dreg:$0x9] =	wrdreg s10  }
0x18: {  	s23 =	smul.u32 $0x9C4, s25;
	s19 =	sshrl.u32 s31, $0x3;
	[dreg:$0xa] =	wrdreg s29  }
0x19: {  	s10 =	rddreg [dreg:$0x0];
	s9 =	sadd.s32 s9, s19;
	s19 =	smul.u32 $0x5000, s25  }
0x1a: {  	s29 =	smul.u32 $0x5000, s13;
	[dreg:$0xb] =	wrdreg s9;
	s26 =	sadd.s32 s23, s7  }
0x1b: {  	s23 =	sadd.s32 s24, s7;
	s7 =	sadd.s32 $0x1200, s7;
	s24 =	smul.u32 $0x5000, s15  }
0x1c: {  	s15 =	sadd.s32 s4, s11;
	s4 =	simm.s32 $0xA040;
	_ =	strace $0x80000047  }
0x1d: {  	[dreg:$0xc] =	wrdreg s7;
	s28 =	sshrl.u32 s19, $0x2;
	s31 =	sadd.s32 $0x1C00, s26  }
0x1e: {  	s19 =	smul.u32 $0x5000, s14;
	[dreg:$0xf] =	wrdreg s8;
	s26 =	sadd.s32 s12, s11  }
0x1f: {  	s9 =	sshrl.u32 s29, $0x2;
	s29 =	smul.u32 $0x5000, s17;
	s13 =	sadd.s32 $0x33A00, s23  }
0x20: {  	s14 =	sadd.s32 s3, s11;
	s17 =	sadd.s32 s6, s11;
	[dreg:$0x17] =	wrdreg s0  }
0x21: {  	s3 =	simm.s32 $0xC750;
	[dreg:$0xd] =	wrdreg s31;
	s7 =	sadd.s32 s28, s11  }
0x22: {  	[dreg:$0x10] =	wrdreg s26;
	s28 =	smul.u32 $0x5000, s16;
	s9 =	sadd.s32 s9, s11  }
0x23: {  	s31 =	sshrl.u32 s24, $0x2;
	[dreg:$0x16] =	wrdreg s13;
	s16 =	sadd.s32 s5, s11  }
0x24: {  	s23 =	sshrl.u32 s14, $0x3;
	s24 =	sshrl.u32 s15, $0x3;
	s26 =	sshrl.u32 s17, $0x3  }
0x25: {  	s5 =	simm.s32 $0x50;
	s13 =	simm.s32 $0x9D80;
	[dreg:$0xe] =	wrdreg s7  }
0x26: {  	s14 =	simm.s32 $0x7;
	s15 =	simm.s32 $0x9CE0;
	[dreg:$0x11] =	wrdreg s9  }
0x27: {  	s17 =	simm.s32 $0x2;
	s7 =	sshrl.u32 s19, $0x2;
	[dreg:$0x18] =	wrdreg s23  }
0x28: {  	s9 =	sshrl.u32 s29, $0x2;
	s19 =	sadd.s32 s18, s11;
	[dreg:$0x19] =	wrdreg s24  }
0x29: {  	s25 =	sshrl.u32 s16, $0x3;
	[dreg:$0x1b] =	wrdreg s26;
	s29 =	sshrl.u32 s20, $0x3  }
0x2a: {  	s16 =	simm.s32 $0xEF50;
	s18 =	simm.s32 $0x9DD0;
	s20 =	simm.s32 $0x9D30  }
0x2b: {  	s24 =	simm.s32 $0x4;
	s26 =	simm.s32 $0x5;
	[dreg:$0x1a] =	wrdreg s25  }
0x2c: {  	s7 =	sadd.s32 s7, s11;
	s8 =	sshrl.u32 s28, $0x2;
	[dreg:$0x1d] =	wrdreg s29  }
0x2d: {  	s12 =	sadd.s32 s9, s11;
	s28 =	sshrl.u32 s19, $0x3;
	[dreg:$0x12] =	wrdreg s7  }
0x2e: {  	s9 =	simm.s32 $0xDB50;
	s19 =	simm.s32 $0x8;
	[dreg:$0x15] =	wrdreg s12  }
0x2f: {  	s7 =	sadd.s32 s31, s11;
	s12 =	sadd.s32 s21, s11;
	[dreg:$0x1c] =	wrdreg s28  }
.Ltmp0:
0x30: {  	s31 =	sshrl.u32 s22, $0x3;
	s21 =	simm.s32 $0x10350;
	(pc) =	sbr.rel .LBB2_1-.Ltmp0, $4  }
0x31: {  	s22 =	simm.s32 $0x3;
	[dreg:$0x13] =	wrdreg s7;
	s7 =	sadd.s32 s8, s11  }
0x32: {  	s8 =	smul.u32 $0x2710, s2;
	[dreg:$0x1e] =	wrdreg s31;
	s0 =	sshrl.u32 @!p1 s12, $0x3  }
0x33: {  	s2 =	simm.s32 $0x9;
	s12 =	simm.s32 $0x1;
	[dreg:$0x14] =	wrdreg s7  }
0x34: {  	v1 =	vimm.f32 $0.0e+00;
	[dreg:$0x1f] =	wrdreg s0;
	s7 =	simm.s32 $0x9C90;
	v0 =	vmov s8;
	s8 =	simm.s32 $0x0  }
.LBB2_29:
0x35: {  	_ =	swait.ge [sflag:s14], $0x1400  }
0x36: {  	[sflag:s14] =	ssyncset.done $0x0  }
0x37: {  	[sflag:s14] =	ssyncadd.s32 $0xFFFFEC00  }
0x38: {  	_ =	swait.ge [sflag:s19], $0x1400  }
0x39: {  	[sflag:s19] =	ssyncset.done $0x0  }
0x3a: {  	[sflag:s19] =	ssyncadd.s32 $0xFFFFEC00  }
0x3b: {  	_ =	swait.ge [sflag:s26], $0x1400  }
0x3c: {  	[sflag:s26] =	ssyncset.done $0x0  }
0x3d: {  	s0 =	simm.s32 $0x6;
	[sflag:s26] =	ssyncadd.s32 $0xFFFFEC00  }
0x3e: {  	_ =	swait.ge [sflag:s0], $0x1400  }
0x3f: {  	s6 =	simm.s32 @!p0 $0xA040;
	[sflag:s0] =	ssyncset.done $0x0  }
0x40: {  	s8 =	rddreg [dreg:$0x16];
	[sflag:s0] =	ssyncadd.s32 $0xFFFFEC00;
	s0 =	simm.s32 @!p0 $0x0  }
0x41: {  	[hbm4b:s8+s0] =	stream.linear.scatter @!p0 [tilespmem:s6], [sflag:$0x9], $0x2710, $0x38;
	[tilespmem:$0x1B390] =	vst v63  }
0x42: {  	s0 =	simm.s32 @!p0 $0x9  }
0x43: {  	_ =	swait.ge @!p0 [sflag:s0], $0x2710  }
0x44: {  	[sflag:s0] =	ssyncset.done @!p0 $0x0  }
0x45: {  	[sflag:s0] =	ssyncadd.s32 @!p0 $0xFFFFD8F0  }
0x46: {  	s23 =	stileid.u32;
	[bflag:$0x0] =	sbarrier.arrive $0xFFFF  }
0x47: {  	s0 =	sshll.u32 s23, $0x6;
	s25 =	rddreg [dreg:$0x4]  }
0x48: {  	s0 =	sor.u32 $0x1C09, s0;
	s28 =	rddreg [dreg:$0x18]  }
0x49: {  	[hbm:s25], [sflag:s0] =	dma.local [spmem:s28], $0x280  }
0x4a: {  	_ =	swait.ge [sflag:s2], $0x280  }
0x4b: {  	[sflag:s2] =	ssyncset.done $0x0;
	s29 =	rddreg [dreg:$0x5]  }
0x4c: {  	s31 =	rddreg [dreg:$0x19];
	[sflag:s2] =	ssyncadd.s32 $0xFFFFFD80  }
0x4d: {  	[hbm:s29], [sflag:s0] =	dma.local [spmem:s31], $0x280  }
0x4e: {  	_ =	swait.ge [sflag:s2], $0x280  }
0x4f: {  	[sflag:s2] =	ssyncset.done $0x0;
	s8 =	rddreg [dreg:$0x6]  }
0x50: {  	s23 =	rddreg [dreg:$0x1a];
	[sflag:s2] =	ssyncadd.s32 $0xFFFFFD80  }
0x51: {  	[hbm:s8], [sflag:s0] =	dma.local [spmem:s23], $0x280  }
0x52: {  	_ =	swait.ge [sflag:s2], $0x280  }
0x53: {  	[sflag:s2] =	ssyncset.done $0x0;
	s25 =	rddreg [dreg:$0x7]  }
0x54: {  	s28 =	rddreg [dreg:$0x1b];
	[sflag:s2] =	ssyncadd.s32 $0xFFFFFD80  }
0x55: {  	[hbm:s25], [sflag:s0] =	dma.local [spmem:s28], $0x280  }
0x56: {  	_ =	swait.ge [sflag:s2], $0x280  }
0x57: {  	[sflag:s2] =	ssyncset.done $0x0;
	s29 =	rddreg [dreg:$0x8]  }
0x58: {  	s31 =	rddreg [dreg:$0x1c];
	[sflag:s2] =	ssyncadd.s32 $0xFFFFFD80  }
0x59: {  	[hbm:s29], [sflag:s0] =	dma.local [spmem:s31], $0x280  }
0x5a: {  	_ =	swait.ge [sflag:s2], $0x280  }
0x5b: {  	[sflag:s2] =	ssyncset.done $0x0;
	s8 =	rddreg [dreg:$0x9]  }
0x5c: {  	s23 =	rddreg [dreg:$0x1d];
	[sflag:s2] =	ssyncadd.s32 $0xFFFFFD80  }
0x5d: {  	[hbm:s8], [sflag:s0] =	dma.local [spmem:s23], $0x280  }
0x5e: {  	_ =	swait.ge [sflag:s2], $0x280  }
0x5f: {  	[sflag:s2] =	ssyncset.done $0x0;
	s25 =	rddreg [dreg:$0xa]  }
0x60: {  	s28 =	rddreg [dreg:$0x1e];
	[sflag:s2] =	ssyncadd.s32 $0xFFFFFD80  }
0x61: {  	[hbm:s25], [sflag:s0] =	dma.local [spmem:s28], $0x280  }
0x62: {  	_ =	swait.ge [sflag:s2], $0x280  }
0x63: {  	[sflag:s2] =	ssyncset.done $0x0;
	s6 =	rddreg [dreg:$0xb]  }
0x64: {  	s8 =	rddreg [dreg:$0x1f];
	[sflag:s2] =	ssyncadd.s32 $0xFFFFFD80  }
0x65: {  	[hbm:s6], [sflag:s0] =	dma.local @!p1 [spmem:s8], $0x280  }
0x66: {  	s0 =	simm.s32 @!p1 $0x9  }
0x67: {  	_ =	swait.ge @!p1 [sflag:s0], $0x280  }
0x68: {  	s29 =	sld [smem:$0x7FD];
	_ =	sdelay $0x2  }
0x69: {  	s31 =	rddreg [dreg:$0x17];
	s8 =	sadd.s32 $0x1, s29  }
0x6a: {  	p2 =	sne.s32 s8, s31  }
.Ltmp1:
0x6b: {  	_ = 	snop;
	(pc) =	sbr.rel @!p2 .LBB2_30-.Ltmp1, $3  }
0x6c: {  	_ =	sdelay $0x1  }
0x6d: {  	[sflag:s0] =	ssyncset.done @!p1 $0x0  }
0x6e: {  	[sflag:s0] =	ssyncadd.s32 @!p1 $0xFFFFFD80  }
.LBB2_1:
0x6f: {  	[smem:$0x7FD] =	sst s8  }
0x70: {  	s0 =	rddreg [dreg:$0xd];
	s6 =	simm.s32 $0x4E20  }
0x71: {  	[tilespmem:s6], [sflag:$0x9] =	stream.linear.gather [hbm4b:s0+s1], $0x4E20, $0x38;
	[tilespmem:$0x1B390] =	vst v63  }
0x72: {  	_ =	swait.ge [sflag:s2], $0x4E20  }
0x73: {  	[sflag:s2] =	ssyncset.done $0x0  }
0x74: {  	s31 =	rddreg [dreg:$0xc];
	[sflag:s2] =	ssyncadd.s32 $0xFFFFB1E0  }
0x75: {  	[tilespmem:s1], [sflag:$0x9] =	stream.linear.gather [hbm4b:s31+s1], $0x4E20, $0x38;
	[tilespmem:$0x1B390] =	vst v63  }
0x76: {  	_ =	swait.ge [sflag:s2], $0x4E20  }
0x77: {  	[sflag:s2] =	ssyncset.done $0x0  }
0x78: {  	s0 =	simm.s32 $0x0;
	[sflag:s2] =	ssyncadd.s32 $0xFFFFB1E0  }
.LBB2_2:
0x79: {  	p2 =	sne.s32 s0, $0x9C00  }
.Ltmp2:
0x7a: {  	_ = 	snop;
	(pc) =	sbr.rel @p2 .LBB2_2-.Ltmp2, $3  }
0x7b: {  	_ =	sdelay $0x1  }
0x7c: {  	s8 =	sshra.s32 s0, $0x2  }
0x7d: {  	s0 =	sadd.s32 $0x40, s0;
	[tilespmem:s8+$0xA040] =	vst v1  }
0x7e: {  	s8 =	simm.s32 $0x100;
	s0 =	simm.s32 $0x0  }
.LBB2_4:
0x7f: {  	p2 =	sne.s32 s8, $0x4F00;
	[tilespmem:s0+$0xC780] =	vst v1;
	s23 =	smov.u32 s8;
	s8 =	sadd.s32 $0x100, s8  }
.Ltmp3:
0x80: {  	[tilespmem:s0+$0xC770] =	vst v1;
	(pc) =	sbr.rel @p2 .LBB2_4-.Ltmp3, $3  }
0x81: {  	[tilespmem:s0+$0xC750] =	vst v1  }
0x82: {  	[tilespmem:s0+$0xC760] =	vst v1;
	_ =	sdelay $0x1  }
0x83: {  	s0 =	sshra.s32 s23, $0x2  }
0x84: {  	[tilespmem:s0+$0xC780] =	vst v1  }
0x85: {  	[tilespmem:s0+$0xC770] =	vst v1  }
0x86: {  	[tilespmem:s0+$0xC750] =	vst v1  }
0x87: {  	[tilespmem:s0+$0xC760] =	vst v1;
	s28 =	rddreg [dreg:$0xe]  }
0x88: {  	[spmem:s28] =	stream.linear.scatter [tilespmem:s3], [sflag:$0x9], $0x1400, $0x38;
	[tilespmem:$0x1B390] =	vst v63  }
0x89: {  	_ =	swait.ge [sflag:s2], $0x1400  }
0x8a: {  	[sflag:s2] =	ssyncset.done $0x0  }
0x8b: {  	s29 =	rddreg [dreg:$0xf];
	[sflag:s2] =	ssyncadd.s32 $0xFFFFEC00  }
0x8c: {  	[spmem:s29] =	stream.linear.scatter [tilespmem:s3], [sflag:$0x9], $0x1400, $0x38;
	[tilespmem:$0x1B390] =	vst v63  }
0x8d: {  	_ =	swait.ge [sflag:s2], $0x1400  }
0x8e: {  	[sflag:s2] =	ssyncset.done $0x0  }
0x8f: {  	s6 =	rddreg [dreg:$0x10];
	[sflag:s2] =	ssyncadd.s32 $0xFFFFEC00  }
0x90: {  	[spmem:s6] =	stream.linear.scatter [tilespmem:s3], [sflag:$0x9], $0x1400, $0x38;
	[tilespmem:$0x1B390] =	vst v63  }
0x91: {  	_ =	swait.ge [sflag:s2], $0x1400  }
0x92: {  	[sflag:s2] =	ssyncset.done $0x0  }
0x93: {  	s8 =	rddreg [dreg:$0x11];
	[sflag:s2] =	ssyncadd.s32 $0xFFFFEC00  }
0x94: {  	[spmem:s8] =	stream.linear.scatter [tilespmem:s3], [sflag:$0x9], $0x1400, $0x38;
	[tilespmem:$0x1B390] =	vst v63  }
0x95: {  	_ =	swait.ge [sflag:s2], $0x1400  }
0x96: {  	[sflag:s2] =	ssyncset.done $0x0  }
0x97: {  	s23 =	rddreg [dreg:$0x12];
	[sflag:s2] =	ssyncadd.s32 $0xFFFFEC00  }
0x98: {  	[spmem:s23] =	stream.linear.scatter [tilespmem:s3], [sflag:$0x9], $0x1400, $0x38;
	[tilespmem:$0x1B390] =	vst v63  }
0x99: {  	_ =	swait.ge [sflag:s2], $0x1400  }
0x9a: {  	[sflag:s2] =	ssyncset.done $0x0  }
0x9b: {  	s25 =	rddreg [dreg:$0x13];
	[sflag:s2] =	ssyncadd.s32 $0xFFFFEC00  }
0x9c: {  	[spmem:s25] =	stream.linear.scatter [tilespmem:s3], [sflag:$0x9], $0x1400, $0x38;
	[tilespmem:$0x1B390] =	vst v63  }
0x9d: {  	_ =	swait.ge [sflag:s2], $0x1400  }
0x9e: {  	[sflag:s2] =	ssyncset.done $0x0  }
0x9f: {  	s28 =	rddreg [dreg:$0x14];
	[sflag:s2] =	ssyncadd.s32 $0xFFFFEC00  }
0xa0: {  	[spmem:s28] =	stream.linear.scatter [tilespmem:s3], [sflag:$0x9], $0x1400, $0x38;
	[tilespmem:$0x1B390] =	vst v63  }
0xa1: {  	_ =	swait.ge [sflag:s2], $0x1400  }
0xa2: {  	[sflag:s2] =	ssyncset.done $0x0  }
0xa3: {  	s0 =	simm.s32 @!p1 $0xC750;
	s6 =	rddreg [dreg:$0x15];
	[sflag:s2] =	ssyncadd.s32 $0xFFFFEC00  }
0xa4: {  	[spmem:s6] =	stream.linear.scatter @!p1 [tilespmem:s0], [sflag:$0x9], $0x1400, $0x38;
	[tilespmem:$0x1B390] =	vst v63  }
0xa5: {  	s0 =	simm.s32 @!p1 $0x9  }
0xa6: {  	_ =	swait.ge @!p1 [sflag:s0], $0x1400  }
0xa7: {  	[sflag:s0] =	ssyncset.done @!p1 $0x0  }
0xa8: {  	[sflag:s0] =	ssyncadd.s32 @!p1 $0xFFFFEC00  }
0xa9: {  	[bflag:$0x0] =	sbarrier.arrive $0xFFFF  }
0xaa: {  	v2 =	vld [tilespmem:$0x4E20];
	_ =	sdelay $0x4  }
0xab: {  	v3 =	vand.u32 $0x3FFF, v2;
	v4 =	vshrl.u32 v2, $0xD  }
0xac: {  	v4 =	vand.u32 $0x7FFFE, v4;
	v5 =	vshll.u32 v3, $0x1  }
0xad: {  	v5 =	vor.u32 $0x1, v5  }
0xae: {  	v2 =	vshrl.u32 v2, $0xE  }
0xaf: {  	v2 =	vadd.s32 v0, v2;
	[tilespmem:$0x9D80] =	vst v3  }
0xb0: {  	[tilespmem:$0x9C40] =	vst v2  }
0xb1: {  	v2 =	vld.idx.msk [tilespmem:v4+s30+$0x0], $0xffff  }
0xb2: {  	v51 =	vld.idx.msk [tilespmem:v5+s30+$0x0], $0xffff;
	_ =	sdelay $0x4  }
0xb3: {  	v2 =	vadd.f32 v51, v2;
	_ =	sdelay $0x1  }
0xb4: {  	v4 =	vmul.f32 $2.000000030e-01, v2;
	_ =	sdelay $0x1  }
0xb5: {  	v2 =	vmax.f32 v2, v4  }
0xb6: {  	v2 =	vmul.f32 $1.442695020e+00, v2;
	_ =	sdelay $0x1  }
0xb7: {  	(erf) = vpow2.f32 v2;
	_ =	sdelay $0x8  }
0xb8: {  	v2 =	vpop (erf)  }
0xb9: {  	[tilespmem:$0x9EC0] =	vst v2  }
0xba: {  	[tilespmem:v3+s4+$0x0] =	vst.idx.add.f32.msk $0xffff, v2  }
0xbb: {  	v2 =	vld [tilespmem:$0x4E30];
	_ =	sdelay $0x4  }
0xbc: {  	v3 =	vand.u32 $0x3FFF, v2;
	v52 =	vshrl.u32 v2, $0xD  }
0xbd: {  	v4 =	vand.u32 $0x7FFFE, v52;
	v53 =	vshll.u32 v3, $0x1  }
0xbe: {  	v5 =	vor.u32 $0x1, v53  }
0xbf: {  	v2 =	vshrl.u32 v2, $0xE  }
0xc0: {  	v2 =	vadd.s32 v0, v2;
	[tilespmem:$0x9D90] =	vst v3  }
0xc1: {  	[tilespmem:$0x9C50] =	vst v2  }
0xc2: {  	v2 =	vld.idx.msk [tilespmem:v4+s30+$0x0], $0xffff  }
0xc3: {  	v54 =	vld.idx.msk [tilespmem:v5+s30+$0x0], $0xffff;
	_ =	sdelay $0x4  }
0xc4: {  	v2 =	vadd.f32 v54, v2;
	_ =	sdelay $0x1  }
0xc5: {  	v4 =	vmul.f32 $2.000000030e-01, v2;
	_ =	sdelay $0x1  }
0xc6: {  	v2 =	vmax.f32 v2, v4  }
0xc7: {  	v2 =	vmul.f32 $1.442695020e+00, v2;
	_ =	sdelay $0x1  }
0xc8: {  	(erf) = vpow2.f32 v2;
	_ =	sdelay $0x8  }
0xc9: {  	v2 =	vpop (erf)  }
0xca: {  	[tilespmem:$0x9ED0] =	vst v2  }
0xcb: {  	[tilespmem:v3+s4+$0x0] =	vst.idx.add.f32.msk $0xffff, v2  }
0xcc: {  	v2 =	vld [tilespmem:$0x4E40];
	_ =	sdelay $0x4  }
0xcd: {  	v3 =	vand.u32 $0x3FFF, v2;
	v55 =	vshrl.u32 v2, $0xD  }
0xce: {  	v4 =	vand.u32 $0x7FFFE, v55;
	v56 =	vshll.u32 v3, $0x1  }
0xcf: {  	v5 =	vor.u32 $0x1, v56  }
0xd0: {  	v2 =	vshrl.u32 v2, $0xE  }
0xd1: {  	v2 =	vadd.s32 v0, v2;
	[tilespmem:$0x9DA0] =	vst v3  }
0xd2: {  	[tilespmem:$0x9C60] =	vst v2  }
0xd3: {  	v2 =	vld.idx.msk [tilespmem:v4+s30+$0x0], $0xffff  }
0xd4: {  	v57 =	vld.idx.msk [tilespmem:v5+s30+$0x0], $0xffff;
	_ =	sdelay $0x4  }
0xd5: {  	v2 =	vadd.f32 v57, v2;
	_ =	sdelay $0x1  }
0xd6: {  	v4 =	vmul.f32 $2.000000030e-01, v2;
	_ =	sdelay $0x1  }
0xd7: {  	v2 =	vmax.f32 v2, v4  }
0xd8: {  	v2 =	vmul.f32 $1.442695020e+00, v2;
	_ =	sdelay $0x1  }
0xd9: {  	(erf) = vpow2.f32 v2;
	_ =	sdelay $0x8  }
0xda: {  	v2 =	vpop (erf)  }
0xdb: {  	[tilespmem:$0x9EE0] =	vst v2  }
0xdc: {  	[tilespmem:v3+s4+$0x0] =	vst.idx.add.f32.msk $0xffff, v2  }
0xdd: {  	v2 =	vld [tilespmem:$0x4E50];
	_ =	sdelay $0x4  }
0xde: {  	v3 =	vand.u32 $0x3FFF, v2;
	v58 =	vshrl.u32 v2, $0xD  }
0xdf: {  	v4 =	vand.u32 $0x7FFFE, v58;
	v59 =	vshll.u32 v3, $0x1  }
0xe0: {  	v5 =	vor.u32 $0x1, v59  }
0xe1: {  	v2 =	vshrl.u32 v2, $0xE  }
0xe2: {  	v2 =	vadd.s32 v0, v2;
	[tilespmem:$0x9DB0] =	vst v3  }
0xe3: {  	[tilespmem:$0x9C70] =	vst v2  }
0xe4: {  	v2 =	vld.idx.msk [tilespmem:v4+s30+$0x0], $0xffff  }
0xe5: {  	v60 =	vld.idx.msk [tilespmem:v5+s30+$0x0], $0xffff;
	_ =	sdelay $0x4  }
0xe6: {  	v2 =	vadd.f32 v60, v2;
	_ =	sdelay $0x1  }
0xe7: {  	v4 =	vmul.f32 $2.000000030e-01, v2;
	_ =	sdelay $0x1  }
0xe8: {  	v2 =	vmax.f32 v2, v4  }
0xe9: {  	v2 =	vmul.f32 $1.442695020e+00, v2;
	_ =	sdelay $0x1  }
0xea: {  	(erf) = vpow2.f32 v2;
	_ =	sdelay $0x8  }
0xeb: {  	v2 =	vpop (erf)  }
0xec: {  	[tilespmem:$0x9EF0] =	vst v2  }
0xed: {  	[tilespmem:v3+s4+$0x0] =	vst.idx.add.f32.msk $0xffff, v2  }
0xee: {  	v2 =	vld [tilespmem:$0x4E60];
	_ =	sdelay $0x4  }
0xef: {  	v3 =	vand.u32 $0x3FFF, v2;
	v61 =	vshrl.u32 v2, $0xD  }
0xf0: {  	v4 =	vand.u32 $0x7FFFE, v61;
	v62 =	vshll.u32 v3, $0x1  }
0xf1: {  	v5 =	vor.u32 $0x1, v62  }
0xf2: {  	v2 =	vshrl.u32 v2, $0xE  }
0xf3: {  	v2 =	vadd.s32 v0, v2;
	[tilespmem:$0x9DC0] =	vst v3  }
0xf4: {  	[tilespmem:$0x9C80] =	vst v2  }
0xf5: {  	v2 =	vld.idx.msk [tilespmem:v4+s30+$0x0], $0xffff  }
0xf6: {  	v63 =	vld.idx.msk [tilespmem:v5+s30+$0x0], $0xffff;
	_ =	sdelay $0x4  }
0xf7: {  	v2 =	vadd.f32 v63, v2;
	_ =	sdelay $0x1  }
0xf8: {  	v4 =	vmul.f32 $2.000000030e-01, v2;
	_ =	sdelay $0x1  }
0xf9: {  	v2 =	vmax.f32 v2, v4  }
0xfa: {  	v2 =	vmul.f32 $1.442695020e+00, v2;
	_ =	sdelay $0x1  }
0xfb: {  	(erf) = vpow2.f32 v2;
	_ =	sdelay $0x7  }
.Ltmp4:
0xfc: {  	_ = 	snop;
	(pc) =	sbr.rel .LBB2_6-.Ltmp4, $4  }
0xfd: {  	v2 =	vpop (erf)  }
0xfe: {  	[tilespmem:$0x9F00] =	vst v2  }
0xff: {  	s31 =	simm.s32 $0x0;
	s29 =	simm.s32 $0x9C40;
	[tilespmem:v3+s4+$0x0] =	vst.idx.add.f32.msk $0xffff, v2  }
0x100: {  	[tilespmem:s3], [sflag:$0x1] =	stream.indirect.gather [hbm4b:s10+s5], $0x40, s29, s5, $0xb8;
	[tilespmem:$0x1B390] =	vst v63  }
.LBB2_28:
0x101: {  	s31 =	sadd.s32 $0x1, s31  }
0x102: {  	p2 =	sne.s32 s31, $0x3F  }
.Ltmp5:
0x103: {  	_ = 	snop;
	(pc) =	sbr.rel @!p2 .LBB2_29-.Ltmp5, $1  }
0x104: {  	_ =	sdelay $0x3  }
.LBB2_6:
0x105: {  	p2 =	seq.s32 s31, $0x0  }
0x106: {  	s0 =	simm.s32 @!p2 $0x6  }
0x107: {  	s8 =	smul.u32 $0x500, s31;
	_ =	swait.ge @!p2 [sflag:s0], $0x1400  }
0x108: {  	[sflag:s0] =	ssyncset.done @!p2 $0x0  }
0x109: {  	s8 =	sshra.s32 s8, $0x2;
	[sflag:s0] =	ssyncadd.s32 @!p2 $0xFFFFEC00  }
0x10a: {  	v2 =	vld [tilespmem:s8+$0x4E70];
	_ =	sdelay $0x4  }
0x10b: {  	v3 =	vand.u32 $0x3FFF, v2;
	v4 =	vshrl.u32 v2, $0xD  }
0x10c: {  	v4 =	vand.u32 $0x7FFFE, v4;
	v5 =	vshll.u32 v3, $0x1  }
0x10d: {  	v5 =	vor.u32 $0x1, v5  }
0x10e: {  	v2 =	vshrl.u32 v2, $0xE  }
0x10f: {  	v2 =	vadd.s32 v0, v2;
	[tilespmem:$0x9DD0] =	vst v3  }
0x110: {  	[tilespmem:$0x9C90] =	vst v2  }
0x111: {  	v2 =	vld.idx.msk [tilespmem:v4+s30+$0x0], $0xffff  }
0x112: {  	v4 =	vld.idx.msk [tilespmem:v5+s30+$0x0], $0xffff;
	_ =	sdelay $0x4  }
0x113: {  	v2 =	vadd.f32 v4, v2;
	_ =	sdelay $0x1  }
0x114: {  	v4 =	vmul.f32 $2.000000030e-01, v2;
	_ =	sdelay $0x1  }
0x115: {  	v2 =	vmax.f32 v2, v4  }
0x116: {  	v2 =	vmul.f32 $1.442695020e+00, v2;
	_ =	sdelay $0x1  }
0x117: {  	(erf) = vpow2.f32 v2;
	_ =	sdelay $0x8  }
0x118: {  	v2 =	vpop (erf)  }
0x119: {  	[tilespmem:$0x9F20] =	vst v2  }
0x11a: {  	[tilespmem:v3+s4+$0x0] =	vst.idx.add.f32.msk $0xffff, v2  }
0x11b: {  	v2 =	vld [tilespmem:s8+$0x4E80];
	_ =	sdelay $0x4  }
0x11c: {  	v3 =	vand.u32 $0x3FFF, v2;
	v4 =	vshrl.u32 v2, $0xD  }
0x11d: {  	v4 =	vand.u32 $0x7FFFE, v4;
	v5 =	vshll.u32 v3, $0x1  }
0x11e: {  	v5 =	vor.u32 $0x1, v5  }
0x11f: {  	v2 =	vshrl.u32 v2, $0xE  }
0x120: {  	v2 =	vadd.s32 v0, v2;
	[tilespmem:$0x9DE0] =	vst v3  }
0x121: {  	[tilespmem:$0x9CA0] =	vst v2  }
0x122: {  	v2 =	vld.idx.msk [tilespmem:v4+s30+$0x0], $0xffff  }
0x123: {  	v4 =	vld.idx.msk [tilespmem:v5+s30+$0x0], $0xffff;
	_ =	sdelay $0x4  }
0x124: {  	v2 =	vadd.f32 v4, v2;
	_ =	sdelay $0x1  }
0x125: {  	v4 =	vmul.f32 $2.000000030e-01, v2;
	_ =	sdelay $0x1  }
0x126: {  	v2 =	vmax.f32 v2, v4  }
0x127: {  	v2 =	vmul.f32 $1.442695020e+00, v2;
	_ =	sdelay $0x1  }
0x128: {  	(erf) = vpow2.f32 v2;
	_ =	sdelay $0x8  }
0x129: {  	v2 =	vpop (erf)  }
0x12a: {  	[tilespmem:$0x9F30] =	vst v2  }
0x12b: {  	[tilespmem:v3+s4+$0x0] =	vst.idx.add.f32.msk $0xffff, v2  }
0x12c: {  	v2 =	vld [tilespmem:s8+$0x4E90];
	_ =	sdelay $0x4  }
0x12d: {  	v3 =	vand.u32 $0x3FFF, v2;
	v4 =	vshrl.u32 v2, $0xD  }
0x12e: {  	v4 =	vand.u32 $0x7FFFE, v4;
	v5 =	vshll.u32 v3, $0x1  }
0x12f: {  	v5 =	vor.u32 $0x1, v5  }
0x130: {  	v2 =	vshrl.u32 v2, $0xE  }
0x131: {  	v2 =	vadd.s32 v0, v2;
	[tilespmem:$0x9DF0] =	vst v3  }
0x132: {  	[tilespmem:$0x9CB0] =	vst v2  }
0x133: {  	v2 =	vld.idx.msk [tilespmem:v4+s30+$0x0], $0xffff  }
0x134: {  	v4 =	vld.idx.msk [tilespmem:v5+s30+$0x0], $0xffff;
	_ =	sdelay $0x4  }
0x135: {  	v2 =	vadd.f32 v4, v2;
	_ =	sdelay $0x1  }
0x136: {  	v4 =	vmul.f32 $2.000000030e-01, v2;
	_ =	sdelay $0x1  }
0x137: {  	v2 =	vmax.f32 v2, v4  }
0x138: {  	v2 =	vmul.f32 $1.442695020e+00, v2;
	_ =	sdelay $0x1  }
0x139: {  	(erf) = vpow2.f32 v2;
	_ =	sdelay $0x8  }
0x13a: {  	v2 =	vpop (erf)  }
0x13b: {  	[tilespmem:$0x9F40] =	vst v2  }
0x13c: {  	[tilespmem:v3+s4+$0x0] =	vst.idx.add.f32.msk $0xffff, v2  }
0x13d: {  	v2 =	vld [tilespmem:s8+$0x4EA0];
	_ =	sdelay $0x4  }
0x13e: {  	v3 =	vand.u32 $0x3FFF, v2;
	v4 =	vshrl.u32 v2, $0xD  }
0x13f: {  	v4 =	vand.u32 $0x7FFFE, v4;
	v5 =	vshll.u32 v3, $0x1  }
0x140: {  	v5 =	vor.u32 $0x1, v5  }
0x141: {  	v2 =	vshrl.u32 v2, $0xE  }
0x142: {  	v2 =	vadd.s32 v0, v2;
	[tilespmem:$0x9E00] =	vst v3  }
0x143: {  	[tilespmem:$0x9CC0] =	vst v2  }
0x144: {  	v2 =	vld.idx.msk [tilespmem:v4+s30+$0x0], $0xffff  }
0x145: {  	v4 =	vld.idx.msk [tilespmem:v5+s30+$0x0], $0xffff;
	_ =	sdelay $0x4  }
0x146: {  	v2 =	vadd.f32 v4, v2;
	_ =	sdelay $0x1  }
0x147: {  	v4 =	vmul.f32 $2.000000030e-01, v2;
	_ =	sdelay $0x1  }
0x148: {  	v2 =	vmax.f32 v2, v4  }
0x149: {  	v2 =	vmul.f32 $1.442695020e+00, v2;
	_ =	sdelay $0x1  }
0x14a: {  	(erf) = vpow2.f32 v2;
	_ =	sdelay $0x8  }
0x14b: {  	v2 =	vpop (erf)  }
0x14c: {  	[tilespmem:$0x9F50] =	vst v2  }
0x14d: {  	[tilespmem:v3+s4+$0x0] =	vst.idx.add.f32.msk $0xffff, v2  }
0x14e: {  	v2 =	vld [tilespmem:s8+$0x4EB0];
	_ =	sdelay $0x4  }
0x14f: {  	v3 =	vand.u32 $0x3FFF, v2;
	v4 =	vshrl.u32 v2, $0xD  }
0x150: {  	v4 =	vand.u32 $0x7FFFE, v4;
	v5 =	vshll.u32 v3, $0x1  }
0x151: {  	v5 =	vor.u32 $0x1, v5  }
0x152: {  	v2 =	vshrl.u32 v2, $0xE  }
0x153: {  	v2 =	vadd.s32 v0, v2;
	[tilespmem:$0x9E10] =	vst v3  }
0x154: {  	[tilespmem:$0x9CD0] =	vst v2  }
0x155: {  	v2 =	vld.idx.msk [tilespmem:v4+s30+$0x0], $0xffff  }
0x156: {  	v4 =	vld.idx.msk [tilespmem:v5+s30+$0x0], $0xffff;
	_ =	sdelay $0x4  }
0x157: {  	v2 =	vadd.f32 v4, v2;
	_ =	sdelay $0x1  }
0x158: {  	v4 =	vmul.f32 $2.000000030e-01, v2;
	_ =	sdelay $0x1  }
0x159: {  	v2 =	vmax.f32 v2, v4  }
0x15a: {  	v2 =	vmul.f32 $1.442695020e+00, v2;
	_ =	sdelay $0x1  }
0x15b: {  	(erf) = vpow2.f32 v2;
	_ =	sdelay $0x8  }
0x15c: {  	v2 =	vpop (erf)  }
0x15d: {  	[tilespmem:$0x9F60] =	vst v2  }
0x15e: {  	[tilespmem:v3+s4+$0x0] =	vst.idx.add.f32.msk $0xffff, v2  }
0x15f: {  	[tilespmem:s9], [sflag:$0x2] =	stream.indirect.gather [hbm4b:s10+s5], $0x40, s7, s5, $0xb8;
	[tilespmem:$0x1B390] =	vst v63  }
0x160: {  	_ =	swait.ge [sflag:s12], $0x1400  }
0x161: {  	[sflag:s12] =	ssyncset.done $0x0  }
0x162: {  	s0 =	simm.s32 $0xC770;
	[sflag:s12] =	ssyncadd.s32 $0xFFFFEC00  }
0x163: {  	v3 =	vld [tilespmem:s0+$0xFFFFFFF0]  }
0x164: {  	s23 =	simm.s32 $0x0;
	v4 =	vld [tilespmem:s0+$0x10]  }
0x165: {  	v6 =	vld.msk [tilespmem:s23+$0x9EC0 ss:$0x0], $0xffff  }
0x166: {  	v2 =	vld [tilespmem:s0+$0xFFFFFFE0]  }
0x167: {  	v7 =	vld [tilespmem:s0+$0x0];
	_ =	sdelay $0x3  }
0x168: {  	v2 =	vmul.f32 v6, v2;
	v5 =	vmul.f32 v4, v6  }
0x169: {  	s28 =	sshll.u32 s31, $0x2;
	s29 =	simm.s32 $0x4;
	s23 =	simm.s32 $0xC770;
	v4 =	vmul.f32 v3, v6;
	v3 =	vmul.f32 v7, v6  }
.LBB2_7:
0x16a: {  	p3 =	sne.s32 s29, $0x13C  }
0x16b: {  	[tilespmem:s0+$0x10] =	vst v5;
	s23 =	sadd.s32 $0x40, s23;
	s25 =	smov.u32 s29;
	s29 =	sadd.s32 $0x4, s29  }
0x16c: {  	[tilespmem:s0+$0xFFFFFFE0] =	vst v2  }
0x16d: {  	v6 =	vld [tilespmem:s23+$0xFFFFFFF0];
	[tilespmem:s0+$0xFFFFFFF0] =	vst v4  }
0x16e: {  	s25 =	sshra.s32 s25, $0x2;
	v4 =	vld [tilespmem:s23+$0x10];
	[tilespmem:s0+$0x0] =	vst v3;
	s0 =	smov.u32 s23  }
0x16f: {  	v3 =	vld.msk [tilespmem:s25+$0x9EC0 ss:$0x0], $0xffff  }
0x170: {  	v2 =	vld [tilespmem:s23+$0xFFFFFFE0]  }
0x171: {  	v7 =	vld [tilespmem:s23+$0x0]  }
.Ltmp6:
0x172: {  	(pc) =	sbr.rel @p3 .LBB2_7-.Ltmp6, $3  }
0x173: {  	_ =	sdelay $0x1  }
0x174: {  	v5 =	vmul.f32 v4, v3;
	v2 =	vmul.f32 v3, v2  }
0x175: {  	v4 =	vmul.f32 v6, v3;
	v3 =	vmul.f32 v7, v3  }
0x176: {  	[tilespmem:s0+$0x10] =	vst v5  }
0x177: {  	[tilespmem:s0+$0xFFFFFFE0] =	vst v2  }
0x178: {  	[tilespmem:s0+$0xFFFFFFF0] =	vst v4  }
0x179: {  	[tilespmem:s0+$0x0] =	vst v3;
	s0 =	sor.u32 $0x2, s28  }
0x17a: {  	p3 =	sgt.u32 @!p2 s0, $0xF9  }
0x17b: {  	p3 =	por p2, p3  }
.Ltmp7:
0x17c: {  	_ = 	snop;
	(pc) =	sbr.rel @p3 .LBB2_10-.Ltmp7, $2  }
0x17d: {  	_ =	sdelay $0x2  }
0x17e: {  	[spmem:s11] =	stream.indirect.scatter.add.f32 [tilespmem:s3], [sflag:$0x5], $0x40, s13, s5, $0xb8;
	[tilespmem:$0x1B390] =	vst v63  }
0x17f: {  	_ =	swait.ge [sflag:s14], $0x1400  }
0x180: {  	[sflag:s14] =	ssyncset.done $0x0  }
0x181: {  	[sflag:s14] =	ssyncadd.s32 $0xFFFFEC00  }
.LBB2_11:
0x182: {  	s23 =	smul.u32 $0x140, s0;
	_ =	sdelay $0x1  }
0x183: {  	s29 =	sshra.s32 s23, $0x2  }
0x184: {  	v2 =	vld [tilespmem:s29+$0x4E20];
	_ =	sdelay $0x4  }
0x185: {  	v3 =	vand.u32 $0x3FFF, v2;
	v4 =	vshrl.u32 v2, $0xD  }
0x186: {  	v4 =	vand.u32 $0x7FFFE, v4;
	v5 =	vshll.u32 v3, $0x1  }
0x187: {  	v5 =	vor.u32 $0x1, v5  }
0x188: {  	v2 =	vshrl.u32 v2, $0xE  }
0x189: {  	v2 =	vadd.s32 v0, v2;
	[tilespmem:$0x9E20] =	vst v3  }
0x18a: {  	[tilespmem:$0x9CE0] =	vst v2  }
0x18b: {  	v2 =	vld.idx.msk [tilespmem:v4+s1+$0x0], $0xffff  }
0x18c: {  	v51 =	vld.idx.msk [tilespmem:v5+s1+$0x0], $0xffff;
	_ =	sdelay $0x4  }
0x18d: {  	v2 =	vadd.f32 v51, v2;
	_ =	sdelay $0x1  }
0x18e: {  	v4 =	vmul.f32 $2.000000030e-01, v2;
	_ =	sdelay $0x1  }
0x18f: {  	v2 =	vmax.f32 v2, v4  }
0x190: {  	v2 =	vmul.f32 $1.442695020e+00, v2;
	_ =	sdelay $0x1  }
0x191: {  	(erf) = vpow2.f32 v2;
	_ =	sdelay $0x8  }
0x192: {  	v2 =	vpop (erf)  }
0x193: {  	[tilespmem:$0x9F80] =	vst v2  }
0x194: {  	[tilespmem:v3+s4+$0x0] =	vst.idx.add.f32.msk $0xffff, v2  }
0x195: {  	v2 =	vld [tilespmem:s29+$0x4E30];
	_ =	sdelay $0x4  }
0x196: {  	v3 =	vand.u32 $0x3FFF, v2;
	v52 =	vshrl.u32 v2, $0xD  }
0x197: {  	v4 =	vand.u32 $0x7FFFE, v52;
	v53 =	vshll.u32 v3, $0x1  }
0x198: {  	v5 =	vor.u32 $0x1, v53  }
0x199: {  	v2 =	vshrl.u32 v2, $0xE  }
0x19a: {  	v2 =	vadd.s32 v0, v2;
	[tilespmem:$0x9E30] =	vst v3  }
0x19b: {  	[tilespmem:$0x9CF0] =	vst v2  }
0x19c: {  	v2 =	vld.idx.msk [tilespmem:v4+s1+$0x0], $0xffff  }
0x19d: {  	v54 =	vld.idx.msk [tilespmem:v5+s1+$0x0], $0xffff;
	_ =	sdelay $0x4  }
0x19e: {  	v2 =	vadd.f32 v54, v2;
	_ =	sdelay $0x1  }
0x19f: {  	v4 =	vmul.f32 $2.000000030e-01, v2;
	_ =	sdelay $0x1  }
0x1a0: {  	v2 =	vmax.f32 v2, v4  }
0x1a1: {  	v2 =	vmul.f32 $1.442695020e+00, v2;
	_ =	sdelay $0x1  }
0x1a2: {  	(erf) = vpow2.f32 v2;
	_ =	sdelay $0x8  }
0x1a3: {  	v2 =	vpop (erf)  }
0x1a4: {  	[tilespmem:$0x9F90] =	vst v2  }
0x1a5: {  	[tilespmem:v3+s4+$0x0] =	vst.idx.add.f32.msk $0xffff, v2  }
0x1a6: {  	v2 =	vld [tilespmem:s29+$0x4E40];
	_ =	sdelay $0x4  }
0x1a7: {  	v3 =	vand.u32 $0x3FFF, v2;
	v55 =	vshrl.u32 v2, $0xD  }
0x1a8: {  	v4 =	vand.u32 $0x7FFFE, v55;
	v56 =	vshll.u32 v3, $0x1  }
0x1a9: {  	v5 =	vor.u32 $0x1, v56  }
0x1aa: {  	v2 =	vshrl.u32 v2, $0xE  }
0x1ab: {  	v2 =	vadd.s32 v0, v2;
	[tilespmem:$0x9E40] =	vst v3  }
0x1ac: {  	[tilespmem:$0x9D00] =	vst v2  }
0x1ad: {  	v2 =	vld.idx.msk [tilespmem:v4+s1+$0x0], $0xffff  }
0x1ae: {  	v57 =	vld.idx.msk [tilespmem:v5+s1+$0x0], $0xffff;
	_ =	sdelay $0x4  }
0x1af: {  	v2 =	vadd.f32 v57, v2;
	_ =	sdelay $0x1  }
0x1b0: {  	v4 =	vmul.f32 $2.000000030e-01, v2;
	_ =	sdelay $0x1  }
0x1b1: {  	v2 =	vmax.f32 v2, v4  }
0x1b2: {  	v2 =	vmul.f32 $1.442695020e+00, v2;
	_ =	sdelay $0x1  }
0x1b3: {  	(erf) = vpow2.f32 v2;
	_ =	sdelay $0x8  }
0x1b4: {  	v2 =	vpop (erf)  }
0x1b5: {  	[tilespmem:$0x9FA0] =	vst v2  }
0x1b6: {  	[tilespmem:v3+s4+$0x0] =	vst.idx.add.f32.msk $0xffff, v2  }
0x1b7: {  	v2 =	vld [tilespmem:s29+$0x4E50];
	_ =	sdelay $0x4  }
0x1b8: {  	v3 =	vand.u32 $0x3FFF, v2;
	v58 =	vshrl.u32 v2, $0xD  }
0x1b9: {  	v4 =	vand.u32 $0x7FFFE, v58;
	v59 =	vshll.u32 v3, $0x1  }
0x1ba: {  	v5 =	vor.u32 $0x1, v59  }
0x1bb: {  	v2 =	vshrl.u32 v2, $0xE  }
0x1bc: {  	v2 =	vadd.s32 v0, v2;
	[tilespmem:$0x9E50] =	vst v3  }
0x1bd: {  	[tilespmem:$0x9D10] =	vst v2  }
0x1be: {  	v2 =	vld.idx.msk [tilespmem:v4+s1+$0x0], $0xffff  }
0x1bf: {  	v60 =	vld.idx.msk [tilespmem:v5+s1+$0x0], $0xffff;
	_ =	sdelay $0x4  }
0x1c0: {  	v2 =	vadd.f32 v60, v2;
	_ =	sdelay $0x1  }
0x1c1: {  	v4 =	vmul.f32 $2.000000030e-01, v2;
	_ =	sdelay $0x1  }
0x1c2: {  	v2 =	vmax.f32 v2, v4  }
0x1c3: {  	v2 =	vmul.f32 $1.442695020e+00, v2;
	_ =	sdelay $0x1  }
0x1c4: {  	(erf) = vpow2.f32 v2;
	_ =	sdelay $0x8  }
0x1c5: {  	v2 =	vpop (erf)  }
0x1c6: {  	[tilespmem:$0x9FB0] =	vst v2  }
0x1c7: {  	[tilespmem:v3+s4+$0x0] =	vst.idx.add.f32.msk $0xffff, v2  }
0x1c8: {  	v2 =	vld [tilespmem:s29+$0x4E60];
	_ =	sdelay $0x4  }
0x1c9: {  	v3 =	vand.u32 $0x3FFF, v2;
	v61 =	vshrl.u32 v2, $0xD  }
0x1ca: {  	v4 =	vand.u32 $0x7FFFE, v61;
	v62 =	vshll.u32 v3, $0x1  }
0x1cb: {  	v5 =	vor.u32 $0x1, v62  }
0x1cc: {  	v2 =	vshrl.u32 v2, $0xE  }
0x1cd: {  	v2 =	vadd.s32 v0, v2;
	[tilespmem:$0x9E60] =	vst v3  }
0x1ce: {  	[tilespmem:$0x9D20] =	vst v2  }
0x1cf: {  	v2 =	vld.idx.msk [tilespmem:v4+s1+$0x0], $0xffff  }
0x1d0: {  	v63 =	vld.idx.msk [tilespmem:v5+s1+$0x0], $0xffff;
	_ =	sdelay $0x4  }
0x1d1: {  	v2 =	vadd.f32 v63, v2;
	_ =	sdelay $0x1  }
0x1d2: {  	v4 =	vmul.f32 $2.000000030e-01, v2;
	_ =	sdelay $0x1  }
0x1d3: {  	v2 =	vmax.f32 v2, v4  }
0x1d4: {  	v2 =	vmul.f32 $1.442695020e+00, v2;
	_ =	sdelay $0x1  }
0x1d5: {  	(erf) = vpow2.f32 v2;
	_ =	sdelay $0x8  }
0x1d6: {  	v2 =	vpop (erf)  }
0x1d7: {  	[tilespmem:$0x9FC0] =	vst v2  }
0x1d8: {  	[tilespmem:v3+s4+$0x0] =	vst.idx.add.f32.msk $0xffff, v2  }
0x1d9: {  	[tilespmem:s16], [sflag:$0x3] =	stream.indirect.gather [hbm4b:s10+s5], $0x40, s15, s5, $0xb8;
	[tilespmem:$0x1B390] =	vst v63  }
.LBB2_12:
0x1da: {  	_ =	swait.ge [sflag:s17], $0x1400  }
0x1db: {  	[sflag:s17] =	ssyncset.done $0x0  }
0x1dc: {  	s29 =	simm.s32 $0xDB70;
	[sflag:s17] =	ssyncadd.s32 $0xFFFFEC00  }
0x1dd: {  	v2 =	vld [tilespmem:s29+$0xFFFFFFF0]  }
0x1de: {  	s23 =	simm.s32 $0x0;
	v4 =	vld [tilespmem:s29+$0x10]  }
0x1df: {  	v6 =	vld.msk [tilespmem:s23+$0x9F20 ss:$0x0], $0xffff  }
0x1e0: {  	v3 =	vld [tilespmem:s29+$0xFFFFFFE0]  }
0x1e1: {  	v7 =	vld [tilespmem:s29+$0x0];
	_ =	sdelay $0x3  }
0x1e2: {  	v3 =	vmul.f32 v6, v3;
	v5 =	vmul.f32 v4, v6  }
0x1e3: {  	s25 =	simm.s32 $0xDB70;
	s23 =	simm.s32 $0x4;
	v4 =	vmul.f32 v2, v6;
	v2 =	vmul.f32 v7, v6  }
.LBB2_13:
0x1e4: {  	p3 =	sne.s32 s23, $0x13C  }
0x1e5: {  	[tilespmem:s29+$0x10] =	vst v5;
	s25 =	sadd.s32 $0x40, s25;
	s6 =	smov.u32 s23;
	s23 =	sadd.s32 $0x4, s23  }
0x1e6: {  	[tilespmem:s29+$0xFFFFFFE0] =	vst v3  }
0x1e7: {  	v6 =	vld [tilespmem:s25+$0xFFFFFFF0];
	[tilespmem:s29+$0xFFFFFFF0] =	vst v4  }
0x1e8: {  	s6 =	sshra.s32 s6, $0x2;
	v4 =	vld [tilespmem:s25+$0x10];
	[tilespmem:s29+$0x0] =	vst v2;
	s29 =	smov.u32 s25  }
0x1e9: {  	v2 =	vld.msk [tilespmem:s6+$0x9F20 ss:$0x0], $0xffff  }
0x1ea: {  	v3 =	vld [tilespmem:s25+$0xFFFFFFE0]  }
0x1eb: {  	v7 =	vld [tilespmem:s25+$0x0]  }
.Ltmp8:
0x1ec: {  	(pc) =	sbr.rel @p3 .LBB2_13-.Ltmp8, $3  }
0x1ed: {  	_ =	sdelay $0x1  }
0x1ee: {  	v5 =	vmul.f32 v4, v2;
	v3 =	vmul.f32 v2, v3  }
0x1ef: {  	v4 =	vmul.f32 v6, v2;
	v2 =	vmul.f32 v7, v2  }
0x1f0: {  	s28 =	sor.u32 $0x3, s28  }
0x1f1: {  	p3 =	sgt.u32 @!p2 s28, $0xF9  }
0x1f2: {  	p2 =	por p2, p3  }
.Ltmp9:
0x1f3: {  	[tilespmem:s29+$0x10] =	vst v5;
	(pc) =	sbr.rel @p2 .LBB2_16-.Ltmp9, $4  }
0x1f4: {  	[tilespmem:s29+$0xFFFFFFE0] =	vst v3  }
0x1f5: {  	[tilespmem:s29+$0xFFFFFFF0] =	vst v4  }
0x1f6: {  	[tilespmem:s29+$0x0] =	vst v2  }
0x1f7: {  	[spmem:s11] =	stream.indirect.scatter.add.f32 [tilespmem:s9], [sflag:$0x6], $0x40, s18, s5, $0xb8;
	[tilespmem:$0x1B390] =	vst v63  }
0x1f8: {  	_ =	swait.ge [sflag:s19], $0x1400  }
0x1f9: {  	[sflag:s19] =	ssyncset.done $0x0  }
0x1fa: {  	[sflag:s19] =	ssyncadd.s32 $0xFFFFEC00  }
.LBB2_17:
0x1fb: {  	s6 =	smul.u32 $0x140, s28;
	_ =	sdelay $0x1  }
0x1fc: {  	s29 =	sshra.s32 s6, $0x2  }
0x1fd: {  	v2 =	vld [tilespmem:s29+$0x4E20];
	_ =	sdelay $0x4  }
0x1fe: {  	v3 =	vand.u32 $0x3FFF, v2;
	v4 =	vshrl.u32 v2, $0xD  }
0x1ff: {  	v4 =	vand.u32 $0x7FFFE, v4;
	v5 =	vshll.u32 v3, $0x1  }
0x200: {  	v5 =	vor.u32 $0x1, v5  }
0x201: {  	v2 =	vshrl.u32 v2, $0xE  }
0x202: {  	v2 =	vadd.s32 v0, v2;
	[tilespmem:$0x9E70] =	vst v3  }
0x203: {  	[tilespmem:$0x9D30] =	vst v2  }
0x204: {  	v2 =	vld.idx.msk [tilespmem:v4+s1+$0x0], $0xffff  }
0x205: {  	v51 =	vld.idx.msk [tilespmem:v5+s1+$0x0], $0xffff;
	_ =	sdelay $0x4  }
0x206: {  	v2 =	vadd.f32 v51, v2;
	_ =	sdelay $0x1  }
0x207: {  	v4 =	vmul.f32 $2.000000030e-01, v2;
	_ =	sdelay $0x1  }
0x208: {  	v2 =	vmax.f32 v2, v4  }
0x209: {  	v2 =	vmul.f32 $1.442695020e+00, v2;
	_ =	sdelay $0x1  }
0x20a: {  	(erf) = vpow2.f32 v2;
	_ =	sdelay $0x8  }
0x20b: {  	v2 =	vpop (erf)  }
0x20c: {  	[tilespmem:$0x9FE0] =	vst v2  }
0x20d: {  	[tilespmem:v3+s4+$0x0] =	vst.idx.add.f32.msk $0xffff, v2  }
0x20e: {  	v2 =	vld [tilespmem:s29+$0x4E30];
	_ =	sdelay $0x4  }
0x20f: {  	v3 =	vand.u32 $0x3FFF, v2;
	v52 =	vshrl.u32 v2, $0xD  }
0x210: {  	v4 =	vand.u32 $0x7FFFE, v52;
	v53 =	vshll.u32 v3, $0x1  }
0x211: {  	v5 =	vor.u32 $0x1, v53  }
0x212: {  	v2 =	vshrl.u32 v2, $0xE  }
0x213: {  	v2 =	vadd.s32 v0, v2;
	[tilespmem:$0x9E80] =	vst v3  }
0x214: {  	[tilespmem:$0x9D40] =	vst v2  }
0x215: {  	v2 =	vld.idx.msk [tilespmem:v4+s1+$0x0], $0xffff  }
0x216: {  	v54 =	vld.idx.msk [tilespmem:v5+s1+$0x0], $0xffff;
	_ =	sdelay $0x4  }
0x217: {  	v2 =	vadd.f32 v54, v2;
	_ =	sdelay $0x1  }
0x218: {  	v4 =	vmul.f32 $2.000000030e-01, v2;
	_ =	sdelay $0x1  }
0x219: {  	v2 =	vmax.f32 v2, v4  }
0x21a: {  	v2 =	vmul.f32 $1.442695020e+00, v2;
	_ =	sdelay $0x1  }
0x21b: {  	(erf) = vpow2.f32 v2;
	_ =	sdelay $0x8  }
0x21c: {  	v2 =	vpop (erf)  }
0x21d: {  	[tilespmem:$0x9FF0] =	vst v2  }
0x21e: {  	[tilespmem:v3+s4+$0x0] =	vst.idx.add.f32.msk $0xffff, v2  }
0x21f: {  	v2 =	vld [tilespmem:s29+$0x4E40];
	_ =	sdelay $0x4  }
0x220: {  	v3 =	vand.u32 $0x3FFF, v2;
	v55 =	vshrl.u32 v2, $0xD  }
0x221: {  	v4 =	vand.u32 $0x7FFFE, v55;
	v56 =	vshll.u32 v3, $0x1  }
0x222: {  	v5 =	vor.u32 $0x1, v56  }
0x223: {  	v2 =	vshrl.u32 v2, $0xE  }
0x224: {  	v2 =	vadd.s32 v0, v2;
	[tilespmem:$0x9E90] =	vst v3  }
0x225: {  	[tilespmem:$0x9D50] =	vst v2  }
0x226: {  	v2 =	vld.idx.msk [tilespmem:v4+s1+$0x0], $0xffff  }
0x227: {  	v57 =	vld.idx.msk [tilespmem:v5+s1+$0x0], $0xffff;
	_ =	sdelay $0x4  }
0x228: {  	v2 =	vadd.f32 v57, v2;
	_ =	sdelay $0x1  }
0x229: {  	v4 =	vmul.f32 $2.000000030e-01, v2;
	_ =	sdelay $0x1  }
0x22a: {  	v2 =	vmax.f32 v2, v4  }
0x22b: {  	v2 =	vmul.f32 $1.442695020e+00, v2;
	_ =	sdelay $0x1  }
0x22c: {  	(erf) = vpow2.f32 v2;
	_ =	sdelay $0x8  }
0x22d: {  	v2 =	vpop (erf)  }
0x22e: {  	[tilespmem:$0xA000] =	vst v2  }
0x22f: {  	[tilespmem:v3+s4+$0x0] =	vst.idx.add.f32.msk $0xffff, v2  }
0x230: {  	v2 =	vld [tilespmem:s29+$0x4E50];
	_ =	sdelay $0x4  }
0x231: {  	v3 =	vand.u32 $0x3FFF, v2;
	v58 =	vshrl.u32 v2, $0xD  }
0x232: {  	v4 =	vand.u32 $0x7FFFE, v58;
	v59 =	vshll.u32 v3, $0x1  }
0x233: {  	v5 =	vor.u32 $0x1, v59  }
0x234: {  	v2 =	vshrl.u32 v2, $0xE  }
0x235: {  	v2 =	vadd.s32 v0, v2;
	[tilespmem:$0x9EA0] =	vst v3  }
0x236: {  	[tilespmem:$0x9D60] =	vst v2  }
0x237: {  	v2 =	vld.idx.msk [tilespmem:v4+s1+$0x0], $0xffff  }
0x238: {  	v60 =	vld.idx.msk [tilespmem:v5+s1+$0x0], $0xffff;
	_ =	sdelay $0x4  }
0x239: {  	v2 =	vadd.f32 v60, v2;
	_ =	sdelay $0x1  }
0x23a: {  	v4 =	vmul.f32 $2.000000030e-01, v2;
	_ =	sdelay $0x1  }
0x23b: {  	v2 =	vmax.f32 v2, v4  }
0x23c: {  	v2 =	vmul.f32 $1.442695020e+00, v2;
	_ =	sdelay $0x1  }
0x23d: {  	(erf) = vpow2.f32 v2;
	_ =	sdelay $0x8  }
0x23e: {  	v2 =	vpop (erf)  }
0x23f: {  	[tilespmem:$0xA010] =	vst v2  }
0x240: {  	[tilespmem:v3+s4+$0x0] =	vst.idx.add.f32.msk $0xffff, v2  }
0x241: {  	v2 =	vld [tilespmem:s29+$0x4E60];
	_ =	sdelay $0x4  }
0x242: {  	v3 =	vand.u32 $0x3FFF, v2;
	v61 =	vshrl.u32 v2, $0xD  }
0x243: {  	v4 =	vand.u32 $0x7FFFE, v61;
	v62 =	vshll.u32 v3, $0x1  }
0x244: {  	v5 =	vor.u32 $0x1, v62  }
0x245: {  	v2 =	vshrl.u32 v2, $0xE  }
0x246: {  	v2 =	vadd.s32 v0, v2;
	[tilespmem:$0x9EB0] =	vst v3  }
0x247: {  	[tilespmem:$0x9D70] =	vst v2  }
0x248: {  	v2 =	vld.idx.msk [tilespmem:v4+s1+$0x0], $0xffff  }
0x249: {  	v63 =	vld.idx.msk [tilespmem:v5+s1+$0x0], $0xffff;
	_ =	sdelay $0x4  }
0x24a: {  	v2 =	vadd.f32 v63, v2;
	_ =	sdelay $0x1  }
0x24b: {  	v4 =	vmul.f32 $2.000000030e-01, v2;
	_ =	sdelay $0x1  }
0x24c: {  	v2 =	vmax.f32 v2, v4  }
0x24d: {  	v2 =	vmul.f32 $1.442695020e+00, v2;
	_ =	sdelay $0x1  }
0x24e: {  	(erf) = vpow2.f32 v2;
	_ =	sdelay $0x8  }
0x24f: {  	v2 =	vpop (erf)  }
0x250: {  	[tilespmem:$0xA020] =	vst v2  }
0x251: {  	[tilespmem:v3+s4+$0x0] =	vst.idx.add.f32.msk $0xffff, v2  }
0x252: {  	[tilespmem:s21], [sflag:$0x4] =	stream.indirect.gather [hbm4b:s10+s5], $0x40, s20, s5, $0xb8;
	[tilespmem:$0x1B390] =	vst v63  }
.LBB2_18:
0x253: {  	p2 =	sgt.u32 s0, $0xF9  }
.Ltmp10:
0x254: {  	_ = 	snop;
	(pc) =	sbr.rel @p2 .LBB2_22-.Ltmp10, $1  }
0x255: {  	_ =	sdelay $0x3  }
0x256: {  	_ =	swait.ge [sflag:s22], $0x1400  }
0x257: {  	[sflag:s22] =	ssyncset.done $0x0  }
0x258: {  	s0 =	simm.s32 $0xEF70;
	[sflag:s22] =	ssyncadd.s32 $0xFFFFEC00  }
0x259: {  	v2 =	vld [tilespmem:s0+$0xFFFFFFF0]  }
0x25a: {  	s6 =	simm.s32 $0x0;
	v4 =	vld [tilespmem:s0+$0x10]  }
0x25b: {  	v6 =	vld.msk [tilespmem:s6+$0x9F80 ss:$0x0], $0xffff  }
0x25c: {  	v3 =	vld [tilespmem:s0+$0xFFFFFFE0]  }
0x25d: {  	v7 =	vld [tilespmem:s0+$0x0];
	_ =	sdelay $0x3  }
0x25e: {  	v3 =	vmul.f32 v6, v3;
	v5 =	vmul.f32 v4, v6  }
0x25f: {  	s23 =	simm.s32 $0x4;
	s25 =	simm.s32 $0xEF70;
	v4 =	vmul.f32 v2, v6;
	v2 =	vmul.f32 v7, v6  }
.LBB2_20:
0x260: {  	p2 =	sne.s32 s23, $0x13C  }
0x261: {  	[tilespmem:s0+$0x10] =	vst v5;
	s25 =	sadd.s32 $0x40, s25;
	s6 =	smov.u32 s23;
	s23 =	sadd.s32 $0x4, s23  }
0x262: {  	[tilespmem:s0+$0xFFFFFFE0] =	vst v3  }
0x263: {  	v6 =	vld [tilespmem:s25+$0xFFFFFFF0];
	[tilespmem:s0+$0xFFFFFFF0] =	vst v4  }
0x264: {  	s6 =	sshra.s32 s6, $0x2;
	v4 =	vld [tilespmem:s25+$0x10];
	[tilespmem:s0+$0x0] =	vst v2;
	s0 =	smov.u32 s25  }
0x265: {  	v2 =	vld.msk [tilespmem:s6+$0x9F80 ss:$0x0], $0xffff  }
0x266: {  	v3 =	vld [tilespmem:s25+$0xFFFFFFE0]  }
0x267: {  	v7 =	vld [tilespmem:s25+$0x0]  }
.Ltmp11:
0x268: {  	(pc) =	sbr.rel @p2 .LBB2_20-.Ltmp11, $3  }
0x269: {  	_ =	sdelay $0x1  }
0x26a: {  	v5 =	vmul.f32 v4, v2;
	v3 =	vmul.f32 v2, v3  }
0x26b: {  	v4 =	vmul.f32 v6, v2;
	v2 =	vmul.f32 v7, v2  }
0x26c: {  	[tilespmem:s0+$0x10] =	vst v5  }
0x26d: {  	[tilespmem:s0+$0xFFFFFFE0] =	vst v3  }
0x26e: {  	[tilespmem:s0+$0xFFFFFFF0] =	vst v4  }
0x26f: {  	s29 =	simm.s32 $0x9E20;
	[tilespmem:s0+$0x0] =	vst v2  }
0x270: {  	[spmem:s11] =	stream.indirect.scatter.add.f32 [tilespmem:s16], [sflag:$0x7], $0x40, s29, s5, $0xb8;
	[tilespmem:$0x1B390] =	vst v63  }
.LBB2_22:
0x271: {  	p2 =	seq.s32 s31, $0x3E  }
.Ltmp12:
0x272: {  	_ = 	snop;
	(pc) =	sbr.rel @p2 .LBB2_24-.Ltmp12, $1  }
0x273: {  	_ =	sdelay $0x3  }
0x274: {  	_ =	swait.ge [sflag:s26], $0x1400  }
0x275: {  	[sflag:s26] =	ssyncset.done $0x0  }
0x276: {  	[sflag:s26] =	ssyncadd.s32 $0xFFFFEC00  }
0x277: {  	v2 =	vld [tilespmem:s8+$0x4F60];
	_ =	sdelay $0x4  }
0x278: {  	v3 =	vand.u32 $0x3FFF, v2;
	v4 =	vshrl.u32 v2, $0xD  }
0x279: {  	v4 =	vand.u32 $0x7FFFE, v4;
	v5 =	vshll.u32 v3, $0x1  }
0x27a: {  	v5 =	vor.u32 $0x1, v5  }
0x27b: {  	v2 =	vshrl.u32 v2, $0xE  }
0x27c: {  	v2 =	vadd.s32 v0, v2;
	[tilespmem:$0x9D80] =	vst v3  }
0x27d: {  	[tilespmem:$0x9C40] =	vst v2  }
0x27e: {  	v2 =	vld.idx.msk [tilespmem:v4+s1+$0x0], $0xffff  }
0x27f: {  	v51 =	vld.idx.msk [tilespmem:v5+s1+$0x0], $0xffff;
	_ =	sdelay $0x4  }
0x280: {  	v2 =	vadd.f32 v51, v2;
	_ =	sdelay $0x1  }
0x281: {  	v4 =	vmul.f32 $2.000000030e-01, v2;
	_ =	sdelay $0x1  }
0x282: {  	v2 =	vmax.f32 v2, v4  }
0x283: {  	v2 =	vmul.f32 $1.442695020e+00, v2;
	_ =	sdelay $0x1  }
0x284: {  	(erf) = vpow2.f32 v2;
	_ =	sdelay $0x8  }
0x285: {  	v2 =	vpop (erf)  }
0x286: {  	[tilespmem:$0x9EC0] =	vst v2  }
0x287: {  	[tilespmem:v3+s4+$0x0] =	vst.idx.add.f32.msk $0xffff, v2  }
0x288: {  	v2 =	vld [tilespmem:s8+$0x4F70];
	_ =	sdelay $0x4  }
0x289: {  	v3 =	vand.u32 $0x3FFF, v2;
	v52 =	vshrl.u32 v2, $0xD  }
0x28a: {  	v4 =	vand.u32 $0x7FFFE, v52;
	v53 =	vshll.u32 v3, $0x1  }
0x28b: {  	v5 =	vor.u32 $0x1, v53  }
0x28c: {  	v2 =	vshrl.u32 v2, $0xE  }
0x28d: {  	v2 =	vadd.s32 v0, v2;
	[tilespmem:$0x9D90] =	vst v3  }
0x28e: {  	[tilespmem:$0x9C50] =	vst v2  }
0x28f: {  	v2 =	vld.idx.msk [tilespmem:v4+s1+$0x0], $0xffff  }
0x290: {  	v54 =	vld.idx.msk [tilespmem:v5+s1+$0x0], $0xffff;
	_ =	sdelay $0x4  }
0x291: {  	v2 =	vadd.f32 v54, v2;
	_ =	sdelay $0x1  }
0x292: {  	v4 =	vmul.f32 $2.000000030e-01, v2;
	_ =	sdelay $0x1  }
0x293: {  	v2 =	vmax.f32 v2, v4  }
0x294: {  	v2 =	vmul.f32 $1.442695020e+00, v2;
	_ =	sdelay $0x1  }
0x295: {  	(erf) = vpow2.f32 v2;
	_ =	sdelay $0x8  }
0x296: {  	v2 =	vpop (erf)  }
0x297: {  	[tilespmem:$0x9ED0] =	vst v2  }
0x298: {  	[tilespmem:v3+s4+$0x0] =	vst.idx.add.f32.msk $0xffff, v2  }
0x299: {  	v2 =	vld [tilespmem:s8+$0x4F80];
	_ =	sdelay $0x4  }
0x29a: {  	v3 =	vand.u32 $0x3FFF, v2;
	v55 =	vshrl.u32 v2, $0xD  }
0x29b: {  	v4 =	vand.u32 $0x7FFFE, v55;
	v56 =	vshll.u32 v3, $0x1  }
0x29c: {  	v5 =	vor.u32 $0x1, v56  }
0x29d: {  	v2 =	vshrl.u32 v2, $0xE  }
0x29e: {  	v2 =	vadd.s32 v0, v2;
	[tilespmem:$0x9DA0] =	vst v3  }
0x29f: {  	[tilespmem:$0x9C60] =	vst v2  }
0x2a0: {  	v2 =	vld.idx.msk [tilespmem:v4+s1+$0x0], $0xffff  }
0x2a1: {  	v57 =	vld.idx.msk [tilespmem:v5+s1+$0x0], $0xffff;
	_ =	sdelay $0x4  }
0x2a2: {  	v2 =	vadd.f32 v57, v2;
	_ =	sdelay $0x1  }
0x2a3: {  	v4 =	vmul.f32 $2.000000030e-01, v2;
	_ =	sdelay $0x1  }
0x2a4: {  	v2 =	vmax.f32 v2, v4  }
0x2a5: {  	v2 =	vmul.f32 $1.442695020e+00, v2;
	_ =	sdelay $0x1  }
0x2a6: {  	(erf) = vpow2.f32 v2;
	_ =	sdelay $0x8  }
0x2a7: {  	v2 =	vpop (erf)  }
0x2a8: {  	[tilespmem:$0x9EE0] =	vst v2  }
0x2a9: {  	[tilespmem:v3+s4+$0x0] =	vst.idx.add.f32.msk $0xffff, v2  }
0x2aa: {  	v2 =	vld [tilespmem:s8+$0x4F90];
	_ =	sdelay $0x4  }
0x2ab: {  	v3 =	vand.u32 $0x3FFF, v2;
	v58 =	vshrl.u32 v2, $0xD  }
0x2ac: {  	v4 =	vand.u32 $0x7FFFE, v58;
	v59 =	vshll.u32 v3, $0x1  }
0x2ad: {  	v5 =	vor.u32 $0x1, v59  }
0x2ae: {  	v2 =	vshrl.u32 v2, $0xE  }
0x2af: {  	v2 =	vadd.s32 v0, v2;
	[tilespmem:$0x9DB0] =	vst v3  }
0x2b0: {  	[tilespmem:$0x9C70] =	vst v2  }
0x2b1: {  	v2 =	vld.idx.msk [tilespmem:v4+s1+$0x0], $0xffff  }
0x2b2: {  	v60 =	vld.idx.msk [tilespmem:v5+s1+$0x0], $0xffff;
	_ =	sdelay $0x4  }
0x2b3: {  	v2 =	vadd.f32 v60, v2;
	_ =	sdelay $0x1  }
0x2b4: {  	v4 =	vmul.f32 $2.000000030e-01, v2;
	_ =	sdelay $0x1  }
0x2b5: {  	v2 =	vmax.f32 v2, v4  }
0x2b6: {  	v2 =	vmul.f32 $1.442695020e+00, v2;
	_ =	sdelay $0x1  }
0x2b7: {  	(erf) = vpow2.f32 v2;
	_ =	sdelay $0x8  }
0x2b8: {  	v2 =	vpop (erf)  }
0x2b9: {  	[tilespmem:$0x9EF0] =	vst v2  }
0x2ba: {  	[tilespmem:v3+s4+$0x0] =	vst.idx.add.f32.msk $0xffff, v2  }
0x2bb: {  	v2 =	vld [tilespmem:s8+$0x4FA0];
	_ =	sdelay $0x4  }
0x2bc: {  	v3 =	vand.u32 $0x3FFF, v2;
	v61 =	vshrl.u32 v2, $0xD  }
0x2bd: {  	v4 =	vand.u32 $0x7FFFE, v61;
	v62 =	vshll.u32 v3, $0x1  }
0x2be: {  	v5 =	vor.u32 $0x1, v62  }
0x2bf: {  	v2 =	vshrl.u32 v2, $0xE  }
0x2c0: {  	v2 =	vadd.s32 v0, v2;
	[tilespmem:$0x9DC0] =	vst v3  }
0x2c1: {  	[tilespmem:$0x9C80] =	vst v2  }
0x2c2: {  	v2 =	vld.idx.msk [tilespmem:v4+s1+$0x0], $0xffff  }
0x2c3: {  	v63 =	vld.idx.msk [tilespmem:v5+s1+$0x0], $0xffff;
	_ =	sdelay $0x4  }
0x2c4: {  	v2 =	vadd.f32 v63, v2;
	_ =	sdelay $0x1  }
0x2c5: {  	v4 =	vmul.f32 $2.000000030e-01, v2;
	_ =	sdelay $0x1  }
0x2c6: {  	v2 =	vmax.f32 v2, v4  }
0x2c7: {  	v2 =	vmul.f32 $1.442695020e+00, v2;
	_ =	sdelay $0x1  }
0x2c8: {  	(erf) = vpow2.f32 v2;
	_ =	sdelay $0x8  }
0x2c9: {  	v2 =	vpop (erf)  }
0x2ca: {  	[tilespmem:$0x9F00] =	vst v2  }
0x2cb: {  	s0 =	simm.s32 $0x9C40;
	[tilespmem:v3+s4+$0x0] =	vst.idx.add.f32.msk $0xffff, v2  }
0x2cc: {  	[tilespmem:s3], [sflag:$0x1] =	stream.indirect.gather [hbm4b:s10+s5], $0x40, s0, s5, $0xb8;
	[tilespmem:$0x1B390] =	vst v63  }
.LBB2_24:
0x2cd: {  	p2 =	sgt.u32 s28, $0xF9  }
.Ltmp13:
0x2ce: {  	_ = 	snop;
	(pc) =	sbr.rel @p2 .LBB2_28-.Ltmp13, $1  }
0x2cf: {  	_ =	sdelay $0x3  }
0x2d0: {  	_ =	swait.ge [sflag:s24], $0x1400  }
0x2d1: {  	[sflag:s24] =	ssyncset.done $0x0  }
0x2d2: {  	s0 =	simm.s32 $0x10370;
	[sflag:s24] =	ssyncadd.s32 $0xFFFFEC00  }
0x2d3: {  	v2 =	vld [tilespmem:s0+$0xFFFFFFF0]  }
0x2d4: {  	s6 =	simm.s32 $0x0;
	v4 =	vld [tilespmem:s0+$0x10]  }
0x2d5: {  	v6 =	vld.msk [tilespmem:s6+$0x9FE0 ss:$0x0], $0xffff  }
0x2d6: {  	v3 =	vld [tilespmem:s0+$0xFFFFFFE0]  }
0x2d7: {  	v7 =	vld [tilespmem:s0+$0x0];
	_ =	sdelay $0x3  }
0x2d8: {  	v3 =	vmul.f32 v6, v3;
	v5 =	vmul.f32 v4, v6  }
0x2d9: {  	s8 =	simm.s32 $0x4;
	s23 =	simm.s32 $0x10370;
	v4 =	vmul.f32 v2, v6;
	v2 =	vmul.f32 v7, v6  }
.LBB2_26:
0x2da: {  	p2 =	sne.s32 s8, $0x13C  }
0x2db: {  	[tilespmem:s0+$0x10] =	vst v5;
	s23 =	sadd.s32 $0x40, s23;
	s6 =	smov.u32 s8;
	s8 =	sadd.s32 $0x4, s8  }
0x2dc: {  	[tilespmem:s0+$0xFFFFFFE0] =	vst v3  }
0x2dd: {  	v6 =	vld [tilespmem:s23+$0xFFFFFFF0];
	[tilespmem:s0+$0xFFFFFFF0] =	vst v4  }
0x2de: {  	s6 =	sshra.s32 s6, $0x2;
	v4 =	vld [tilespmem:s23+$0x10];
	[tilespmem:s0+$0x0] =	vst v2;
	s0 =	smov.u32 s23  }
0x2df: {  	v2 =	vld.msk [tilespmem:s6+$0x9FE0 ss:$0x0], $0xffff  }
0x2e0: {  	v3 =	vld [tilespmem:s23+$0xFFFFFFE0]  }
0x2e1: {  	v7 =	vld [tilespmem:s23+$0x0]  }
.Ltmp14:
0x2e2: {  	(pc) =	sbr.rel @p2 .LBB2_26-.Ltmp14, $3  }
0x2e3: {  	_ =	sdelay $0x1  }
0x2e4: {  	v5 =	vmul.f32 v4, v2;
	v3 =	vmul.f32 v2, v3  }
0x2e5: {  	v4 =	vmul.f32 v6, v2;
	v2 =	vmul.f32 v7, v2  }
.Ltmp15:
0x2e6: {  	[tilespmem:s0+$0x10] =	vst v5;
	(pc) =	sbr.rel .LBB2_28-.Ltmp15, $4  }
0x2e7: {  	[tilespmem:s0+$0xFFFFFFE0] =	vst v3  }
0x2e8: {  	[tilespmem:s0+$0xFFFFFFF0] =	vst v4  }
0x2e9: {  	s29 =	simm.s32 $0x9E70;
	[tilespmem:s0+$0x0] =	vst v2  }
0x2ea: {  	[spmem:s11] =	stream.indirect.scatter.add.f32 [tilespmem:s21], [sflag:$0x8], $0x40, s29, s5, $0xb8;
	[tilespmem:$0x1B390] =	vst v63  }
.LBB2_10:
0x2eb: {  	p3 =	sgt.u32 s0, $0xF9  }
.Ltmp16:
0x2ec: {  	_ = 	snop;
	(pc) =	sbr.rel @p3 .LBB2_12-.Ltmp16, $4  }
.Ltmp17:
0x2ed: {  	_ = 	snop;
	(pc) =	sbr.rel @!p3 .LBB2_11-.Ltmp17, $4  }
0x2ee: {  	_ = 	snop  }
0x2ef: {  	_ = 	snop  }
0x2f0: {  	_ = 	snop  }
0x2f1: {  	_ = 	snop  }
.LBB2_16:
0x2f2: {  	p2 =	sgt.u32 s28, $0xF9  }
.Ltmp18:
0x2f3: {  	_ = 	snop;
	(pc) =	sbr.rel @p2 .LBB2_18-.Ltmp18, $4  }
.Ltmp19:
0x2f4: {  	_ = 	snop;
	(pc) =	sbr.rel @!p2 .LBB2_17-.Ltmp19, $4  }
0x2f5: {  	_ = 	snop  }
0x2f6: {  	_ = 	snop  }
0x2f7: {  	_ = 	snop  }
0x2f8: {  	_ = 	snop  }
.LBB2_30:
0x2f9: {  	_ =	sfence.sel $0x180000  }
0x2fa: {  	[bflag:$0x0] =	sbarrier.arrive $0xFFFF  }
0x2fb: {  	_ =	strace $0x90000047  }
0x2fc: {  	s0 =	stileid.u32;
	[bflag:$0x2] =	sbarrier.arrive $0xFFFF  }
0x2fd: {  	p0 =	sne.s32 s0, $0x0;
	s0 =	rddreg [dreg:$0x3]  }
0x2fe: {  	s0 =	sadd.s32 @!p0 $0x100000, s0  }
0x2ff: {  	[sflag:s0] =	ssyncadd.tile.s32 @!p0 $0x1;
	_ =	shalt  }
.Lfunc_end2:
_tile_overlayer_lowered:
.L_overlay_start_2:
0x300: {  	(tag) =	ssettag $0x2  }
0x301: {  	s0 =	rddreg [dreg:$0x0];
	s2 =	stileid.u32  }
0x302: {  	s1 =	rddreg [dreg:$0x1];
	p0 =	sne.s32 s2, $0x0  }
0x303: {  	s3 =	rddreg [dreg:$0x2];
	[bflag:$0x3] =	sbarrier.arrive $0xFFFF;
	s2 =	simm.s32 @!p0 $0x1C09  }
0x304: {  	[timem:s3], [sflag:s2] =	dma.local @!p0 [hbm:s0], s1  }
0x305: {  	s0 =	simm.s32 @!p0 $0x9  }
0x306: {  	_ =	swait.ge @!p0 [sflag:s0], s1  }
0x307: {  	s1 =	ssub.s32 @!p0 $0x0, s1;
	[sflag:s0] =	ssyncset.done @!p0 $0x0  }
0x308: {  	[sflag:s0] =	ssyncadd.s32 @!p0 s1  }
0x309: {  	[bflag:$0x3] =	sbarrier.arrive $0xFFFF  }
0x30a: {  	_ =	shalt  }

</sc_bundles>
